<compile_context>
chip_gen: v7x
topology: tpu7x:2x2x1
jax: 0.10.2.dev20260603
libtpu: 0.0.44.dev20260713+nightly
codegen_flags: <defaults>
</compile_context>

<pallas_src>
import functools

import jax
import jax.numpy as jnp
from jax import lax
from jax.experimental import pallas as pl
from jax.experimental.pallas import tpu as pltpu
from jax.experimental.pallas import tpu_sc as plsc

N = 10000
E = 320000
D = 128

NC = 2
NS = 16
NW = NC * NS
CH = 128

NP = 10240
ROWS_PER_TILE = NP // NS
KT = 80
NCHUNKS = KT * NW
E_PAD = NCHUNKS * CH
NBUF = 4
LAG = NBUF // 2


def _mesh():
    return plsc.VectorSubcoreMesh(core_axis_name="c", subcore_axis_name="s")


def _sc_params():
    return pltpu.CompilerParams(use_tc_tiling_on_sc=False)


def _deg_call(dstc, zeros1d, ones1d):

    @functools.partial(
        pl.kernel,
        out_type=jax.ShapeDtypeStruct((NC, NP), jnp.float32),
        mesh=_mesh(),
        scratch_types=[
            pltpu.VMEM((KT, CH), jnp.int32),
            pltpu.VMEM((CH,), jnp.float32),
            pltpu.VMEM_SHARED((NP,), jnp.float32),
        ],
        compiler_params=_sc_params(),
    )
    def k(dst_hbm, z_hbm, ones_hbm, out_hbm, dst_v, ones_v, acc):
        c = lax.axis_index("c")
        s = lax.axis_index("s")
        wid = c * NS + s
        r0 = s * ROWS_PER_TILE
        pltpu.sync_copy(z_hbm.at[pl.ds(r0, ROWS_PER_TILE)],
                        acc.at[pl.ds(r0, ROWS_PER_TILE)])
        pltpu.sync_copy(dst_hbm.at[pl.ds(wid * KT, KT)], dst_v)
        pltpu.sync_copy(ones_hbm, ones_v)
        plsc.subcore_barrier()

        def body(j, carry):
            pltpu.sync_copy(ones_v, acc.at[dst_v.at[j]], add=True)
            return carry

        lax.fori_loop(0, KT, body, 0)
        plsc.subcore_barrier()
        pltpu.sync_copy(acc.at[pl.ds(r0, ROWS_PER_TILE)],
                        out_hbm.at[c, pl.ds(r0, ROWS_PER_TILE)])

    return k(dstc, zeros1d, ones1d)


def _prop_impl(y, srcc, dstc, zeros2d, hh, dt=jnp.float32):

    @functools.partial(
        pl.kernel,
        out_type=jax.ShapeDtypeStruct((NC, NP, hh), dt),
        mesh=_mesh(),
        scratch_types=(
            [pltpu.VMEM_SHARED((NP, hh), dt),
             pltpu.VMEM((KT, CH), jnp.int32),
             pltpu.VMEM((KT, CH), jnp.int32)]
            + [pltpu.VMEM((CH, hh), dt) for _ in range(NBUF)]
            + [pltpu.SemaphoreType.DMA for _ in range(NBUF)]
            + [pltpu.SemaphoreType.DMA for _ in range(NBUF)]
        ),
        compiler_params=_sc_params(),
    )
    def k(y_hbm, src_hbm, dst_hbm, z_hbm, out_hbm, acc, src_v, dst_v, *rest):
        rows = rest[:NBUF]
        semg = rest[NBUF:2 * NBUF]
        sems = rest[2 * NBUF:]
        c = lax.axis_index("c")
        s = lax.axis_index("s")
        wid = c * NS + s
        r0 = s * ROWS_PER_TILE
        pltpu.sync_copy(z_hbm.at[pl.ds(r0, ROWS_PER_TILE)],
                        acc.at[pl.ds(r0, ROWS_PER_TILE)])
        pltpu.sync_copy(src_hbm.at[pl.ds(wid * KT, KT)], src_v)
        pltpu.sync_copy(dst_hbm.at[pl.ds(wid * KT, KT)], dst_v)
        plsc.subcore_barrier()

        def gather(j, b):
            pltpu.async_copy(y_hbm.at[src_v.at[j]], rows[b], semg[b])

        def wait_gather(j, b):
            pltpu.make_async_copy(y_hbm.at[src_v.at[j]], rows[b], semg[b]).wait()

        def scatter(j, b):
            pltpu.async_copy(rows[b], acc.at[dst_v.at[j]], sems[b], add=True)

        def wait_scatter(j, b):
            pltpu.make_async_copy(rows[b], acc.at[dst_v.at[j]], sems[b]).wait()

        def step(j, b, refill):
            wait_gather(j, b)
            scatter(j, b)
            if refill:
                bn = (b + LAG) % NBUF
                wait_scatter(j - LAG, bn)
                gather(j + LAG, bn)

        for b in range(NBUF):
            gather(b, b)
        for j in range(LAG):
            step(j, j % NBUF, False)

        def body(jo, carry):
            for bb in range(NBUF):
                j0 = LAG + bb
                step(jo * NBUF + j0, j0 % NBUF, True)
            return carry

        lax.fori_loop(0, (KT - NBUF) // NBUF, body, 0)

        for j in range(KT - NBUF + LAG, KT):
            step(j, j % NBUF, False)
        for j in range(KT - NBUF, KT):
            wait_scatter(j, j % NBUF)
        plsc.subcore_barrier()
        pltpu.sync_copy(acc.at[pl.ds(r0, ROWS_PER_TILE)],
                        out_hbm.at[c, pl.ds(r0, ROWS_PER_TILE)])

    return k(y, srcc, dstc, zeros2d)


_TC_GRID_BN = 2048


def _tc_mm(x, w1):

    def body(x_ref, w_ref, o_ref):
        o_ref[...] = jnp.dot(x_ref[...], w_ref[...],
                             preferred_element_type=jnp.float32)

    bn = _TC_GRID_BN
    return pl.pallas_call(
        body,
        grid=(NP // bn,),
        in_specs=[
            pl.BlockSpec((bn, D), lambda i: (i, 0)),
            pl.BlockSpec((D, D), lambda i: (0, 0)),
        ],
        out_specs=pl.BlockSpec((bn, D), lambda i: (i, 0)),
        out_shape=jax.ShapeDtypeStruct((NP, D), jnp.float32),
    )(x, w1)


def _tc_scale(xw, deg):

    def body(xw_ref, deg_ref, dinv_ref, y_ref):
        dinv = lax.rsqrt(deg_ref[0] + deg_ref[1] + 1.0)
        dinv_ref[...] = dinv
        y_ref[...] = (dinv * xw_ref[...]).astype(jnp.bfloat16)

    bn = _TC_GRID_BN
    return pl.pallas_call(
        body,
        grid=(NP // bn,),
        in_specs=[
            pl.BlockSpec((bn, D), lambda i: (i, 0)),
            pl.BlockSpec((NC, bn, 1), lambda i: (0, i, 0)),
        ],
        out_specs=[
            pl.BlockSpec((bn, 1), lambda i: (i, 0)),
            pl.BlockSpec((bn, D), lambda i: (i, 0)),
        ],
        out_shape=[
            jax.ShapeDtypeStruct((NP, 1), jnp.float32),
            jax.ShapeDtypeStruct((NP, D), jnp.bfloat16),
        ],
    )(xw, deg)


def _tc_mid(p, y, dinv, b, w, h, hout):

    def body(p_ref, y_ref, dinv_ref, b_ref, w_ref, yout_ref):
        t = (p_ref[0].astype(jnp.float32) + p_ref[1].astype(jnp.float32)
             + y_ref[...].astype(jnp.float32))
        s = dinv_ref[...] * t + b_ref[...]
        hmid = jnp.where(s >= 0, s, 0.2 * s)
        yout_ref[...] = dinv_ref[...] * jnp.dot(hmid, w_ref[...],
                                                preferred_element_type=jnp.float32)

    bn = _TC_GRID_BN
    return pl.pallas_call(
        body,
        grid=(NP // bn,),
        in_specs=[
            pl.BlockSpec((NC, bn, h), lambda i: (0, i, 0)),
            pl.BlockSpec((bn, h), lambda i: (i, 0)),
            pl.BlockSpec((bn, 1), lambda i: (i, 0)),
            pl.BlockSpec((1, h), lambda i: (0, 0)),
            pl.BlockSpec((h, hout), lambda i: (0, 0)),
        ],
        out_specs=pl.BlockSpec((bn, hout), lambda i: (i, 0)),
        out_shape=jax.ShapeDtypeStruct((NP, hout), jnp.float32),
    )(p, y, dinv, b, w)


def _tc_final(p, y, dinv, b, h):

    def body(p_ref, y_ref, dinv_ref, b_ref, out_ref):
        out_ref[...] = (dinv_ref[...] * (p_ref[0] + p_ref[1] + y_ref[...])
                        + b_ref[...])

    bn = _TC_GRID_BN
    return pl.pallas_call(
        body,
        grid=(NP // bn,),
        in_specs=[
            pl.BlockSpec((NC, bn, h), lambda i: (0, i, 0)),
            pl.BlockSpec((bn, h), lambda i: (i, 0)),
            pl.BlockSpec((bn, 1), lambda i: (i, 0)),
            pl.BlockSpec((1, h), lambda i: (0, 0)),
        ],
        out_specs=pl.BlockSpec((bn, h), lambda i: (i, 0)),
        out_shape=jax.ShapeDtypeStruct((NP, h), jnp.float32),
    )(p, y, dinv, b)


def kernel(x, edge_index, W1, b1, W2, b2, W3, b3):
    H1 = W1.shape[1]
    H2 = W2.shape[1]
    C = W3.shape[1]

    src = edge_index[0]
    dst = edge_index[1]
    pad_e = E_PAD - E
    pad_idx = N + (jnp.arange(pad_e, dtype=jnp.int32) % (NP - N))
    srcc = jnp.concatenate([src, pad_idx]).reshape(NCHUNKS, CH)
    dstc = jnp.concatenate([dst, pad_idx]).reshape(NCHUNKS, CH)

    xp = jnp.zeros((NP, D), jnp.float32).at[:N].set(x)
    ones1d = jnp.ones((CH,), jnp.float32)
    zeros1d = jnp.zeros((NP,), jnp.float32)
    zeros128 = jnp.zeros((NP, D), jnp.bfloat16)
    zerosH2 = jnp.zeros((NP, H2), jnp.float32)
    zerosC = jnp.zeros((NP, C), jnp.float32)

    deg = _deg_call(dstc, zeros1d, ones1d).reshape(NC, NP, 1)
    xw1 = _tc_mm(xp, W1)
    dinv, y1 = _tc_scale(xw1, deg)

    p = _prop_impl(y1, srcc, dstc, zeros128, H1, jnp.bfloat16)
    y2 = _tc_mid(p, y1, dinv, b1.reshape(1, H1), W2, H1, H2)

    p = _prop_impl(y2, srcc, dstc, zerosH2, H2)
    y3 = _tc_mid(p, y2, dinv, b2.reshape(1, H2), W3, H2, C)

    p = _prop_impl(y3, srcc, dstc, zerosC, C)
    out = _tc_final(p, y3, dinv, b3.reshape(1, C), C)
    return out[:N]

# --- scband reference (transcript-rebuilt; emitter-appended) ---
"""Pipeline reference for scband-gcn-36412732735562 (READ-ONLY COPY).

The authoritative reference and input builder live on the scoring server;
editing this copy changes nothing except your own understanding.
"""

import jax, jax.numpy as jnp
import numpy as np

N = 10000
E = 320000
D = 128
H1 = 128
H2 = 16
C = 16


def setup_inputs(seed: int = 0):
    key = jax.random.key(seed)
    ks = jax.random.split(key, 8)
    x = jax.random.normal(ks[0], (N, D), dtype=jnp.float32)
    edge_index = jax.random.randint(ks[1], (2, E), 0, N, dtype=jnp.int32)
    W1 = jax.random.normal(ks[2], (D, H1), dtype=jnp.float32) * (1.0 / np.sqrt(D))
    b1 = jnp.zeros((H1,), dtype=jnp.float32)
    W2 = jax.random.normal(ks[3], (H1, H2), dtype=jnp.float32) * (1.0 / np.sqrt(H1))
    b2 = jnp.zeros((H2,), dtype=jnp.float32)
    W3 = jax.random.normal(ks[4], (H2, C), dtype=jnp.float32) * (1.0 / np.sqrt(H2))
    b3 = jnp.zeros((C,), dtype=jnp.float32)
    return {"x": x, "edge_index": edge_index, "W1": W1, "b1": b1, "W2": W2, "b2": b2, "W3": W3, "b3": b3}


def gcn_conv(x, edge_index, W, b):
    # PyG-style GCNConv: add self-loops, symmetric normalization D^{-1/2} (A+I) D^{-1/2} X W + b
    n = x.shape[0]
    src = edge_index[0]
    dst = edge_index[1]
    loop = jnp.arange(n, dtype=src.dtype)
    src = jnp.concatenate([src, loop])
    dst = jnp.concatenate([dst, loop])
    deg = jax.ops.segment_sum(jnp.ones_like(src, dtype=x.dtype), dst, num_segments=n)
    dinv = jnp.where(deg > 0, jax.lax.rsqrt(jnp.maximum(deg, 1e-12)), 0.0)
    norm = dinv[src] * dinv[dst]
    xw = x @ W
    msg = jnp.take(xw, src, axis=0) * norm[:, None]
    out = jax.ops.segment_sum(msg, dst, num_segments=n)
    return out + b


def reference(x, edge_index, W1, b1, W2, b2, W3, b3):
    # dropout layers are identity in eval mode
    h = gcn_conv(x, edge_index, W1, b1)
    h = jax.nn.leaky_relu(h, negative_slope=0.2)
    h = gcn_conv(h, edge_index, W2, b2)
    h = jax.nn.leaky_relu(h, negative_slope=0.2)
    h = gcn_conv(h, edge_index, W3, b3)
    return h

if __name__ == "__main__":
    import jax
    _d = setup_inputs()
    print(jax.jit(kernel)(*tuple(_d.values())))

</pallas_src>

<mosaic_0001>
#map = affine_map<(d0, d1) -> (0, 0)>
#map1 = affine_map<(d0, d1) -> (0, 0, 0)>
module attributes {stable_mosaic.version = 14 : i64} {
  func.func @k(%arg0: i32, %arg1: i32, %arg2: memref<10240x16xf32, #tpu.memory_space<hbm>>, %arg3: memref<2560x128xi32, #tpu.memory_space<hbm>>, %arg4: memref<2560x128xi32, #tpu.memory_space<hbm>>, %arg5: memref<10240x16xf32, #tpu.memory_space<hbm>>, %arg6: memref<2x10240x16xf32, #tpu.memory_space<hbm>>, %arg7: memref<10240x16xf32, #tpu.memory_space<vmem_shared>>, %arg8: memref<80x128xi32, #tpu.memory_space<vmem>>, %arg9: memref<80x128xi32, #tpu.memory_space<vmem>>, %arg10: memref<128x16xf32, #tpu.memory_space<vmem>>, %arg11: memref<128x16xf32, #tpu.memory_space<vmem>>, %arg12: memref<128x16xf32, #tpu.memory_space<vmem>>, %arg13: memref<128x16xf32, #tpu.memory_space<vmem>>, %arg14: memref<!tpu.dma_semaphore, #tpu.memory_space<semaphore_mem>>, %arg15: memref<!tpu.dma_semaphore, #tpu.memory_space<semaphore_mem>>, %arg16: memref<!tpu.dma_semaphore, #tpu.memory_space<semaphore_mem>>, %arg17: memref<!tpu.dma_semaphore, #tpu.memory_space<semaphore_mem>>, %arg18: memref<!tpu.dma_semaphore, #tpu.memory_space<semaphore_mem>>, %arg19: memref<!tpu.dma_semaphore, #tpu.memory_space<semaphore_mem>>, %arg20: memref<!tpu.dma_semaphore, #tpu.memory_space<semaphore_mem>>, %arg21: memref<!tpu.dma_semaphore, #tpu.memory_space<semaphore_mem>>) attributes {dimension_semantics = [#tpu.dimension_semantics<core_parallel>, #tpu.dimension_semantics<subcore_parallel>], iteration_bounds = array<i64: 2, 16>, scalar_prefetch = 0 : i64, scratch_operands = 15 : i64, tpu.core_type = #tpu.core_type<sc_vector_subcore>, window_params = [{transform_indices = #map}, {transform_indices = #map}, {transform_indices = #map}, {transform_indices = #map}, {transform_indices = #map1}]} {
    %mul3A = arith.constant 16 : i32
    %mul3A_0 = arith.muli %arg0, %mul3A : i32
    %add3A = arith.addi %mul3A_0, %arg1 : i32
    %mul3A_1 = arith.constant 640 : i32
    %mul3A_2 = arith.muli %arg1, %mul3A_1 : i32
    "tpu.region"() ({
      %run_scoped3A = tpu.sem_alloc : memref<!tpu.dma_semaphore, #tpu.memory_space<semaphore_mem>>
      %dma_start3A_123 = arith.constant 0 : i32
      %dma_start3A_124 = tpu.memref_slice %arg7[%mul3A_2, %dma_start3A_123] : memref<10240x16xf32, #tpu.memory_space<vmem_shared>> -> memref<640x16xf32, #tpu.memory_space<vmem_shared>>
      %dma_start3A_125 = arith.constant 0 : i32
      %dma_start3A_126 = tpu.memref_slice %arg5[%mul3A_2, %dma_start3A_125] : memref<10240x16xf32, #tpu.memory_space<hbm>> -> memref<640x16xf32, #tpu.memory_space<hbm>>
      tpu.enqueue_dma source(%dma_start3A_126 : memref<640x16xf32, #tpu.memory_space<hbm>>) target(%dma_start3A_124 : memref<640x16xf32, #tpu.memory_space<vmem_shared>>) target_semaphore(%run_scoped3A : memref<!tpu.dma_semaphore, #tpu.memory_space<semaphore_mem>>)
      %dma_wait3A_127 = arith.constant 0 : i32
      %dma_wait3A_128 = tpu.memref_slice %arg7[%mul3A_2, %dma_wait3A_127] : memref<10240x16xf32, #tpu.memory_space<vmem_shared>> -> memref<640x16xf32, #tpu.memory_space<vmem_shared>>
      %dma_wait3A_129 = arith.constant 0 : i32
      %dma_wait3A_130 = tpu.memref_slice %arg5[%mul3A_2, %dma_wait3A_129] : memref<10240x16xf32, #tpu.memory_space<hbm>> -> memref<640x16xf32, #tpu.memory_space<hbm>>
      tpu.wait_dma2 semaphore(%run_scoped3A : memref<!tpu.dma_semaphore, #tpu.memory_space<semaphore_mem>>) src(%dma_wait3A_130 : memref<640x16xf32, #tpu.memory_space<hbm>>) dst(%dma_wait3A_128 : memref<640x16xf32, #tpu.memory_space<vmem_shared>>)
      tpu.yield
    }) : () -> ()
    %mul3A_3 = arith.constant 80 : i32
    %mul3A_4 = arith.muli %add3A, %mul3A_3 : i32
    "tpu.region"() ({
      %run_scoped3A = tpu.sem_alloc : memref<!tpu.dma_semaphore, #tpu.memory_space<semaphore_mem>>
      %dma_start3A_123 = arith.constant 0 : i32
      %dma_start3A_124 = tpu.memref_slice %arg3[%mul3A_4, %dma_start3A_123] : memref<2560x128xi32, #tpu.memory_space<hbm>> -> memref<80x128xi32, #tpu.memory_space<hbm>>
      %dma_start3A_125 = arith.constant 0 : i32
      %dma_start3A_126 = tpu.memref_slice %arg3[%mul3A_4, %dma_start3A_125] : memref<2560x128xi32, #tpu.memory_space<hbm>> -> memref<80x128xi32, #tpu.memory_space<hbm>>
      tpu.enqueue_dma source(%dma_start3A_126 : memref<80x128xi32, #tpu.memory_space<hbm>>) target(%arg8 : memref<80x128xi32, #tpu.memory_space<vmem>>) target_semaphore(%run_scoped3A : memref<!tpu.dma_semaphore, #tpu.memory_space<semaphore_mem>>)
      %dma_wait3A_127 = arith.constant 0 : i32
      %dma_wait3A_128 = tpu.memref_slice %arg3[%mul3A_4, %dma_wait3A_127] : memref<2560x128xi32, #tpu.memory_space<hbm>> -> memref<80x128xi32, #tpu.memory_space<hbm>>
      %dma_wait3A_129 = arith.constant 0 : i32
      %dma_wait3A_130 = tpu.memref_slice %arg3[%mul3A_4, %dma_wait3A_129] : memref<2560x128xi32, #tpu.memory_space<hbm>> -> memref<80x128xi32, #tpu.memory_space<hbm>>
      tpu.wait_dma2 semaphore(%run_scoped3A : memref<!tpu.dma_semaphore, #tpu.memory_space<semaphore_mem>>) src(%dma_wait3A_130 : memref<80x128xi32, #tpu.memory_space<hbm>>) dst(%arg8 : memref<80x128xi32, #tpu.memory_space<vmem>>)
      tpu.yield
    }) : () -> ()
    %mul3A_5 = arith.constant 80 : i32
    %mul3A_6 = arith.muli %add3A, %mul3A_5 : i32
    "tpu.region"() ({
      %run_scoped3A = tpu.sem_alloc : memref<!tpu.dma_semaphore, #tpu.memory_space<semaphore_mem>>
      %dma_start3A_123 = arith.constant 0 : i32
      %dma_start3A_124 = tpu.memref_slice %arg4[%mul3A_6, %dma_start3A_123] : memref<2560x128xi32, #tpu.memory_space<hbm>> -> memref<80x128xi32, #tpu.memory_space<hbm>>
      %dma_start3A_125 = arith.constant 0 : i32
      %dma_start3A_126 = tpu.memref_slice %arg4[%mul3A_6, %dma_start3A_125] : memref<2560x128xi32, #tpu.memory_space<hbm>> -> memref<80x128xi32, #tpu.memory_space<hbm>>
      tpu.enqueue_dma source(%dma_start3A_126 : memref<80x128xi32, #tpu.memory_space<hbm>>) target(%arg9 : memref<80x128xi32, #tpu.memory_space<vmem>>) target_semaphore(%run_scoped3A : memref<!tpu.dma_semaphore, #tpu.memory_space<semaphore_mem>>)
      %dma_wait3A_127 = arith.constant 0 : i32
      %dma_wait3A_128 = tpu.memref_slice %arg4[%mul3A_6, %dma_wait3A_127] : memref<2560x128xi32, #tpu.memory_space<hbm>> -> memref<80x128xi32, #tpu.memory_space<hbm>>
      %dma_wait3A_129 = arith.constant 0 : i32
      %dma_wait3A_130 = tpu.memref_slice %arg4[%mul3A_6, %dma_wait3A_129] : memref<2560x128xi32, #tpu.memory_space<hbm>> -> memref<80x128xi32, #tpu.memory_space<hbm>>
      tpu.wait_dma2 semaphore(%run_scoped3A : memref<!tpu.dma_semaphore, #tpu.memory_space<semaphore_mem>>) src(%dma_wait3A_130 : memref<80x128xi32, #tpu.memory_space<hbm>>) dst(%arg9 : memref<80x128xi32, #tpu.memory_space<vmem>>)
      tpu.yield
    }) : () -> ()
    %barrier3A = arith.constant 0 : index
    tpu.barrier barrier_id(%barrier3A)
    %dma_start3A = arith.constant 0 : i32
    %dma_start3A_7 = arith.constant 0 : i32
    %dma_start3A_8 = tpu.memref_slice %arg8[%dma_start3A, %dma_start3A_7] : memref<80x128xi32, #tpu.memory_space<vmem>> -> memref<1x128xi32, #tpu.memory_space<vmem>>
    %dma_start3A_9 = tpu.memref_squeeze %dma_start3A_8 : memref<1x128xi32, #tpu.memory_space<vmem>> -> memref<128xi32, #tpu.memory_space<vmem>>
    %dma_start3A_10 = arith.constant 0 : i32
    %dma_start3A_11 = arith.constant 0 : i32
    %dma_start3A_12 = tpu.memref_slice %arg2[%dma_start3A_10, %dma_start3A_11] : memref<10240x16xf32, #tpu.memory_space<hbm>> -> memref<10240x16xf32, #tpu.memory_space<hbm>>
    tpu.enqueue_indirect_dma source(%dma_start3A_12 : memref<10240x16xf32, #tpu.memory_space<hbm>>) target(%arg10 : memref<128x16xf32, #tpu.memory_space<vmem>>) offsets(%dma_start3A_9 : memref<128xi32, #tpu.memory_space<vmem>>) semaphore(%arg14 : memref<!tpu.dma_semaphore, #tpu.memory_space<semaphore_mem>>)
    %dma_start3A_13 = arith.constant 1 : i32
    %dma_start3A_14 = arith.constant 0 : i32
    %dma_start3A_15 = tpu.memref_slice %arg8[%dma_start3A_13, %dma_start3A_14] : memref<80x128xi32, #tpu.memory_space<vmem>> -> memref<1x128xi32, #tpu.memory_space<vmem>>
    %dma_start3A_16 = tpu.memref_squeeze %dma_start3A_15 : memref<1x128xi32, #tpu.memory_space<vmem>> -> memref<128xi32, #tpu.memory_space<vmem>>
    %dma_start3A_17 = arith.constant 0 : i32
    %dma_start3A_18 = arith.constant 0 : i32
    %dma_start3A_19 = tpu.memref_slice %arg2[%dma_start3A_17, %dma_start3A_18] : memref<10240x16xf32, #tpu.memory_space<hbm>> -> memref<10240x16xf32, #tpu.memory_space<hbm>>
    tpu.enqueue_indirect_dma source(%dma_start3A_19 : memref<10240x16xf32, #tpu.memory_space<hbm>>) target(%arg11 : memref<128x16xf32, #tpu.memory_space<vmem>>) offsets(%dma_start3A_16 : memref<128xi32, #tpu.memory_space<vmem>>) semaphore(%arg15 : memref<!tpu.dma_semaphore, #tpu.memory_space<semaphore_mem>>)
    %dma_start3A_20 = arith.constant 2 : i32
    %dma_start3A_21 = arith.constant 0 : i32
    %dma_start3A_22 = tpu.memref_slice %arg8[%dma_start3A_20, %dma_start3A_21] : memref<80x128xi32, #tpu.memory_space<vmem>> -> memref<1x128xi32, #tpu.memory_space<vmem>>
    %dma_start3A_23 = tpu.memref_squeeze %dma_start3A_22 : memref<1x128xi32, #tpu.memory_space<vmem>> -> memref<128xi32, #tpu.memory_space<vmem>>
    %dma_start3A_24 = arith.constant 0 : i32
    %dma_start3A_25 = arith.constant 0 : i32
    %dma_start3A_26 = tpu.memref_slice %arg2[%dma_start3A_24, %dma_start3A_25] : memref<10240x16xf32, #tpu.memory_space<hbm>> -> memref<10240x16xf32, #tpu.memory_space<hbm>>
    tpu.enqueue_indirect_dma source(%dma_start3A_26 : memref<10240x16xf32, #tpu.memory_space<hbm>>) target(%arg12 : memref<128x16xf32, #tpu.memory_space<vmem>>) offsets(%dma_start3A_23 : memref<128xi32, #tpu.memory_space<vmem>>) semaphore(%arg16 : memref<!tpu.dma_semaphore, #tpu.memory_space<semaphore_mem>>)
    %dma_start3A_27 = arith.constant 3 : i32
    %dma_start3A_28 = arith.constant 0 : i32
    %dma_start3A_29 = tpu.memref_slice %arg8[%dma_start3A_27, %dma_start3A_28] : memref<80x128xi32, #tpu.memory_space<vmem>> -> memref<1x128xi32, #tpu.memory_space<vmem>>
    %dma_start3A_30 = tpu.memref_squeeze %dma_start3A_29 : memref<1x128xi32, #tpu.memory_space<vmem>> -> memref<128xi32, #tpu.memory_space<vmem>>
    %dma_start3A_31 = arith.constant 0 : i32
    %dma_start3A_32 = arith.constant 0 : i32
    %dma_start3A_33 = tpu.memref_slice %arg2[%dma_start3A_31, %dma_start3A_32] : memref<10240x16xf32, #tpu.memory_space<hbm>> -> memref<10240x16xf32, #tpu.memory_space<hbm>>
    tpu.enqueue_indirect_dma source(%dma_start3A_33 : memref<10240x16xf32, #tpu.memory_space<hbm>>) target(%arg13 : memref<128x16xf32, #tpu.memory_space<vmem>>) offsets(%dma_start3A_30 : memref<128xi32, #tpu.memory_space<vmem>>) semaphore(%arg17 : memref<!tpu.dma_semaphore, #tpu.memory_space<semaphore_mem>>)
    %dma_wait3A = arith.constant 0 : i32
    %dma_wait3A_34 = arith.constant 0 : i32
    %dma_wait3A_35 = tpu.memref_slice %arg8[%dma_wait3A, %dma_wait3A_34] : memref<80x128xi32, #tpu.memory_space<vmem>> -> memref<1x128xi32, #tpu.memory_space<vmem>>
    %dma_wait3A_36 = tpu.memref_squeeze %dma_wait3A_35 : memref<1x128xi32, #tpu.memory_space<vmem>> -> memref<128xi32, #tpu.memory_space<vmem>>
    %dma_wait3A_37 = arith.constant 0 : i32
    %dma_wait3A_38 = arith.constant 0 : i32
    %dma_wait3A_39 = tpu.memref_slice %arg2[%dma_wait3A_37, %dma_wait3A_38] : memref<10240x16xf32, #tpu.memory_space<hbm>> -> memref<10240x16xf32, #tpu.memory_space<hbm>>
    tpu.wait_indirect_dma semaphore(%arg14 : memref<!tpu.dma_semaphore, #tpu.memory_space<semaphore_mem>>) src(%dma_wait3A_39 : memref<10240x16xf32, #tpu.memory_space<hbm>>) dst(%arg10 : memref<128x16xf32, #tpu.memory_space<vmem>>)
    %dma_start3A_40 = arith.constant 0 : i32
    %dma_start3A_41 = arith.constant 0 : i32
    %dma_start3A_42 = tpu.memref_slice %arg9[%dma_start3A_40, %dma_start3A_41] : memref<80x128xi32, #tpu.memory_space<vmem>> -> memref<1x128xi32, #tpu.memory_space<vmem>>
    %dma_start3A_43 = tpu.memref_squeeze %dma_start3A_42 : memref<1x128xi32, #tpu.memory_space<vmem>> -> memref<128xi32, #tpu.memory_space<vmem>>
    %dma_start3A_44 = arith.constant 0 : i32
    %dma_start3A_45 = arith.constant 0 : i32
    %dma_start3A_46 = tpu.memref_slice %arg7[%dma_start3A_44, %dma_start3A_45] : memref<10240x16xf32, #tpu.memory_space<vmem_shared>> -> memref<10240x16xf32, #tpu.memory_space<vmem_shared>>
    tpu.enqueue_indirect_dma source(%arg10 : memref<128x16xf32, #tpu.memory_space<vmem>>) target(%dma_start3A_46 : memref<10240x16xf32, #tpu.memory_space<vmem_shared>>) offsets(%dma_start3A_43 : memref<128xi32, #tpu.memory_space<vmem>>) semaphore(%arg18 : memref<!tpu.dma_semaphore, #tpu.memory_space<semaphore_mem>>) {add = true}
    %dma_wait3A_47 = arith.constant 1 : i32
    %dma_wait3A_48 = arith.constant 0 : i32
    %dma_wait3A_49 = tpu.memref_slice %arg8[%dma_wait3A_47, %dma_wait3A_48] : memref<80x128xi32, #tpu.memory_space<vmem>> -> memref<1x128xi32, #tpu.memory_space<vmem>>
    %dma_wait3A_50 = tpu.memref_squeeze %dma_wait3A_49 : memref<1x128xi32, #tpu.memory_space<vmem>> -> memref<128xi32, #tpu.memory_space<vmem>>
    %dma_wait3A_51 = arith.constant 0 : i32
    %dma_wait3A_52 = arith.constant 0 : i32
    %dma_wait3A_53 = tpu.memref_slice %arg2[%dma_wait3A_51, %dma_wait3A_52] : memref<10240x16xf32, #tpu.memory_space<hbm>> -> memref<10240x16xf32, #tpu.memory_space<hbm>>
    tpu.wait_indirect_dma semaphore(%arg15 : memref<!tpu.dma_semaphore, #tpu.memory_space<semaphore_mem>>) src(%dma_wait3A_53 : memref<10240x16xf32, #tpu.memory_space<hbm>>) dst(%arg11 : memref<128x16xf32, #tpu.memory_space<vmem>>)
    %dma_start3A_54 = arith.constant 1 : i32
    %dma_start3A_55 = arith.constant 0 : i32
    %dma_start3A_56 = tpu.memref_slice %arg9[%dma_start3A_54, %dma_start3A_55] : memref<80x128xi32, #tpu.memory_space<vmem>> -> memref<1x128xi32, #tpu.memory_space<vmem>>
    %dma_start3A_57 = tpu.memref_squeeze %dma_start3A_56 : memref<1x128xi32, #tpu.memory_space<vmem>> -> memref<128xi32, #tpu.memory_space<vmem>>
    %dma_start3A_58 = arith.constant 0 : i32
    %dma_start3A_59 = arith.constant 0 : i32
    %dma_start3A_60 = tpu.memref_slice %arg7[%dma_start3A_58, %dma_start3A_59] : memref<10240x16xf32, #tpu.memory_space<vmem_shared>> -> memref<10240x16xf32, #tpu.memory_space<vmem_shared>>
    tpu.enqueue_indirect_dma source(%arg11 : memref<128x16xf32, #tpu.memory_space<vmem>>) target(%dma_start3A_60 : memref<10240x16xf32, #tpu.memory_space<vmem_shared>>) offsets(%dma_start3A_57 : memref<128xi32, #tpu.memory_space<vmem>>) semaphore(%arg19 : memref<!tpu.dma_semaphore, #tpu.memory_space<semaphore_mem>>) {add = true}
    %scan3A = arith.constant 0 : i32
    %scan3A_61 = arith.constant 0 : i32
    %scan3A_62 = arith.constant 19 : i32
    %scan3A_63 = arith.addi %scan3A_61, %scan3A_62 : i32
    %scan3A_64 = arith.constant 1 : i32
    scf.for %scan3A_123 = %scan3A_61 to %scan3A_63 step %scan3A_64  : i32 {
      %mul3A_124 = arith.constant 4 : i32
      %mul3A_125 = arith.muli %scan3A_123, %mul3A_124 : i32
      %add3A_126 = arith.constant 2 : i32
      %add3A_127 = arith.addi %mul3A_125, %add3A_126 : i32
      %dma_wait3A_128 = arith.constant 0 : i32
      %dma_wait3A_129 = tpu.memref_slice %arg8[%add3A_127, %dma_wait3A_128] : memref<80x128xi32, #tpu.memory_space<vmem>> -> memref<1x128xi32, #tpu.memory_space<vmem>>
      %dma_wait3A_130 = tpu.memref_squeeze %dma_wait3A_129 : memref<1x128xi32, #tpu.memory_space<vmem>> -> memref<128xi32, #tpu.memory_space<vmem>>
      %dma_wait3A_131 = arith.constant 0 : i32
      %dma_wait3A_132 = arith.constant 0 : i32
      %dma_wait3A_133 = tpu.memref_slice %arg2[%dma_wait3A_131, %dma_wait3A_132] : memref<10240x16xf32, #tpu.memory_space<hbm>> -> memref<10240x16xf32, #tpu.memory_space<hbm>>
      tpu.wait_indirect_dma semaphore(%arg16 : memref<!tpu.dma_semaphore, #tpu.memory_space<semaphore_mem>>) src(%dma_wait3A_133 : memref<10240x16xf32, #tpu.memory_space<hbm>>) dst(%arg12 : memref<128x16xf32, #tpu.memory_space<vmem>>)
      %dma_start3A_134 = arith.constant 0 : i32
      %dma_start3A_135 = tpu.memref_slice %arg9[%add3A_127, %dma_start3A_134] : memref<80x128xi32, #tpu.memory_space<vmem>> -> memref<1x128xi32, #tpu.memory_space<vmem>>
      %dma_start3A_136 = tpu.memref_squeeze %dma_start3A_135 : memref<1x128xi32, #tpu.memory_space<vmem>> -> memref<128xi32, #tpu.memory_space<vmem>>
      %dma_start3A_137 = arith.constant 0 : i32
      %dma_start3A_138 = arith.constant 0 : i32
      %dma_start3A_139 = tpu.memref_slice %arg7[%dma_start3A_137, %dma_start3A_138] : memref<10240x16xf32, #tpu.memory_space<vmem_shared>> -> memref<10240x16xf32, #tpu.memory_space<vmem_shared>>
      tpu.enqueue_indirect_dma source(%arg12 : memref<128x16xf32, #tpu.memory_space<vmem>>) target(%dma_start3A_139 : memref<10240x16xf32, #tpu.memory_space<vmem_shared>>) offsets(%dma_start3A_136 : memref<128xi32, #tpu.memory_space<vmem>>) semaphore(%arg20 : memref<!tpu.dma_semaphore, #tpu.memory_space<semaphore_mem>>) {add = true}
      %sub3A = arith.constant 2 : i32
      %sub3A_140 = arith.subi %add3A_127, %sub3A : i32
      %dma_wait3A_141 = arith.constant 0 : i32
      %dma_wait3A_142 = tpu.memref_slice %arg9[%sub3A_140, %dma_wait3A_141] : memref<80x128xi32, #tpu.memory_space<vmem>> -> memref<1x128xi32, #tpu.memory_space<vmem>>
      %dma_wait3A_143 = tpu.memref_squeeze %dma_wait3A_142 : memref<1x128xi32, #tpu.memory_space<vmem>> -> memref<128xi32, #tpu.memory_space<vmem>>
      %dma_wait3A_144 = arith.constant 0 : i32
      %dma_wait3A_145 = arith.constant 0 : i32
      %dma_wait3A_146 = tpu.memref_slice %arg7[%dma_wait3A_144, %dma_wait3A_145] : memref<10240x16xf32, #tpu.memory_space<vmem_shared>> -> memref<10240x16xf32, #tpu.memory_space<vmem_shared>>
      tpu.wait_indirect_dma semaphore(%arg18 : memref<!tpu.dma_semaphore, #tpu.memory_space<semaphore_mem>>) src(%arg10 : memref<128x16xf32, #tpu.memory_space<vmem>>) dst(%dma_wait3A_146 : memref<10240x16xf32, #tpu.memory_space<vmem_shared>>)
      %add3A_147 = arith.constant 2 : i32
      %add3A_148 = arith.addi %add3A_127, %add3A_147 : i32
      %dma_start3A_149 = arith.constant 0 : i32
      %dma_start3A_150 = tpu.memref_slice %arg8[%add3A_148, %dma_start3A_149] : memref<80x128xi32, #tpu.memory_space<vmem>> -> memref<1x128xi32, #tpu.memory_space<vmem>>
      %dma_start3A_151 = tpu.memref_squeeze %dma_start3A_150 : memref<1x128xi32, #tpu.memory_space<vmem>> -> memref<128xi32, #tpu.memory_space<vmem>>
      %dma_start3A_152 = arith.constant 0 : i32
      %dma_start3A_153 = arith.constant 0 : i32
      %dma_start3A_154 = tpu.memref_slice %arg2[%dma_start3A_152, %dma_start3A_153] : memref<10240x16xf32, #tpu.memory_space<hbm>> -> memref<10240x16xf32, #tpu.memory_space<hbm>>
      tpu.enqueue_indirect_dma source(%dma_start3A_154 : memref<10240x16xf32, #tpu.memory_space<hbm>>) target(%arg10 : memref<128x16xf32, #tpu.memory_space<vmem>>) offsets(%dma_start3A_151 : memref<128xi32, #tpu.memory_space<vmem>>) semaphore(%arg14 : memref<!tpu.dma_semaphore, #tpu.memory_space<semaphore_mem>>)
      %mul3A_155 = arith.constant 4 : i32
      %mul3A_156 = arith.muli %scan3A_123, %mul3A_155 : i32
      %add3A_157 = arith.constant 3 : i32
      %add3A_158 = arith.addi %mul3A_156, %add3A_157 : i32
      %dma_wait3A_159 = arith.constant 0 : i32
      %dma_wait3A_160 = tpu.memref_slice %arg8[%add3A_158, %dma_wait3A_159] : memref<80x128xi32, #tpu.memory_space<vmem>> -> memref<1x128xi32, #tpu.memory_space<vmem>>
      %dma_wait3A_161 = tpu.memref_squeeze %dma_wait3A_160 : memref<1x128xi32, #tpu.memory_space<vmem>> -> memref<128xi32, #tpu.memory_space<vmem>>
      %dma_wait3A_162 = arith.constant 0 : i32
      %dma_wait3A_163 = arith.constant 0 : i32
      %dma_wait3A_164 = tpu.memref_slice %arg2[%dma_wait3A_162, %dma_wait3A_163] : memref<10240x16xf32, #tpu.memory_space<hbm>> -> memref<10240x16xf32, #tpu.memory_space<hbm>>
      tpu.wait_indirect_dma semaphore(%arg17 : memref<!tpu.dma_semaphore, #tpu.memory_space<semaphore_mem>>) src(%dma_wait3A_164 : memref<10240x16xf32, #tpu.memory_space<hbm>>) dst(%arg13 : memref<128x16xf32, #tpu.memory_space<vmem>>)
      %dma_start3A_165 = arith.constant 0 : i32
      %dma_start3A_166 = tpu.memref_slice %arg9[%add3A_158, %dma_start3A_165] : memref<80x128xi32, #tpu.memory_space<vmem>> -> memref<1x128xi32, #tpu.memory_space<vmem>>
      %dma_start3A_167 = tpu.memref_squeeze %dma_start3A_166 : memref<1x128xi32, #tpu.memory_space<vmem>> -> memref<128xi32, #tpu.memory_space<vmem>>
      %dma_start3A_168 = arith.constant 0 : i32
      %dma_start3A_169 = arith.constant 0 : i32
      %dma_start3A_170 = tpu.memref_slice %arg7[%dma_start3A_168, %dma_start3A_169] : memref<10240x16xf32, #tpu.memory_space<vmem_shared>> -> memref<10240x16xf32, #tpu.memory_space<vmem_shared>>
      tpu.enqueue_indirect_dma source(%arg13 : memref<128x16xf32, #tpu.memory_space<vmem>>) target(%dma_start3A_170 : memref<10240x16xf32, #tpu.memory_space<vmem_shared>>) offsets(%dma_start3A_167 : memref<128xi32, #tpu.memory_space<vmem>>) semaphore(%arg21 : memref<!tpu.dma_semaphore, #tpu.memory_space<semaphore_mem>>) {add = true}
      %sub3A_171 = arith.constant 2 : i32
      %sub3A_172 = arith.subi %add3A_158, %sub3A_171 : i32
      %dma_wait3A_173 = arith.constant 0 : i32
      %dma_wait3A_174 = tpu.memref_slice %arg9[%sub3A_172, %dma_wait3A_173] : memref<80x128xi32, #tpu.memory_space<vmem>> -> memref<1x128xi32, #tpu.memory_space<vmem>>
      %dma_wait3A_175 = tpu.memref_squeeze %dma_wait3A_174 : memref<1x128xi32, #tpu.memory_space<vmem>> -> memref<128xi32, #tpu.memory_space<vmem>>
      %dma_wait3A_176 = arith.constant 0 : i32
      %dma_wait3A_177 = arith.constant 0 : i32
      %dma_wait3A_178 = tpu.memref_slice %arg7[%dma_wait3A_176, %dma_wait3A_177] : memref<10240x16xf32, #tpu.memory_space<vmem_shared>> -> memref<10240x16xf32, #tpu.memory_space<vmem_shared>>
      tpu.wait_indirect_dma semaphore(%arg19 : memref<!tpu.dma_semaphore, #tpu.memory_space<semaphore_mem>>) src(%arg11 : memref<128x16xf32, #tpu.memory_space<vmem>>) dst(%dma_wait3A_178 : memref<10240x16xf32, #tpu.memory_space<vmem_shared>>)
      %add3A_179 = arith.constant 2 : i32
      %add3A_180 = arith.addi %add3A_158, %add3A_179 : i32
      %dma_start3A_181 = arith.constant 0 : i32
      %dma_start3A_182 = tpu.memref_slice %arg8[%add3A_180, %dma_start3A_181] : memref<80x128xi32, #tpu.memory_space<vmem>> -> memref<1x128xi32, #tpu.memory_space<vmem>>
      %dma_start3A_183 = tpu.memref_squeeze %dma_start3A_182 : memref<1x128xi32, #tpu.memory_space<vmem>> -> memref<128xi32, #tpu.memory_space<vmem>>
      %dma_start3A_184 = arith.constant 0 : i32
      %dma_start3A_185 = arith.constant 0 : i32
      %dma_start3A_186 = tpu.memref_slice %arg2[%dma_start3A_184, %dma_start3A_185] : memref<10240x16xf32, #tpu.memory_space<hbm>> -> memref<10240x16xf32, #tpu.memory_space<hbm>>
      tpu.enqueue_indirect_dma source(%dma_start3A_186 : memref<10240x16xf32, #tpu.memory_space<hbm>>) target(%arg11 : memref<128x16xf32, #tpu.memory_space<vmem>>) offsets(%dma_start3A_183 : memref<128xi32, #tpu.memory_space<vmem>>) semaphore(%arg15 : memref<!tpu.dma_semaphore, #tpu.memory_space<semaphore_mem>>)
      %mul3A_187 = arith.constant 4 : i32
      %mul3A_188 = arith.muli %scan3A_123, %mul3A_187 : i32
      %add3A_189 = arith.constant 4 : i32
      %add3A_190 = arith.addi %mul3A_188, %add3A_189 : i32
      %dma_wait3A_191 = arith.constant 0 : i32
      %dma_wait3A_192 = tpu.memref_slice %arg8[%add3A_190, %dma_wait3A_191] : memref<80x128xi32, #tpu.memory_space<vmem>> -> memref<1x128xi32, #tpu.memory_space<vmem>>
      %dma_wait3A_193 = tpu.memref_squeeze %dma_wait3A_192 : memref<1x128xi32, #tpu.memory_space<vmem>> -> memref<128xi32, #tpu.memory_space<vmem>>
      %dma_wait3A_194 = arith.constant 0 : i32
      %dma_wait3A_195 = arith.constant 0 : i32
      %dma_wait3A_196 = tpu.memref_slice %arg2[%dma_wait3A_194, %dma_wait3A_195] : memref<10240x16xf32, #tpu.memory_space<hbm>> -> memref<10240x16xf32, #tpu.memory_space<hbm>>
      tpu.wait_indirect_dma semaphore(%arg14 : memref<!tpu.dma_semaphore, #tpu.memory_space<semaphore_mem>>) src(%dma_wait3A_196 : memref<10240x16xf32, #tpu.memory_space<hbm>>) dst(%arg10 : memref<128x16xf32, #tpu.memory_space<vmem>>)
      %dma_start3A_197 = arith.constant 0 : i32
      %dma_start3A_198 = tpu.memref_slice %arg9[%add3A_190, %dma_start3A_197] : memref<80x128xi32, #tpu.memory_space<vmem>> -> memref<1x128xi32, #tpu.memory_space<vmem>>
      %dma_start3A_199 = tpu.memref_squeeze %dma_start3A_198 : memref<1x128xi32, #tpu.memory_space<vmem>> -> memref<128xi32, #tpu.memory_space<vmem>>
      %dma_start3A_200 = arith.constant 0 : i32
      %dma_start3A_201 = arith.constant 0 : i32
      %dma_start3A_202 = tpu.memref_slice %arg7[%dma_start3A_200, %dma_start3A_201] : memref<10240x16xf32, #tpu.memory_space<vmem_shared>> -> memref<10240x16xf32, #tpu.memory_space<vmem_shared>>
      tpu.enqueue_indirect_dma source(%arg10 : memref<128x16xf32, #tpu.memory_space<vmem>>) target(%dma_start3A_202 : memref<10240x16xf32, #tpu.memory_space<vmem_shared>>) offsets(%dma_start3A_199 : memref<128xi32, #tpu.memory_space<vmem>>) semaphore(%arg18 : memref<!tpu.dma_semaphore, #tpu.memory_space<semaphore_mem>>) {add = true}
      %sub3A_203 = arith.constant 2 : i32
      %sub3A_204 = arith.subi %add3A_190, %sub3A_203 : i32
      %dma_wait3A_205 = arith.constant 0 : i32
      %dma_wait3A_206 = tpu.memref_slice %arg9[%sub3A_204, %dma_wait3A_205] : memref<80x128xi32, #tpu.memory_space<vmem>> -> memref<1x128xi32, #tpu.memory_space<vmem>>
      %dma_wait3A_207 = tpu.memref_squeeze %dma_wait3A_206 : memref<1x128xi32, #tpu.memory_space<vmem>> -> memref<128xi32, #tpu.memory_space<vmem>>
      %dma_wait3A_208 = arith.constant 0 : i32
      %dma_wait3A_209 = arith.constant 0 : i32
      %dma_wait3A_210 = tpu.memref_slice %arg7[%dma_wait3A_208, %dma_wait3A_209] : memref<10240x16xf32, #tpu.memory_space<vmem_shared>> -> memref<10240x16xf32, #tpu.memory_space<vmem_shared>>
      tpu.wait_indirect_dma semaphore(%arg20 : memref<!tpu.dma_semaphore, #tpu.memory_space<semaphore_mem>>) src(%arg12 : memref<128x16xf32, #tpu.memory_space<vmem>>) dst(%dma_wait3A_210 : memref<10240x16xf32, #tpu.memory_space<vmem_shared>>)
      %add3A_211 = arith.constant 2 : i32
      %add3A_212 = arith.addi %add3A_190, %add3A_211 : i32
      %dma_start3A_213 = arith.constant 0 : i32
      %dma_start3A_214 = tpu.memref_slice %arg8[%add3A_212, %dma_start3A_213] : memref<80x128xi32, #tpu.memory_space<vmem>> -> memref<1x128xi32, #tpu.memory_space<vmem>>
      %dma_start3A_215 = tpu.memref_squeeze %dma_start3A_214 : memref<1x128xi32, #tpu.memory_space<vmem>> -> memref<128xi32, #tpu.memory_space<vmem>>
      %dma_start3A_216 = arith.constant 0 : i32
      %dma_start3A_217 = arith.constant 0 : i32
      %dma_start3A_218 = tpu.memref_slice %arg2[%dma_start3A_216, %dma_start3A_217] : memref<10240x16xf32, #tpu.memory_space<hbm>> -> memref<10240x16xf32, #tpu.memory_space<hbm>>
      tpu.enqueue_indirect_dma source(%dma_start3A_218 : memref<10240x16xf32, #tpu.memory_space<hbm>>) target(%arg12 : memref<128x16xf32, #tpu.memory_space<vmem>>) offsets(%dma_start3A_215 : memref<128xi32, #tpu.memory_space<vmem>>) semaphore(%arg16 : memref<!tpu.dma_semaphore, #tpu.memory_space<semaphore_mem>>)
      %mul3A_219 = arith.constant 4 : i32
      %mul3A_220 = arith.muli %scan3A_123, %mul3A_219 : i32
      %add3A_221 = arith.constant 5 : i32
      %add3A_222 = arith.addi %mul3A_220, %add3A_221 : i32
      %dma_wait3A_223 = arith.constant 0 : i32
      %dma_wait3A_224 = tpu.memref_slice %arg8[%add3A_222, %dma_wait3A_223] : memref<80x128xi32, #tpu.memory_space<vmem>> -> memref<1x128xi32, #tpu.memory_space<vmem>>
      %dma_wait3A_225 = tpu.memref_squeeze %dma_wait3A_224 : memref<1x128xi32, #tpu.memory_space<vmem>> -> memref<128xi32, #tpu.memory_space<vmem>>
      %dma_wait3A_226 = arith.constant 0 : i32
      %dma_wait3A_227 = arith.constant 0 : i32
      %dma_wait3A_228 = tpu.memref_slice %arg2[%dma_wait3A_226, %dma_wait3A_227] : memref<10240x16xf32, #tpu.memory_space<hbm>> -> memref<10240x16xf32, #tpu.memory_space<hbm>>
      tpu.wait_indirect_dma semaphore(%arg15 : memref<!tpu.dma_semaphore, #tpu.memory_space<semaphore_mem>>) src(%dma_wait3A_228 : memref<10240x16xf32, #tpu.memory_space<hbm>>) dst(%arg11 : memref<128x16xf32, #tpu.memory_space<vmem>>)
      %dma_start3A_229 = arith.constant 0 : i32
      %dma_start3A_230 = tpu.memref_slice %arg9[%add3A_222, %dma_start3A_229] : memref<80x128xi32, #tpu.memory_space<vmem>> -> memref<1x128xi32, #tpu.memory_space<vmem>>
      %dma_start3A_231 = tpu.memref_squeeze %dma_start3A_230 : memref<1x128xi32, #tpu.memory_space<vmem>> -> memref<128xi32, #tpu.memory_space<vmem>>
      %dma_start3A_232 = arith.constant 0 : i32
      %dma_start3A_233 = arith.constant 0 : i32
      %dma_start3A_234 = tpu.memref_slice %arg7[%dma_start3A_232, %dma_start3A_233] : memref<10240x16xf32, #tpu.memory_space<vmem_shared>> -> memref<10240x16xf32, #tpu.memory_space<vmem_shared>>
      tpu.enqueue_indirect_dma source(%arg11 : memref<128x16xf32, #tpu.memory_space<vmem>>) target(%dma_start3A_234 : memref<10240x16xf32, #tpu.memory_space<vmem_shared>>) offsets(%dma_start3A_231 : memref<128xi32, #tpu.memory_space<vmem>>) semaphore(%arg19 : memref<!tpu.dma_semaphore, #tpu.memory_space<semaphore_mem>>) {add = true}
      %sub3A_235 = arith.constant 2 : i32
      %sub3A_236 = arith.subi %add3A_222, %sub3A_235 : i32
      %dma_wait3A_237 = arith.constant 0 : i32
      %dma_wait3A_238 = tpu.memref_slice %arg9[%sub3A_236, %dma_wait3A_237] : memref<80x128xi32, #tpu.memory_space<vmem>> -> memref<1x128xi32, #tpu.memory_space<vmem>>
      %dma_wait3A_239 = tpu.memref_squeeze %dma_wait3A_238 : memref<1x128xi32, #tpu.memory_space<vmem>> -> memref<128xi32, #tpu.memory_space<vmem>>
      %dma_wait3A_240 = arith.constant 0 : i32
      %dma_wait3A_241 = arith.constant 0 : i32
      %dma_wait3A_242 = tpu.memref_slice %arg7[%dma_wait3A_240, %dma_wait3A_241] : memref<10240x16xf32, #tpu.memory_space<vmem_shared>> -> memref<10240x16xf32, #tpu.memory_space<vmem_shared>>
      tpu.wait_indirect_dma semaphore(%arg21 : memref<!tpu.dma_semaphore, #tpu.memory_space<semaphore_mem>>) src(%arg13 : memref<128x16xf32, #tpu.memory_space<vmem>>) dst(%dma_wait3A_242 : memref<10240x16xf32, #tpu.memory_space<vmem_shared>>)
      %add3A_243 = arith.constant 2 : i32
      %add3A_244 = arith.addi %add3A_222, %add3A_243 : i32
      %dma_start3A_245 = arith.constant 0 : i32
      %dma_start3A_246 = tpu.memref_slice %arg8[%add3A_244, %dma_start3A_245] : memref<80x128xi32, #tpu.memory_space<vmem>> -> memref<1x128xi32, #tpu.memory_space<vmem>>
      %dma_start3A_247 = tpu.memref_squeeze %dma_start3A_246 : memref<1x128xi32, #tpu.memory_space<vmem>> -> memref<128xi32, #tpu.memory_space<vmem>>
      %dma_start3A_248 = arith.constant 0 : i32
      %dma_start3A_249 = arith.constant 0 : i32
      %dma_start3A_250 = tpu.memref_slice %arg2[%dma_start3A_248, %dma_start3A_249] : memref<10240x16xf32, #tpu.memory_space<hbm>> -> memref<10240x16xf32, #tpu.memory_space<hbm>>
      tpu.enqueue_indirect_dma source(%dma_start3A_250 : memref<10240x16xf32, #tpu.memory_space<hbm>>) target(%arg13 : memref<128x16xf32, #tpu.memory_space<vmem>>) offsets(%dma_start3A_247 : memref<128xi32, #tpu.memory_space<vmem>>) semaphore(%arg17 : memref<!tpu.dma_semaphore, #tpu.memory_space<semaphore_mem>>)
    }
    %scan3A_65 = arith.constant 19 : i32
    %dma_wait3A_66 = arith.constant 78 : i32
    %dma_wait3A_67 = arith.constant 0 : i32
    %dma_wait3A_68 = tpu.memref_slice %arg8[%dma_wait3A_66, %dma_wait3A_67] : memref<80x128xi32, #tpu.memory_space<vmem>> -> memref<1x128xi32, #tpu.memory_space<vmem>>
    %dma_wait3A_69 = tpu.memref_squeeze %dma_wait3A_68 : memref<1x128xi32, #tpu.memory_space<vmem>> -> memref<128xi32, #tpu.memory_space<vmem>>
    %dma_wait3A_70 = arith.constant 0 : i32
    %dma_wait3A_71 = arith.constant 0 : i32
    %dma_wait3A_72 = tpu.memref_slice %arg2[%dma_wait3A_70, %dma_wait3A_71] : memref<10240x16xf32, #tpu.memory_space<hbm>> -> memref<10240x16xf32, #tpu.memory_space<hbm>>
    tpu.wait_indirect_dma semaphore(%arg16 : memref<!tpu.dma_semaphore, #tpu.memory_space<semaphore_mem>>) src(%dma_wait3A_72 : memref<10240x16xf32, #tpu.memory_space<hbm>>) dst(%arg12 : memref<128x16xf32, #tpu.memory_space<vmem>>)
    %dma_start3A_73 = arith.constant 78 : i32
    %dma_start3A_74 = arith.constant 0 : i32
    %dma_start3A_75 = tpu.memref_slice %arg9[%dma_start3A_73, %dma_start3A_74] : memref<80x128xi32, #tpu.memory_space<vmem>> -> memref<1x128xi32, #tpu.memory_space<vmem>>
    %dma_start3A_76 = tpu.memref_squeeze %dma_start3A_75 : memref<1x128xi32, #tpu.memory_space<vmem>> -> memref<128xi32, #tpu.memory_space<vmem>>
    %dma_start3A_77 = arith.constant 0 : i32
    %dma_start3A_78 = arith.constant 0 : i32
    %dma_start3A_79 = tpu.memref_slice %arg7[%dma_start3A_77, %dma_start3A_78] : memref<10240x16xf32, #tpu.memory_space<vmem_shared>> -> memref<10240x16xf32, #tpu.memory_space<vmem_shared>>
    tpu.enqueue_indirect_dma source(%arg12 : memref<128x16xf32, #tpu.memory_space<vmem>>) target(%dma_start3A_79 : memref<10240x16xf32, #tpu.memory_space<vmem_shared>>) offsets(%dma_start3A_76 : memref<128xi32, #tpu.memory_space<vmem>>) semaphore(%arg20 : memref<!tpu.dma_semaphore, #tpu.memory_space<semaphore_mem>>) {add = true}
    %dma_wait3A_80 = arith.constant 79 : i32
    %dma_wait3A_81 = arith.constant 0 : i32
    %dma_wait3A_82 = tpu.memref_slice %arg8[%dma_wait3A_80, %dma_wait3A_81] : memref<80x128xi32, #tpu.memory_space<vmem>> -> memref<1x128xi32, #tpu.memory_space<vmem>>
    %dma_wait3A_83 = tpu.memref_squeeze %dma_wait3A_82 : memref<1x128xi32, #tpu.memory_space<vmem>> -> memref<128xi32, #tpu.memory_space<vmem>>
    %dma_wait3A_84 = arith.constant 0 : i32
    %dma_wait3A_85 = arith.constant 0 : i32
    %dma_wait3A_86 = tpu.memref_slice %arg2[%dma_wait3A_84, %dma_wait3A_85] : memref<10240x16xf32, #tpu.memory_space<hbm>> -> memref<10240x16xf32, #tpu.memory_space<hbm>>
    tpu.wait_indirect_dma semaphore(%arg17 : memref<!tpu.dma_semaphore, #tpu.memory_space<semaphore_mem>>) src(%dma_wait3A_86 : memref<10240x16xf32, #tpu.memory_space<hbm>>) dst(%arg13 : memref<128x16xf32, #tpu.memory_space<vmem>>)
    %dma_start3A_87 = arith.constant 79 : i32
    %dma_start3A_88 = arith.constant 0 : i32
    %dma_start3A_89 = tpu.memref_slice %arg9[%dma_start3A_87, %dma_start3A_88] : memref<80x128xi32, #tpu.memory_space<vmem>> -> memref<1x128xi32, #tpu.memory_space<vmem>>
    %dma_start3A_90 = tpu.memref_squeeze %dma_start3A_89 : memref<1x128xi32, #tpu.memory_space<vmem>> -> memref<128xi32, #tpu.memory_space<vmem>>
    %dma_start3A_91 = arith.constant 0 : i32
    %dma_start3A_92 = arith.constant 0 : i32
    %dma_start3A_93 = tpu.memref_slice %arg7[%dma_start3A_91, %dma_start3A_92] : memref<10240x16xf32, #tpu.memory_space<vmem_shared>> -> memref<10240x16xf32, #tpu.memory_space<vmem_shared>>
    tpu.enqueue_indirect_dma source(%arg13 : memref<128x16xf32, #tpu.memory_space<vmem>>) target(%dma_start3A_93 : memref<10240x16xf32, #tpu.memory_space<vmem_shared>>) offsets(%dma_start3A_90 : memref<128xi32, #tpu.memory_space<vmem>>) semaphore(%arg21 : memref<!tpu.dma_semaphore, #tpu.memory_space<semaphore_mem>>) {add = true}
    %dma_wait3A_94 = arith.constant 76 : i32
    %dma_wait3A_95 = arith.constant 0 : i32
    %dma_wait3A_96 = tpu.memref_slice %arg9[%dma_wait3A_94, %dma_wait3A_95] : memref<80x128xi32, #tpu.memory_space<vmem>> -> memref<1x128xi32, #tpu.memory_space<vmem>>
    %dma_wait3A_97 = tpu.memref_squeeze %dma_wait3A_96 : memref<1x128xi32, #tpu.memory_space<vmem>> -> memref<128xi32, #tpu.memory_space<vmem>>
    %dma_wait3A_98 = arith.constant 0 : i32
    %dma_wait3A_99 = arith.constant 0 : i32
    %dma_wait3A_100 = tpu.memref_slice %arg7[%dma_wait3A_98, %dma_wait3A_99] : memref<10240x16xf32, #tpu.memory_space<vmem_shared>> -> memref<10240x16xf32, #tpu.memory_space<vmem_shared>>
    tpu.wait_indirect_dma semaphore(%arg18 : memref<!tpu.dma_semaphore, #tpu.memory_space<semaphore_mem>>) src(%arg10 : memref<128x16xf32, #tpu.memory_space<vmem>>) dst(%dma_wait3A_100 : memref<10240x16xf32, #tpu.memory_space<vmem_shared>>)
    %dma_wait3A_101 = arith.constant 77 : i32
    %dma_wait3A_102 = arith.constant 0 : i32
    %dma_wait3A_103 = tpu.memref_slice %arg9[%dma_wait3A_101, %dma_wait3A_102] : memref<80x128xi32, #tpu.memory_space<vmem>> -> memref<1x128xi32, #tpu.memory_space<vmem>>
    %dma_wait3A_104 = tpu.memref_squeeze %dma_wait3A_103 : memref<1x128xi32, #tpu.memory_space<vmem>> -> memref<128xi32, #tpu.memory_space<vmem>>
    %dma_wait3A_105 = arith.constant 0 : i32
    %dma_wait3A_106 = arith.constant 0 : i32
    %dma_wait3A_107 = tpu.memref_slice %arg7[%dma_wait3A_105, %dma_wait3A_106] : memref<10240x16xf32, #tpu.memory_space<vmem_shared>> -> memref<10240x16xf32, #tpu.memory_space<vmem_shared>>
    tpu.wait_indirect_dma semaphore(%arg19 : memref<!tpu.dma_semaphore, #tpu.memory_space<semaphore_mem>>) src(%arg11 : memref<128x16xf32, #tpu.memory_space<vmem>>) dst(%dma_wait3A_107 : memref<10240x16xf32, #tpu.memory_space<vmem_shared>>)
    %dma_wait3A_108 = arith.constant 78 : i32
    %dma_wait3A_109 = arith.constant 0 : i32
    %dma_wait3A_110 = tpu.memref_slice %arg9[%dma_wait3A_108, %dma_wait3A_109] : memref<80x128xi32, #tpu.memory_space<vmem>> -> memref<1x128xi32, #tpu.memory_space<vmem>>
    %dma_wait3A_111 = tpu.memref_squeeze %dma_wait3A_110 : memref<1x128xi32, #tpu.memory_space<vmem>> -> memref<128xi32, #tpu.memory_space<vmem>>
    %dma_wait3A_112 = arith.constant 0 : i32
    %dma_wait3A_113 = arith.constant 0 : i32
    %dma_wait3A_114 = tpu.memref_slice %arg7[%dma_wait3A_112, %dma_wait3A_113] : memref<10240x16xf32, #tpu.memory_space<vmem_shared>> -> memref<10240x16xf32, #tpu.memory_space<vmem_shared>>
    tpu.wait_indirect_dma semaphore(%arg20 : memref<!tpu.dma_semaphore, #tpu.memory_space<semaphore_mem>>) src(%arg12 : memref<128x16xf32, #tpu.memory_space<vmem>>) dst(%dma_wait3A_114 : memref<10240x16xf32, #tpu.memory_space<vmem_shared>>)
    %dma_wait3A_115 = arith.constant 79 : i32
    %dma_wait3A_116 = arith.constant 0 : i32
    %dma_wait3A_117 = tpu.memref_slice %arg9[%dma_wait3A_115, %dma_wait3A_116] : memref<80x128xi32, #tpu.memory_space<vmem>> -> memref<1x128xi32, #tpu.memory_space<vmem>>
    %dma_wait3A_118 = tpu.memref_squeeze %dma_wait3A_117 : memref<1x128xi32, #tpu.memory_space<vmem>> -> memref<128xi32, #tpu.memory_space<vmem>>
    %dma_wait3A_119 = arith.constant 0 : i32
    %dma_wait3A_120 = arith.constant 0 : i32
    %dma_wait3A_121 = tpu.memref_slice %arg7[%dma_wait3A_119, %dma_wait3A_120] : memref<10240x16xf32, #tpu.memory_space<vmem_shared>> -> memref<10240x16xf32, #tpu.memory_space<vmem_shared>>
    tpu.wait_indirect_dma semaphore(%arg21 : memref<!tpu.dma_semaphore, #tpu.memory_space<semaphore_mem>>) src(%arg13 : memref<128x16xf32, #tpu.memory_space<vmem>>) dst(%dma_wait3A_121 : memref<10240x16xf32, #tpu.memory_space<vmem_shared>>)
    %barrier3A_122 = arith.constant 0 : index
    tpu.barrier barrier_id(%barrier3A_122)
    "tpu.region"() ({
      %run_scoped3A = tpu.sem_alloc : memref<!tpu.dma_semaphore, #tpu.memory_space<semaphore_mem>>
      %dma_start3A_123 = arith.constant 0 : i32
      %dma_start3A_124 = tpu.memref_slice %arg6[%arg0, %mul3A_2, %dma_start3A_123] : memref<2x10240x16xf32, #tpu.memory_space<hbm>> -> memref<1x640x16xf32, #tpu.memory_space<hbm>>
      %dma_start3A_125 = tpu.memref_squeeze %dma_start3A_124 : memref<1x640x16xf32, #tpu.memory_space<hbm>> -> memref<640x16xf32, #tpu.memory_space<hbm>>
      %dma_start3A_126 = arith.constant 0 : i32
      %dma_start3A_127 = tpu.memref_slice %arg7[%mul3A_2, %dma_start3A_126] : memref<10240x16xf32, #tpu.memory_space<vmem_shared>> -> memref<640x16xf32, #tpu.memory_space<vmem_shared>>
      tpu.enqueue_dma source(%dma_start3A_127 : memref<640x16xf32, #tpu.memory_space<vmem_shared>>) target(%dma_start3A_125 : memref<640x16xf32, #tpu.memory_space<hbm>>) target_semaphore(%run_scoped3A : memref<!tpu.dma_semaphore, #tpu.memory_space<semaphore_mem>>)
      %dma_wait3A_128 = arith.constant 0 : i32
      %dma_wait3A_129 = tpu.memref_slice %arg6[%arg0, %mul3A_2, %dma_wait3A_128] : memref<2x10240x16xf32, #tpu.memory_space<hbm>> -> memref<1x640x16xf32, #tpu.memory_space<hbm>>
      %dma_wait3A_130 = tpu.memref_squeeze %dma_wait3A_129 : memref<1x640x16xf32, #tpu.memory_space<hbm>> -> memref<640x16xf32, #tpu.memory_space<hbm>>
      %dma_wait3A_131 = arith.constant 0 : i32
      %dma_wait3A_132 = tpu.memref_slice %arg7[%mul3A_2, %dma_wait3A_131] : memref<10240x16xf32, #tpu.memory_space<vmem_shared>> -> memref<640x16xf32, #tpu.memory_space<vmem_shared>>
      tpu.wait_dma2 semaphore(%run_scoped3A : memref<!tpu.dma_semaphore, #tpu.memory_space<semaphore_mem>>) src(%dma_wait3A_132 : memref<640x16xf32, #tpu.memory_space<vmem_shared>>) dst(%dma_wait3A_130 : memref<640x16xf32, #tpu.memory_space<hbm>>)
      tpu.yield
    }) : () -> ()
    return
  }
}

#map = affine_map<(d0, d1) -> (0, 0)>
#map1 = affine_map<(d0, d1) -> (0, 0, 0)>
module attributes {stable_mosaic.version = 14 : i64} {
  func.func @k(%arg0: i32, %arg1: i32, %arg2: memref<10240x16xf32, #tpu.memory_space<hbm>>, %arg3: memref<2560x128xi32, #tpu.memory_space<hbm>>, %arg4: memref<2560x128xi32, #tpu.memory_space<hbm>>, %arg5: memref<10240x16xf32, #tpu.memory_space<hbm>>, %arg6: memref<2x10240x16xf32, #tpu.memory_space<hbm>>, %arg7: memref<10240x16xf32, #tpu.memory_space<vmem_shared>>, %arg8: memref<80x128xi32, #tpu.memory_space<vmem>>, %arg9: memref<80x128xi32, #tpu.memory_space<vmem>>, %arg10: memref<128x16xf32, #tpu.memory_space<vmem>>, %arg11: memref<128x16xf32, #tpu.memory_space<vmem>>, %arg12: memref<128x16xf32, #tpu.memory_space<vmem>>, %arg13: memref<128x16xf32, #tpu.memory_space<vmem>>, %arg14: memref<!tpu.dma_semaphore, #tpu.memory_space<semaphore_mem>>, %arg15: memref<!tpu.dma_semaphore, #tpu.memory_space<semaphore_mem>>, %arg16: memref<!tpu.dma_semaphore, #tpu.memory_space<semaphore_mem>>, %arg17: memref<!tpu.dma_semaphore, #tpu.memory_space<semaphore_mem>>, %arg18: memref<!tpu.dma_semaphore, #tpu.memory_space<semaphore_mem>>, %arg19: memref<!tpu.dma_semaphore, #tpu.memory_space<semaphore_mem>>, %arg20: memref<!tpu.dma_semaphore, #tpu.memory_space<semaphore_mem>>, %arg21: memref<!tpu.dma_semaphore, #tpu.memory_space<semaphore_mem>>) attributes {dimension_semantics = [#tpu.dimension_semantics<core_parallel>, #tpu.dimension_semantics<subcore_parallel>], iteration_bounds = array<i64: 2, 16>, scalar_prefetch = 0 : i64, scratch_operands = 15 : i64, tpu.core_type = #tpu.core_type<sc_vector_subcore>, window_params = [{transform_indices = #map}, {transform_indices = #map}, {transform_indices = #map}, {transform_indices = #map}, {transform_indices = #map1}]} {
    %mul3A = arith.constant 16 : i32
    %mul3A_0 = arith.muli %arg0, %mul3A : i32
    %add3A = arith.addi %mul3A_0, %arg1 : i32
    %mul3A_1 = arith.constant 640 : i32
    %mul3A_2 = arith.muli %arg1, %mul3A_1 : i32
    "tpu.region"() ({
      %run_scoped3A = tpu.sem_alloc : memref<!tpu.dma_semaphore, #tpu.memory_space<semaphore_mem>>
      %dma_start3A_123 = arith.constant 0 : i32
      %dma_start3A_124 = tpu.memref_slice %arg7[%mul3A_2, %dma_start3A_123] : memref<10240x16xf32, #tpu.memory_space<vmem_shared>> -> memref<640x16xf32, #tpu.memory_space<vmem_shared>>
      %dma_start3A_125 = arith.constant 0 : i32
      %dma_start3A_126 = tpu.memref_slice %arg5[%mul3A_2, %dma_start3A_125] : memref<10240x16xf32, #tpu.memory_space<hbm>> -> memref<640x16xf32, #tpu.memory_space<hbm>>
      tpu.enqueue_dma source(%dma_start3A_126 : memref<640x16xf32, #tpu.memory_space<hbm>>) target(%dma_start3A_124 : memref<640x16xf32, #tpu.memory_space<vmem_shared>>) target_semaphore(%run_scoped3A : memref<!tpu.dma_semaphore, #tpu.memory_space<semaphore_mem>>)
      %dma_wait3A_127 = arith.constant 0 : i32
      %dma_wait3A_128 = tpu.memref_slice %arg7[%mul3A_2, %dma_wait3A_127] : memref<10240x16xf32, #tpu.memory_space<vmem_shared>> -> memref<640x16xf32, #tpu.memory_space<vmem_shared>>
      %dma_wait3A_129 = arith.constant 0 : i32
      %dma_wait3A_130 = tpu.memref_slice %arg5[%mul3A_2, %dma_wait3A_129] : memref<10240x16xf32, #tpu.memory_space<hbm>> -> memref<640x16xf32, #tpu.memory_space<hbm>>
      tpu.wait_dma2 semaphore(%run_scoped3A : memref<!tpu.dma_semaphore, #tpu.memory_space<semaphore_mem>>) src(%dma_wait3A_130 : memref<640x16xf32, #tpu.memory_space<hbm>>) dst(%dma_wait3A_128 : memref<640x16xf32, #tpu.memory_space<vmem_shared>>)
      tpu.yield
    }) : () -> ()
    %mul3A_3 = arith.constant 80 : i32
    %mul3A_4 = arith.muli %add3A, %mul3A_3 : i32
    "tpu.region"() ({
      %run_scoped3A = tpu.sem_alloc : memref<!tpu.dma_semaphore, #tpu.memory_space<semaphore_mem>>
      %dma_start3A_123 = arith.constant 0 : i32
      %dma_start3A_124 = tpu.memref_slice %arg3[%mul3A_4, %dma_start3A_123] : memref<2560x128xi32, #tpu.memory_space<hbm>> -> memref<80x128xi32, #tpu.memory_space<hbm>>
      %dma_start3A_125 = arith.constant 0 : i32
      %dma_start3A_126 = tpu.memref_slice %arg3[%mul3A_4, %dma_start3A_125] : memref<2560x128xi32, #tpu.memory_space<hbm>> -> memref<80x128xi32, #tpu.memory_space<hbm>>
      tpu.enqueue_dma source(%dma_start3A_126 : memref<80x128xi32, #tpu.memory_space<hbm>>) target(%arg8 : memref<80x128xi32, #tpu.memory_space<vmem>>) target_semaphore(%run_scoped3A : memref<!tpu.dma_semaphore, #tpu.memory_space<semaphore_mem>>)
      %dma_wait3A_127 = arith.constant 0 : i32
      %dma_wait3A_128 = tpu.memref_slice %arg3[%mul3A_4, %dma_wait3A_127] : memref<2560x128xi32, #tpu.memory_space<hbm>> -> memref<80x128xi32, #tpu.memory_space<hbm>>
      %dma_wait3A_129 = arith.constant 0 : i32
      %dma_wait3A_130 = tpu.memref_slice %arg3[%mul3A_4, %dma_wait3A_129] : memref<2560x128xi32, #tpu.memory_space<hbm>> -> memref<80x128xi32, #tpu.memory_space<hbm>>
      tpu.wait_dma2 semaphore(%run_scoped3A : memref<!tpu.dma_semaphore, #tpu.memory_space<semaphore_mem>>) src(%dma_wait3A_130 : memref<80x128xi32, #tpu.memory_space<hbm>>) dst(%arg8 : memref<80x128xi32, #tpu.memory_space<vmem>>)
      tpu.yield
    }) : () -> ()
    %mul3A_5 = arith.constant 80 : i32
    %mul3A_6 = arith.muli %add3A, %mul3A_5 : i32
    "tpu.region"() ({
      %run_scoped3A = tpu.sem_alloc : memref<!tpu.dma_semaphore, #tpu.memory_space<semaphore_mem>>
      %dma_start3A_123 = arith.constant 0 : i32
      %dma_start3A_124 = tpu.memref_slice %arg4[%mul3A_6, %dma_start3A_123] : memref<2560x128xi32, #tpu.memory_space<hbm>> -> memref<80x128xi32, #tpu.memory_space<hbm>>
      %dma_start3A_125 = arith.constant 0 : i32
      %dma_start3A_126 = tpu.memref_slice %arg4[%mul3A_6, %dma_start3A_125] : memref<2560x128xi32, #tpu.memory_space<hbm>> -> memref<80x128xi32, #tpu.memory_space<hbm>>
      tpu.enqueue_dma source(%dma_start3A_126 : memref<80x128xi32, #tpu.memory_space<hbm>>) target(%arg9 : memref<80x128xi32, #tpu.memory_space<vmem>>) target_semaphore(%run_scoped3A : memref<!tpu.dma_semaphore, #tpu.memory_space<semaphore_mem>>)
      %dma_wait3A_127 = arith.constant 0 : i32
      %dma_wait3A_128 = tpu.memref_slice %arg4[%mul3A_6, %dma_wait3A_127] : memref<2560x128xi32, #tpu.memory_space<hbm>> -> memref<80x128xi32, #tpu.memory_space<hbm>>
      %dma_wait3A_129 = arith.constant 0 : i32
      %dma_wait3A_130 = tpu.memref_slice %arg4[%mul3A_6, %dma_wait3A_129] : memref<2560x128xi32, #tpu.memory_space<hbm>> -> memref<80x128xi32, #tpu.memory_space<hbm>>
      tpu.wait_dma2 semaphore(%run_scoped3A : memref<!tpu.dma_semaphore, #tpu.memory_space<semaphore_mem>>) src(%dma_wait3A_130 : memref<80x128xi32, #tpu.memory_space<hbm>>) dst(%arg9 : memref<80x128xi32, #tpu.memory_space<vmem>>)
      tpu.yield
    }) : () -> ()
    %barrier3A = arith.constant 0 : index
    tpu.barrier barrier_id(%barrier3A)
    %dma_start3A = arith.constant 0 : i32
    %dma_start3A_7 = arith.constant 0 : i32
    %dma_start3A_8 = tpu.memref_slice %arg8[%dma_start3A, %dma_start3A_7] : memref<80x128xi32, #tpu.memory_space<vmem>> -> memref<1x128xi32, #tpu.memory_space<vmem>>
    %dma_start3A_9 = tpu.memref_squeeze %dma_start3A_8 : memref<1x128xi32, #tpu.memory_space<vmem>> -> memref<128xi32, #tpu.memory_space<vmem>>
    %dma_start3A_10 = arith.constant 0 : i32
    %dma_start3A_11 = arith.constant 0 : i32
    %dma_start3A_12 = tpu.memref_slice %arg2[%dma_start3A_10, %dma_start3A_11] : memref<10240x16xf32, #tpu.memory_space<hbm>> -> memref<10240x16xf32, #tpu.memory_space<hbm>>
    tpu.enqueue_indirect_dma source(%dma_start3A_12 : memref<10240x16xf32, #tpu.memory_space<hbm>>) target(%arg10 : memref<128x16xf32, #tpu.memory_space<vmem>>) offsets(%dma_start3A_9 : memref<128xi32, #tpu.memory_space<vmem>>) semaphore(%arg14 : memref<!tpu.dma_semaphore, #tpu.memory_space<semaphore_mem>>)
    %dma_start3A_13 = arith.constant 1 : i32
    %dma_start3A_14 = arith.constant 0 : i32
    %dma_start3A_15 = tpu.memref_slice %arg8[%dma_start3A_13, %dma_start3A_14] : memref<80x128xi32, #tpu.memory_space<vmem>> -> memref<1x128xi32, #tpu.memory_space<vmem>>
    %dma_start3A_16 = tpu.memref_squeeze %dma_start3A_15 : memref<1x128xi32, #tpu.memory_space<vmem>> -> memref<128xi32, #tpu.memory_space<vmem>>
    %dma_start3A_17 = arith.constant 0 : i32
    %dma_start3A_18 = arith.constant 0 : i32
    %dma_start3A_19 = tpu.memref_slice %arg2[%dma_start3A_17, %dma_start3A_18] : memref<10240x16xf32, #tpu.memory_space<hbm>> -> memref<10240x16xf32, #tpu.memory_space<hbm>>
    tpu.enqueue_indirect_dma source(%dma_start3A_19 : memref<10240x16xf32, #tpu.memory_space<hbm>>) target(%arg11 : memref<128x16xf32, #tpu.memory_space<vmem>>) offsets(%dma_start3A_16 : memref<128xi32, #tpu.memory_space<vmem>>) semaphore(%arg15 : memref<!tpu.dma_semaphore, #tpu.memory_space<semaphore_mem>>)
    %dma_start3A_20 = arith.constant 2 : i32
    %dma_start3A_21 = arith.constant 0 : i32
    %dma_start3A_22 = tpu.memref_slice %arg8[%dma_start3A_20, %dma_start3A_21] : memref<80x128xi32, #tpu.memory_space<vmem>> -> memref<1x128xi32, #tpu.memory_space<vmem>>
    %dma_start3A_23 = tpu.memref_squeeze %dma_start3A_22 : memref<1x128xi32, #tpu.memory_space<vmem>> -> memref<128xi32, #tpu.memory_space<vmem>>
    %dma_start3A_24 = arith.constant 0 : i32
    %dma_start3A_25 = arith.constant 0 : i32
    %dma_start3A_26 = tpu.memref_slice %arg2[%dma_start3A_24, %dma_start3A_25] : memref<10240x16xf32, #tpu.memory_space<hbm>> -> memref<10240x16xf32, #tpu.memory_space<hbm>>
    tpu.enqueue_indirect_dma source(%dma_start3A_26 : memref<10240x16xf32, #tpu.memory_space<hbm>>) target(%arg12 : memref<128x16xf32, #tpu.memory_space<vmem>>) offsets(%dma_start3A_23 : memref<128xi32, #tpu.memory_space<vmem>>) semaphore(%arg16 : memref<!tpu.dma_semaphore, #tpu.memory_space<semaphore_mem>>)
    %dma_start3A_27 = arith.constant 3 : i32
    %dma_start3A_28 = arith.constant 0 : i32
    %dma_start3A_29 = tpu.memref_slice %arg8[%dma_start3A_27, %dma_start3A_28] : memref<80x128xi32, #tpu.memory_space<vmem>> -> memref<1x128xi32, #tpu.memory_space<vmem>>
    %dma_start3A_30 = tpu.memref_squeeze %dma_start3A_29 : memref<1x128xi32, #tpu.memory_space<vmem>> -> memref<128xi32, #tpu.memory_space<vmem>>
    %dma_start3A_31 = arith.constant 0 : i32
    %dma_start3A_32 = arith.constant 0 : i32
    %dma_start3A_33 = tpu.memref_slice %arg2[%dma_start3A_31, %dma_start3A_32] : memref<10240x16xf32, #tpu.memory_space<hbm>> -> memref<10240x16xf32, #tpu.memory_space<hbm>>
    tpu.enqueue_indirect_dma source(%dma_start3A_33 : memref<10240x16xf32, #tpu.memory_space<hbm>>) target(%arg13 : memref<128x16xf32, #tpu.memory_space<vmem>>) offsets(%dma_start3A_30 : memref<128xi32, #tpu.memory_space<vmem>>) semaphore(%arg17 : memref<!tpu.dma_semaphore, #tpu.memory_space<semaphore_mem>>)
    %dma_wait3A = arith.constant 0 : i32
    %dma_wait3A_34 = arith.constant 0 : i32
    %dma_wait3A_35 = tpu.memref_slice %arg8[%dma_wait3A, %dma_wait3A_34] : memref<80x128xi32, #tpu.memory_space<vmem>> -> memref<1x128xi32, #tpu.memory_space<vmem>>
    %dma_wait3A_36 = tpu.memref_squeeze %dma_wait3A_35 : memref<1x128xi32, #tpu.memory_space<vmem>> -> memref<128xi32, #tpu.memory_space<vmem>>
    %dma_wait3A_37 = arith.constant 0 : i32
    %dma_wait3A_38 = arith.constant 0 : i32
    %dma_wait3A_39 = tpu.memref_slice %arg2[%dma_wait3A_37, %dma_wait3A_38] : memref<10240x16xf32, #tpu.memory_space<hbm>> -> memref<10240x16xf32, #tpu.memory_space<hbm>>
    tpu.wait_indirect_dma semaphore(%arg14 : memref<!tpu.dma_semaphore, #tpu.memory_space<semaphore_mem>>) src(%dma_wait3A_39 : memref<10240x16xf32, #tpu.memory_space<hbm>>) dst(%arg10 : memref<128x16xf32, #tpu.memory_space<vmem>>)
    %dma_start3A_40 = arith.constant 0 : i32
    %dma_start3A_41 = arith.constant 0 : i32
    %dma_start3A_42 = tpu.memref_slice %arg9[%dma_start3A_40, %dma_start3A_41] : memref<80x128xi32, #tpu.memory_space<vmem>> -> memref<1x128xi32, #tpu.memory_space<vmem>>
    %dma_start3A_43 = tpu.memref_squeeze %dma_start3A_42 : memref<1x128xi32, #tpu.memory_space<vmem>> -> memref<128xi32, #tpu.memory_space<vmem>>
    %dma_start3A_44 = arith.constant 0 : i32
    %dma_start3A_45 = arith.constant 0 : i32
    %dma_start3A_46 = tpu.memref_slice %arg7[%dma_start3A_44, %dma_start3A_45] : memref<10240x16xf32, #tpu.memory_space<vmem_shared>> -> memref<10240x16xf32, #tpu.memory_space<vmem_shared>>
    tpu.enqueue_indirect_dma source(%arg10 : memref<128x16xf32, #tpu.memory_space<vmem>>) target(%dma_start3A_46 : memref<10240x16xf32, #tpu.memory_space<vmem_shared>>) offsets(%dma_start3A_43 : memref<128xi32, #tpu.memory_space<vmem>>) semaphore(%arg18 : memref<!tpu.dma_semaphore, #tpu.memory_space<semaphore_mem>>) {add = true}
    %dma_wait3A_47 = arith.constant 1 : i32
    %dma_wait3A_48 = arith.constant 0 : i32
    %dma_wait3A_49 = tpu.memref_slice %arg8[%dma_wait3A_47, %dma_wait3A_48] : memref<80x128xi32, #tpu.memory_space<vmem>> -> memref<1x128xi32, #tpu.memory_space<vmem>>
    %dma_wait3A_50 = tpu.memref_squeeze %dma_wait3A_49 : memref<1x128xi32, #tpu.memory_space<vmem>> -> memref<128xi32, #tpu.memory_space<vmem>>
    %dma_wait3A_51 = arith.constant 0 : i32
    %dma_wait3A_52 = arith.constant 0 : i32
    %dma_wait3A_53 = tpu.memref_slice %arg2[%dma_wait3A_51, %dma_wait3A_52] : memref<10240x16xf32, #tpu.memory_space<hbm>> -> memref<10240x16xf32, #tpu.memory_space<hbm>>
    tpu.wait_indirect_dma semaphore(%arg15 : memref<!tpu.dma_semaphore, #tpu.memory_space<semaphore_mem>>) src(%dma_wait3A_53 : memref<10240x16xf32, #tpu.memory_space<hbm>>) dst(%arg11 : memref<128x16xf32, #tpu.memory_space<vmem>>)
    %dma_start3A_54 = arith.constant 1 : i32
    %dma_start3A_55 = arith.constant 0 : i32
    %dma_start3A_56 = tpu.memref_slice %arg9[%dma_start3A_54, %dma_start3A_55] : memref<80x128xi32, #tpu.memory_space<vmem>> -> memref<1x128xi32, #tpu.memory_space<vmem>>
    %dma_start3A_57 = tpu.memref_squeeze %dma_start3A_56 : memref<1x128xi32, #tpu.memory_space<vmem>> -> memref<128xi32, #tpu.memory_space<vmem>>
    %dma_start3A_58 = arith.constant 0 : i32
    %dma_start3A_59 = arith.constant 0 : i32
    %dma_start3A_60 = tpu.memref_slice %arg7[%dma_start3A_58, %dma_start3A_59] : memref<10240x16xf32, #tpu.memory_space<vmem_shared>> -> memref<10240x16xf32, #tpu.memory_space<vmem_shared>>
    tpu.enqueue_indirect_dma source(%arg11 : memref<128x16xf32, #tpu.memory_space<vmem>>) target(%dma_start3A_60 : memref<10240x16xf32, #tpu.memory_space<vmem_shared>>) offsets(%dma_start3A_57 : memref<128xi32, #tpu.memory_space<vmem>>) semaphore(%arg19 : memref<!tpu.dma_semaphore, #tpu.memory_space<semaphore_mem>>) {add = true}
    %scan3A = arith.constant 0 : i32
    %scan3A_61 = arith.constant 0 : i32
    %scan3A_62 = arith.constant 19 : i32
    %scan3A_63 = arith.addi %scan3A_61, %scan3A_62 : i32
    %scan3A_64 = arith.constant 1 : i32
    scf.for %scan3A_123 = %scan3A_61 to %scan3A_63 step %scan3A_64  : i32 {
      %mul3A_124 = arith.constant 4 : i32
      %mul3A_125 = arith.muli %scan3A_123, %mul3A_124 : i32
      %add3A_126 = arith.constant 2 : i32
      %add3A_127 = arith.addi %mul3A_125, %add3A_126 : i32
      %dma_wait3A_128 = arith.constant 0 : i32
      %dma_wait3A_129 = tpu.memref_slice %arg8[%add3A_127, %dma_wait3A_128] : memref<80x128xi32, #tpu.memory_space<vmem>> -> memref<1x128xi32, #tpu.memory_space<vmem>>
      %dma_wait3A_130 = tpu.memref_squeeze %dma_wait3A_129 : memref<1x128xi32, #tpu.memory_space<vmem>> -> memref<128xi32, #tpu.memory_space<vmem>>
      %dma_wait3A_131 = arith.constant 0 : i32
      %dma_wait3A_132 = arith.constant 0 : i32
      %dma_wait3A_133 = tpu.memref_slice %arg2[%dma_wait3A_131, %dma_wait3A_132] : memref<10240x16xf32, #tpu.memory_space<hbm>> -> memref<10240x16xf32, #tpu.memory_space<hbm>>
      tpu.wait_indirect_dma semaphore(%arg16 : memref<!tpu.dma_semaphore, #tpu.memory_space<semaphore_mem>>) src(%dma_wait3A_133 : memref<10240x16xf32, #tpu.memory_space<hbm>>) dst(%arg12 : memref<128x16xf32, #tpu.memory_space<vmem>>)
      %dma_start3A_134 = arith.constant 0 : i32
      %dma_start3A_135 = tpu.memref_slice %arg9[%add3A_127, %dma_start3A_134] : memref<80x128xi32, #tpu.memory_space<vmem>> -> memref<1x128xi32, #tpu.memory_space<vmem>>
      %dma_start3A_136 = tpu.memref_squeeze %dma_start3A_135 : memref<1x128xi32, #tpu.memory_space<vmem>> -> memref<128xi32, #tpu.memory_space<vmem>>
      %dma_start3A_137 = arith.constant 0 : i32
      %dma_start3A_138 = arith.constant 0 : i32
      %dma_start3A_139 = tpu.memref_slice %arg7[%dma_start3A_137, %dma_start3A_138] : memref<10240x16xf32, #tpu.memory_space<vmem_shared>> -> memref<10240x16xf32, #tpu.memory_space<vmem_shared>>
      tpu.enqueue_indirect_dma source(%arg12 : memref<128x16xf32, #tpu.memory_space<vmem>>) target(%dma_start3A_139 : memref<10240x16xf32, #tpu.memory_space<vmem_shared>>) offsets(%dma_start3A_136 : memref<128xi32, #tpu.memory_space<vmem>>) semaphore(%arg20 : memref<!tpu.dma_semaphore, #tpu.memory_space<semaphore_mem>>) {add = true}
      %sub3A = arith.constant 2 : i32
      %sub3A_140 = arith.subi %add3A_127, %sub3A : i32
      %dma_wait3A_141 = arith.constant 0 : i32
      %dma_wait3A_142 = tpu.memref_slice %arg9[%sub3A_140, %dma_wait3A_141] : memref<80x128xi32, #tpu.memory_space<vmem>> -> memref<1x128xi32, #tpu.memory_space<vmem>>
      %dma_wait3A_143 = tpu.memref_squeeze %dma_wait3A_142 : memref<1x128xi32, #tpu.memory_space<vmem>> -> memref<128xi32, #tpu.memory_space<vmem>>
      %dma_wait3A_144 = arith.constant 0 : i32
      %dma_wait3A_145 = arith.constant 0 : i32
      %dma_wait3A_146 = tpu.memref_slice %arg7[%dma_wait3A_144, %dma_wait3A_145] : memref<10240x16xf32, #tpu.memory_space<vmem_shared>> -> memref<10240x16xf32, #tpu.memory_space<vmem_shared>>
      tpu.wait_indirect_dma semaphore(%arg18 : memref<!tpu.dma_semaphore, #tpu.memory_space<semaphore_mem>>) src(%arg10 : memref<128x16xf32, #tpu.memory_space<vmem>>) dst(%dma_wait3A_146 : memref<10240x16xf32, #tpu.memory_space<vmem_shared>>)
      %add3A_147 = arith.constant 2 : i32
      %add3A_148 = arith.addi %add3A_127, %add3A_147 : i32
      %dma_start3A_149 = arith.constant 0 : i32
      %dma_start3A_150 = tpu.memref_slice %arg8[%add3A_148, %dma_start3A_149] : memref<80x128xi32, #tpu.memory_space<vmem>> -> memref<1x128xi32, #tpu.memory_space<vmem>>
      %dma_start3A_151 = tpu.memref_squeeze %dma_start3A_150 : memref<1x128xi32, #tpu.memory_space<vmem>> -> memref<128xi32, #tpu.memory_space<vmem>>
      %dma_start3A_152 = arith.constant 0 : i32
      %dma_start3A_153 = arith.constant 0 : i32
      %dma_start3A_154 = tpu.memref_slice %arg2[%dma_start3A_152, %dma_start3A_153] : memref<10240x16xf32, #tpu.memory_space<hbm>> -> memref<10240x16xf32, #tpu.memory_space<hbm>>
      tpu.enqueue_indirect_dma source(%dma_start3A_154 : memref<10240x16xf32, #tpu.memory_space<hbm>>) target(%arg10 : memref<128x16xf32, #tpu.memory_space<vmem>>) offsets(%dma_start3A_151 : memref<128xi32, #tpu.memory_space<vmem>>) semaphore(%arg14 : memref<!tpu.dma_semaphore, #tpu.memory_space<semaphore_mem>>)
      %mul3A_155 = arith.constant 4 : i32
      %mul3A_156 = arith.muli %scan3A_123, %mul3A_155 : i32
      %add3A_157 = arith.constant 3 : i32
      %add3A_158 = arith.addi %mul3A_156, %add3A_157 : i32
      %dma_wait3A_159 = arith.constant 0 : i32
      %dma_wait3A_160 = tpu.memref_slice %arg8[%add3A_158, %dma_wait3A_159] : memref<80x128xi32, #tpu.memory_space<vmem>> -> memref<1x128xi32, #tpu.memory_space<vmem>>
      %dma_wait3A_161 = tpu.memref_squeeze %dma_wait3A_160 : memref<1x128xi32, #tpu.memory_space<vmem>> -> memref<128xi32, #tpu.memory_space<vmem>>
      %dma_wait3A_162 = arith.constant 0 : i32
      %dma_wait3A_163 = arith.constant 0 : i32
      %dma_wait3A_164 = tpu.memref_slice %arg2[%dma_wait3A_162, %dma_wait3A_163] : memref<10240x16xf32, #tpu.memory_space<hbm>> -> memref<10240x16xf32, #tpu.memory_space<hbm>>
      tpu.wait_indirect_dma semaphore(%arg17 : memref<!tpu.dma_semaphore, #tpu.memory_space<semaphore_mem>>) src(%dma_wait3A_164 : memref<10240x16xf32, #tpu.memory_space<hbm>>) dst(%arg13 : memref<128x16xf32, #tpu.memory_space<vmem>>)
      %dma_start3A_165 = arith.constant 0 : i32
      %dma_start3A_166 = tpu.memref_slice %arg9[%add3A_158, %dma_start3A_165] : memref<80x128xi32, #tpu.memory_space<vmem>> -> memref<1x128xi32, #tpu.memory_space<vmem>>
      %dma_start3A_167 = tpu.memref_squeeze %dma_start3A_166 : memref<1x128xi32, #tpu.memory_space<vmem>> -> memref<128xi32, #tpu.memory_space<vmem>>
      %dma_start3A_168 = arith.constant 0 : i32
      %dma_start3A_169 = arith.constant 0 : i32
      %dma_start3A_170 = tpu.memref_slice %arg7[%dma_start3A_168, %dma_start3A_169] : memref<10240x16xf32, #tpu.memory_space<vmem_shared>> -> memref<10240x16xf32, #tpu.memory_space<vmem_shared>>
      tpu.enqueue_indirect_dma source(%arg13 : memref<128x16xf32, #tpu.memory_space<vmem>>) target(%dma_start3A_170 : memref<10240x16xf32, #tpu.memory_space<vmem_shared>>) offsets(%dma_start3A_167 : memref<128xi32, #tpu.memory_space<vmem>>) semaphore(%arg21 : memref<!tpu.dma_semaphore, #tpu.memory_space<semaphore_mem>>) {add = true}
      %sub3A_171 = arith.constant 2 : i32
      %sub3A_172 = arith.subi %add3A_158, %sub3A_171 : i32
      %dma_wait3A_173 = arith.constant 0 : i32
      %dma_wait3A_174 = tpu.memref_slice %arg9[%sub3A_172, %dma_wait3A_173] : memref<80x128xi32, #tpu.memory_space<vmem>> -> memref<1x128xi32, #tpu.memory_space<vmem>>
      %dma_wait3A_175 = tpu.memref_squeeze %dma_wait3A_174 : memref<1x128xi32, #tpu.memory_space<vmem>> -> memref<128xi32, #tpu.memory_space<vmem>>
      %dma_wait3A_176 = arith.constant 0 : i32
      %dma_wait3A_177 = arith.constant 0 : i32
      %dma_wait3A_178 = tpu.memref_slice %arg7[%dma_wait3A_176, %dma_wait3A_177] : memref<10240x16xf32, #tpu.memory_space<vmem_shared>> -> memref<10240x16xf32, #tpu.memory_space<vmem_shared>>
      tpu.wait_indirect_dma semaphore(%arg19 : memref<!tpu.dma_semaphore, #tpu.memory_space<semaphore_mem>>) src(%arg11 : memref<128x16xf32, #tpu.memory_space<vmem>>) dst(%dma_wait3A_178 : memref<10240x16xf32, #tpu.memory_space<vmem_shared>>)
      %add3A_179 = arith.constant 2 : i32
      %add3A_180 = arith.addi %add3A_158, %add3A_179 : i32
      %dma_start3A_181 = arith.constant 0 : i32
      %dma_start3A_182 = tpu.memref_slice %arg8[%add3A_180, %dma_start3A_181] : memref<80x128xi32, #tpu.memory_space<vmem>> -> memref<1x128xi32, #tpu.memory_space<vmem>>
      %dma_start3A_183 = tpu.memref_squeeze %dma_start3A_182 : memref<1x128xi32, #tpu.memory_space<vmem>> -> memref<128xi32, #tpu.memory_space<vmem>>
      %dma_start3A_184 = arith.constant 0 : i32
      %dma_start3A_185 = arith.constant 0 : i32
      %dma_start3A_186 = tpu.memref_slice %arg2[%dma_start3A_184, %dma_start3A_185] : memref<10240x16xf32, #tpu.memory_space<hbm>> -> memref<10240x16xf32, #tpu.memory_space<hbm>>
      tpu.enqueue_indirect_dma source(%dma_start3A_186 : memref<10240x16xf32, #tpu.memory_space<hbm>>) target(%arg11 : memref<128x16xf32, #tpu.memory_space<vmem>>) offsets(%dma_start3A_183 : memref<128xi32, #tpu.memory_space<vmem>>) semaphore(%arg15 : memref<!tpu.dma_semaphore, #tpu.memory_space<semaphore_mem>>)
      %mul3A_187 = arith.constant 4 : i32
      %mul3A_188 = arith.muli %scan3A_123, %mul3A_187 : i32
      %add3A_189 = arith.constant 4 : i32
      %add3A_190 = arith.addi %mul3A_188, %add3A_189 : i32
      %dma_wait3A_191 = arith.constant 0 : i32
      %dma_wait3A_192 = tpu.memref_slice %arg8[%add3A_190, %dma_wait3A_191] : memref<80x128xi32, #tpu.memory_space<vmem>> -> memref<1x128xi32, #tpu.memory_space<vmem>>
      %dma_wait3A_193 = tpu.memref_squeeze %dma_wait3A_192 : memref<1x128xi32, #tpu.memory_space<vmem>> -> memref<128xi32, #tpu.memory_space<vmem>>
      %dma_wait3A_194 = arith.constant 0 : i32
      %dma_wait3A_195 = arith.constant 0 : i32
      %dma_wait3A_196 = tpu.memref_slice %arg2[%dma_wait3A_194, %dma_wait3A_195] : memref<10240x16xf32, #tpu.memory_space<hbm>> -> memref<10240x16xf32, #tpu.memory_space<hbm>>
      tpu.wait_indirect_dma semaphore(%arg14 : memref<!tpu.dma_semaphore, #tpu.memory_space<semaphore_mem>>) src(%dma_wait3A_196 : memref<10240x16xf32, #tpu.memory_space<hbm>>) dst(%arg10 : memref<128x16xf32, #tpu.memory_space<vmem>>)
      %dma_start3A_197 = arith.constant 0 : i32
      %dma_start3A_198 = tpu.memref_slice %arg9[%add3A_190, %dma_start3A_197] : memref<80x128xi32, #tpu.memory_space<vmem>> -> memref<1x128xi32, #tpu.memory_space<vmem>>
      %dma_start3A_199 = tpu.memref_squeeze %dma_start3A_198 : memref<1x128xi32, #tpu.memory_space<vmem>> -> memref<128xi32, #tpu.memory_space<vmem>>
      %dma_start3A_200 = arith.constant 0 : i32
      %dma_start3A_201 = arith.constant 0 : i32
      %dma_start3A_202 = tpu.memref_slice %arg7[%dma_start3A_200, %dma_start3A_201] : memref<10240x16xf32, #tpu.memory_space<vmem_shared>> -> memref<10240x16xf32, #tpu.memory_space<vmem_shared>>
      tpu.enqueue_indirect_dma source(%arg10 : memref<128x16xf32, #tpu.memory_space<vmem>>) target(%dma_start3A_202 : memref<10240x16xf32, #tpu.memory_space<vmem_shared>>) offsets(%dma_start3A_199 : memref<128xi32, #tpu.memory_space<vmem>>) semaphore(%arg18 : memref<!tpu.dma_semaphore, #tpu.memory_space<semaphore_mem>>) {add = true}
      %sub3A_203 = arith.constant 2 : i32
      %sub3A_204 = arith.subi %add3A_190, %sub3A_203 : i32
      %dma_wait3A_205 = arith.constant 0 : i32
      %dma_wait3A_206 = tpu.memref_slice %arg9[%sub3A_204, %dma_wait3A_205] : memref<80x128xi32, #tpu.memory_space<vmem>> -> memref<1x128xi32, #tpu.memory_space<vmem>>
      %dma_wait3A_207 = tpu.memref_squeeze %dma_wait3A_206 : memref<1x128xi32, #tpu.memory_space<vmem>> -> memref<128xi32, #tpu.memory_space<vmem>>
      %dma_wait3A_208 = arith.constant 0 : i32
      %dma_wait3A_209 = arith.constant 0 : i32
      %dma_wait3A_210 = tpu.memref_slice %arg7[%dma_wait3A_208, %dma_wait3A_209] : memref<10240x16xf32, #tpu.memory_space<vmem_shared>> -> memref<10240x16xf32, #tpu.memory_space<vmem_shared>>
      tpu.wait_indirect_dma semaphore(%arg20 : memref<!tpu.dma_semaphore, #tpu.memory_space<semaphore_mem>>) src(%arg12 : memref<128x16xf32, #tpu.memory_space<vmem>>) dst(%dma_wait3A_210 : memref<10240x16xf32, #tpu.memory_space<vmem_shared>>)
      %add3A_211 = arith.constant 2 : i32
      %add3A_212 = arith.addi %add3A_190, %add3A_211 : i32
      %dma_start3A_213 = arith.constant 0 : i32
      %dma_start3A_214 = tpu.memref_slice %arg8[%add3A_212, %dma_start3A_213] : memref<80x128xi32, #tpu.memory_space<vmem>> -> memref<1x128xi32, #tpu.memory_space<vmem>>
      %dma_start3A_215 = tpu.memref_squeeze %dma_start3A_214 : memref<1x128xi32, #tpu.memory_space<vmem>> -> memref<128xi32, #tpu.memory_space<vmem>>
      %dma_start3A_216 = arith.constant 0 : i32
      %dma_start3A_217 = arith.constant 0 : i32
      %dma_start3A_218 = tpu.memref_slice %arg2[%dma_start3A_216, %dma_start3A_217] : memref<10240x16xf32, #tpu.memory_space<hbm>> -> memref<10240x16xf32, #tpu.memory_space<hbm>>
      tpu.enqueue_indirect_dma source(%dma_start3A_218 : memref<10240x16xf32, #tpu.memory_space<hbm>>) target(%arg12 : memref<128x16xf32, #tpu.memory_space<vmem>>) offsets(%dma_start3A_215 : memref<128xi32, #tpu.memory_space<vmem>>) semaphore(%arg16 : memref<!tpu.dma_semaphore, #tpu.memory_space<semaphore_mem>>)
      %mul3A_219 = arith.constant 4 : i32
      %mul3A_220 = arith.muli %scan3A_123, %mul3A_219 : i32
      %add3A_221 = arith.constant 5 : i32
      %add3A_222 = arith.addi %mul3A_220, %add3A_221 : i32
      %dma_wait3A_223 = arith.constant 0 : i32
      %dma_wait3A_224 = tpu.memref_slice %arg8[%add3A_222, %dma_wait3A_223] : memref<80x128xi32, #tpu.memory_space<vmem>> -> memref<1x128xi32, #tpu.memory_space<vmem>>
      %dma_wait3A_225 = tpu.memref_squeeze %dma_wait3A_224 : memref<1x128xi32, #tpu.memory_space<vmem>> -> memref<128xi32, #tpu.memory_space<vmem>>
      %dma_wait3A_226 = arith.constant 0 : i32
      %dma_wait3A_227 = arith.constant 0 : i32
      %dma_wait3A_228 = tpu.memref_slice %arg2[%dma_wait3A_226, %dma_wait3A_227] : memref<10240x16xf32, #tpu.memory_space<hbm>> -> memref<10240x16xf32, #tpu.memory_space<hbm>>
      tpu.wait_indirect_dma semaphore(%arg15 : memref<!tpu.dma_semaphore, #tpu.memory_space<semaphore_mem>>) src(%dma_wait3A_228 : memref<10240x16xf32, #tpu.memory_space<hbm>>) dst(%arg11 : memref<128x16xf32, #tpu.memory_space<vmem>>)
      %dma_start3A_229 = arith.constant 0 : i32
      %dma_start3A_230 = tpu.memref_slice %arg9[%add3A_222, %dma_start3A_229] : memref<80x128xi32, #tpu.memory_space<vmem>> -> memref<1x128xi32, #tpu.memory_space<vmem>>
      %dma_start3A_231 = tpu.memref_squeeze %dma_start3A_230 : memref<1x128xi32, #tpu.memory_space<vmem>> -> memref<128xi32, #tpu.memory_space<vmem>>
      %dma_start3A_232 = arith.constant 0 : i32
      %dma_start3A_233 = arith.constant 0 : i32
      %dma_start3A_234 = tpu.memref_slice %arg7[%dma_start3A_232, %dma_start3A_233] : memref<10240x16xf32, #tpu.memory_space<vmem_shared>> -> memref<10240x16xf32, #tpu.memory_space<vmem_shared>>
      tpu.enqueue_indirect_dma source(%arg11 : memref<128x16xf32, #tpu.memory_space<vmem>>) target(%dma_start3A_234 : memref<10240x16xf32, #tpu.memory_space<vmem_shared>>) offsets(%dma_start3A_231 : memref<128xi32, #tpu.memory_space<vmem>>) semaphore(%arg19 : memref<!tpu.dma_semaphore, #tpu.memory_space<semaphore_mem>>) {add = true}
      %sub3A_235 = arith.constant 2 : i32
      %sub3A_236 = arith.subi %add3A_222, %sub3A_235 : i32
      %dma_wait3A_237 = arith.constant 0 : i32
      %dma_wait3A_238 = tpu.memref_slice %arg9[%sub3A_236, %dma_wait3A_237] : memref<80x128xi32, #tpu.memory_space<vmem>> -> memref<1x128xi32, #tpu.memory_space<vmem>>
      %dma_wait3A_239 = tpu.memref_squeeze %dma_wait3A_238 : memref<1x128xi32, #tpu.memory_space<vmem>> -> memref<128xi32, #tpu.memory_space<vmem>>
      %dma_wait3A_240 = arith.constant 0 : i32
      %dma_wait3A_241 = arith.constant 0 : i32
      %dma_wait3A_242 = tpu.memref_slice %arg7[%dma_wait3A_240, %dma_wait3A_241] : memref<10240x16xf32, #tpu.memory_space<vmem_shared>> -> memref<10240x16xf32, #tpu.memory_space<vmem_shared>>
      tpu.wait_indirect_dma semaphore(%arg21 : memref<!tpu.dma_semaphore, #tpu.memory_space<semaphore_mem>>) src(%arg13 : memref<128x16xf32, #tpu.memory_space<vmem>>) dst(%dma_wait3A_242 : memref<10240x16xf32, #tpu.memory_space<vmem_shared>>)
      %add3A_243 = arith.constant 2 : i32
      %add3A_244 = arith.addi %add3A_222, %add3A_243 : i32
      %dma_start3A_245 = arith.constant 0 : i32
      %dma_start3A_246 = tpu.memref_slice %arg8[%add3A_244, %dma_start3A_245] : memref<80x128xi32, #tpu.memory_space<vmem>> -> memref<1x128xi32, #tpu.memory_space<vmem>>
      %dma_start3A_247 = tpu.memref_squeeze %dma_start3A_246 : memref<1x128xi32, #tpu.memory_space<vmem>> -> memref<128xi32, #tpu.memory_space<vmem>>
      %dma_start3A_248 = arith.constant 0 : i32
      %dma_start3A_249 = arith.constant 0 : i32
      %dma_start3A_250 = tpu.memref_slice %arg2[%dma_start3A_248, %dma_start3A_249] : memref<10240x16xf32, #tpu.memory_space<hbm>> -> memref<10240x16xf32, #tpu.memory_space<hbm>>
      tpu.enqueue_indirect_dma source(%dma_start3A_250 : memref<10240x16xf32, #tpu.memory_space<hbm>>) target(%arg13 : memref<128x16xf32, #tpu.memory_space<vmem>>) offsets(%dma_start3A_247 : memref<128xi32, #tpu.memory_space<vmem>>) semaphore(%arg17 : memref<!tpu.dma_semaphore, #tpu.memory_space<semaphore_mem>>)
    }
    %scan3A_65 = arith.constant 19 : i32
    %dma_wait3A_66 = arith.constant 78 : i32
    %dma_wait3A_67 = arith.constant 0 : i32
    %dma_wait3A_68 = tpu.memref_slice %arg8[%dma_wait3A_66, %dma_wait3A_67] : memref<80x128xi32, #tpu.memory_space<vmem>> -> memref<1x128xi32, #tpu.memory_space<vmem>>
    %dma_wait3A_69 = tpu.memref_squeeze %dma_wait3A_68 : memref<1x128xi32, #tpu.memory_space<vmem>> -> memref<128xi32, #tpu.memory_space<vmem>>
    %dma_wait3A_70 = arith.constant 0 : i32
    %dma_wait3A_71 = arith.constant 0 : i32
    %dma_wait3A_72 = tpu.memref_slice %arg2[%dma_wait3A_70, %dma_wait3A_71] : memref<10240x16xf32, #tpu.memory_space<hbm>> -> memref<10240x16xf32, #tpu.memory_space<hbm>>
    tpu.wait_indirect_dma semaphore(%arg16 : memref<!tpu.dma_semaphore, #tpu.memory_space<semaphore_mem>>) src(%dma_wait3A_72 : memref<10240x16xf32, #tpu.memory_space<hbm>>) dst(%arg12 : memref<128x16xf32, #tpu.memory_space<vmem>>)
    %dma_start3A_73 = arith.constant 78 : i32
    %dma_start3A_74 = arith.constant 0 : i32
    %dma_start3A_75 = tpu.memref_slice %arg9[%dma_start3A_73, %dma_start3A_74] : memref<80x128xi32, #tpu.memory_space<vmem>> -> memref<1x128xi32, #tpu.memory_space<vmem>>
    %dma_start3A_76 = tpu.memref_squeeze %dma_start3A_75 : memref<1x128xi32, #tpu.memory_space<vmem>> -> memref<128xi32, #tpu.memory_space<vmem>>
    %dma_start3A_77 = arith.constant 0 : i32
    %dma_start3A_78 = arith.constant 0 : i32
    %dma_start3A_79 = tpu.memref_slice %arg7[%dma_start3A_77, %dma_start3A_78] : memref<10240x16xf32, #tpu.memory_space<vmem_shared>> -> memref<10240x16xf32, #tpu.memory_space<vmem_shared>>
    tpu.enqueue_indirect_dma source(%arg12 : memref<128x16xf32, #tpu.memory_space<vmem>>) target(%dma_start3A_79 : memref<10240x16xf32, #tpu.memory_space<vmem_shared>>) offsets(%dma_start3A_76 : memref<128xi32, #tpu.memory_space<vmem>>) semaphore(%arg20 : memref<!tpu.dma_semaphore, #tpu.memory_space<semaphore_mem>>) {add = true}
    %dma_wait3A_80 = arith.constant 79 : i32
    %dma_wait3A_81 = arith.constant 0 : i32
    %dma_wait3A_82 = tpu.memref_slice %arg8[%dma_wait3A_80, %dma_wait3A_81] : memref<80x128xi32, #tpu.memory_space<vmem>> -> memref<1x128xi32, #tpu.memory_space<vmem>>
    %dma_wait3A_83 = tpu.memref_squeeze %dma_wait3A_82 : memref<1x128xi32, #tpu.memory_space<vmem>> -> memref<128xi32, #tpu.memory_space<vmem>>
    %dma_wait3A_84 = arith.constant 0 : i32
    %dma_wait3A_85 = arith.constant 0 : i32
    %dma_wait3A_86 = tpu.memref_slice %arg2[%dma_wait3A_84, %dma_wait3A_85] : memref<10240x16xf32, #tpu.memory_space<hbm>> -> memref<10240x16xf32, #tpu.memory_space<hbm>>
    tpu.wait_indirect_dma semaphore(%arg17 : memref<!tpu.dma_semaphore, #tpu.memory_space<semaphore_mem>>) src(%dma_wait3A_86 : memref<10240x16xf32, #tpu.memory_space<hbm>>) dst(%arg13 : memref<128x16xf32, #tpu.memory_space<vmem>>)
    %dma_start3A_87 = arith.constant 79 : i32
    %dma_start3A_88 = arith.constant 0 : i32
    %dma_start3A_89 = tpu.memref_slice %arg9[%dma_start3A_87, %dma_start3A_88] : memref<80x128xi32, #tpu.memory_space<vmem>> -> memref<1x128xi32, #tpu.memory_space<vmem>>
    %dma_start3A_90 = tpu.memref_squeeze %dma_start3A_89 : memref<1x128xi32, #tpu.memory_space<vmem>> -> memref<128xi32, #tpu.memory_space<vmem>>
    %dma_start3A_91 = arith.constant 0 : i32
    %dma_start3A_92 = arith.constant 0 : i32
    %dma_start3A_93 = tpu.memref_slice %arg7[%dma_start3A_91, %dma_start3A_92] : memref<10240x16xf32, #tpu.memory_space<vmem_shared>> -> memref<10240x16xf32, #tpu.memory_space<vmem_shared>>
    tpu.enqueue_indirect_dma source(%arg13 : memref<128x16xf32, #tpu.memory_space<vmem>>) target(%dma_start3A_93 : memref<10240x16xf32, #tpu.memory_space<vmem_shared>>) offsets(%dma_start3A_90 : memref<128xi32, #tpu.memory_space<vmem>>) semaphore(%arg21 : memref<!tpu.dma_semaphore, #tpu.memory_space<semaphore_mem>>) {add = true}
    %dma_wait3A_94 = arith.constant 76 : i32
    %dma_wait3A_95 = arith.constant 0 : i32
    %dma_wait3A_96 = tpu.memref_slice %arg9[%dma_wait3A_94, %dma_wait3A_95] : memref<80x128xi32, #tpu.memory_space<vmem>> -> memref<1x128xi32, #tpu.memory_space<vmem>>
    %dma_wait3A_97 = tpu.memref_squeeze %dma_wait3A_96 : memref<1x128xi32, #tpu.memory_space<vmem>> -> memref<128xi32, #tpu.memory_space<vmem>>
    %dma_wait3A_98 = arith.constant 0 : i32
    %dma_wait3A_99 = arith.constant 0 : i32
    %dma_wait3A_100 = tpu.memref_slice %arg7[%dma_wait3A_98, %dma_wait3A_99] : memref<10240x16xf32, #tpu.memory_space<vmem_shared>> -> memref<10240x16xf32, #tpu.memory_space<vmem_shared>>
    tpu.wait_indirect_dma semaphore(%arg18 : memref<!tpu.dma_semaphore, #tpu.memory_space<semaphore_mem>>) src(%arg10 : memref<128x16xf32, #tpu.memory_space<vmem>>) dst(%dma_wait3A_100 : memref<10240x16xf32, #tpu.memory_space<vmem_shared>>)
    %dma_wait3A_101 = arith.constant 77 : i32
    %dma_wait3A_102 = arith.constant 0 : i32
    %dma_wait3A_103 = tpu.memref_slice %arg9[%dma_wait3A_101, %dma_wait3A_102] : memref<80x128xi32, #tpu.memory_space<vmem>> -> memref<1x128xi32, #tpu.memory_space<vmem>>
    %dma_wait3A_104 = tpu.memref_squeeze %dma_wait3A_103 : memref<1x128xi32, #tpu.memory_space<vmem>> -> memref<128xi32, #tpu.memory_space<vmem>>
    %dma_wait3A_105 = arith.constant 0 : i32
    %dma_wait3A_106 = arith.constant 0 : i32
    %dma_wait3A_107 = tpu.memref_slice %arg7[%dma_wait3A_105, %dma_wait3A_106] : memref<10240x16xf32, #tpu.memory_space<vmem_shared>> -> memref<10240x16xf32, #tpu.memory_space<vmem_shared>>
    tpu.wait_indirect_dma semaphore(%arg19 : memref<!tpu.dma_semaphore, #tpu.memory_space<semaphore_mem>>) src(%arg11 : memref<128x16xf32, #tpu.memory_space<vmem>>) dst(%dma_wait3A_107 : memref<10240x16xf32, #tpu.memory_space<vmem_shared>>)
    %dma_wait3A_108 = arith.constant 78 : i32
    %dma_wait3A_109 = arith.constant 0 : i32
    %dma_wait3A_110 = tpu.memref_slice %arg9[%dma_wait3A_108, %dma_wait3A_109] : memref<80x128xi32, #tpu.memory_space<vmem>> -> memref<1x128xi32, #tpu.memory_space<vmem>>
    %dma_wait3A_111 = tpu.memref_squeeze %dma_wait3A_110 : memref<1x128xi32, #tpu.memory_space<vmem>> -> memref<128xi32, #tpu.memory_space<vmem>>
    %dma_wait3A_112 = arith.constant 0 : i32
    %dma_wait3A_113 = arith.constant 0 : i32
    %dma_wait3A_114 = tpu.memref_slice %arg7[%dma_wait3A_112, %dma_wait3A_113] : memref<10240x16xf32, #tpu.memory_space<vmem_shared>> -> memref<10240x16xf32, #tpu.memory_space<vmem_shared>>
    tpu.wait_indirect_dma semaphore(%arg20 : memref<!tpu.dma_semaphore, #tpu.memory_space<semaphore_mem>>) src(%arg12 : memref<128x16xf32, #tpu.memory_space<vmem>>) dst(%dma_wait3A_114 : memref<10240x16xf32, #tpu.memory_space<vmem_shared>>)
    %dma_wait3A_115 = arith.constant 79 : i32
    %dma_wait3A_116 = arith.constant 0 : i32
    %dma_wait3A_117 = tpu.memref_slice %arg9[%dma_wait3A_115, %dma_wait3A_116] : memref<80x128xi32, #tpu.memory_space<vmem>> -> memref<1x128xi32, #tpu.memory_space<vmem>>
    %dma_wait3A_118 = tpu.memref_squeeze %dma_wait3A_117 : memref<1x128xi32, #tpu.memory_space<vmem>> -> memref<128xi32, #tpu.memory_space<vmem>>
    %dma_wait3A_119 = arith.constant 0 : i32
    %dma_wait3A_120 = arith.constant 0 : i32
    %dma_wait3A_121 = tpu.memref_slice %arg7[%dma_wait3A_119, %dma_wait3A_120] : memref<10240x16xf32, #tpu.memory_space<vmem_shared>> -> memref<10240x16xf32, #tpu.memory_space<vmem_shared>>
    tpu.wait_indirect_dma semaphore(%arg21 : memref<!tpu.dma_semaphore, #tpu.memory_space<semaphore_mem>>) src(%arg13 : memref<128x16xf32, #tpu.memory_space<vmem>>) dst(%dma_wait3A_121 : memref<10240x16xf32, #tpu.memory_space<vmem_shared>>)
    %barrier3A_122 = arith.constant 0 : index
    tpu.barrier barrier_id(%barrier3A_122)
    "tpu.region"() ({
      %run_scoped3A = tpu.sem_alloc : memref<!tpu.dma_semaphore, #tpu.memory_space<semaphore_mem>>
      %dma_start3A_123 = arith.constant 0 : i32
      %dma_start3A_124 = tpu.memref_slice %arg6[%arg0, %mul3A_2, %dma_start3A_123] : memref<2x10240x16xf32, #tpu.memory_space<hbm>> -> memref<1x640x16xf32, #tpu.memory_space<hbm>>
      %dma_start3A_125 = tpu.memref_squeeze %dma_start3A_124 : memref<1x640x16xf32, #tpu.memory_space<hbm>> -> memref<640x16xf32, #tpu.memory_space<hbm>>
      %dma_start3A_126 = arith.constant 0 : i32
      %dma_start3A_127 = tpu.memref_slice %arg7[%mul3A_2, %dma_start3A_126] : memref<10240x16xf32, #tpu.memory_space<vmem_shared>> -> memref<640x16xf32, #tpu.memory_space<vmem_shared>>
      tpu.enqueue_dma source(%dma_start3A_127 : memref<640x16xf32, #tpu.memory_space<vmem_shared>>) target(%dma_start3A_125 : memref<640x16xf32, #tpu.memory_space<hbm>>) target_semaphore(%run_scoped3A : memref<!tpu.dma_semaphore, #tpu.memory_space<semaphore_mem>>)
      %dma_wait3A_128 = arith.constant 0 : i32
      %dma_wait3A_129 = tpu.memref_slice %arg6[%arg0, %mul3A_2, %dma_wait3A_128] : memref<2x10240x16xf32, #tpu.memory_space<hbm>> -> memref<1x640x16xf32, #tpu.memory_space<hbm>>
      %dma_wait3A_130 = tpu.memref_squeeze %dma_wait3A_129 : memref<1x640x16xf32, #tpu.memory_space<hbm>> -> memref<640x16xf32, #tpu.memory_space<hbm>>
      %dma_wait3A_131 = arith.constant 0 : i32
      %dma_wait3A_132 = tpu.memref_slice %arg7[%mul3A_2, %dma_wait3A_131] : memref<10240x16xf32, #tpu.memory_space<vmem_shared>> -> memref<640x16xf32, #tpu.memory_space<vmem_shared>>
      tpu.wait_dma2 semaphore(%run_scoped3A : memref<!tpu.dma_semaphore, #tpu.memory_space<semaphore_mem>>) src(%dma_wait3A_132 : memref<640x16xf32, #tpu.memory_space<vmem_shared>>) dst(%dma_wait3A_130 : memref<640x16xf32, #tpu.memory_space<hbm>>)
      tpu.yield
    }) : () -> ()
    return
  }
}

#map = affine_map<(d0, d1) -> (0, 0)>
#map1 = affine_map<(d0, d1) -> (0)>
module attributes {stable_mosaic.version = 14 : i64} {
  func.func @k(%arg0: i32, %arg1: i32, %arg2: memref<2560x128xi32, #tpu.memory_space<hbm>>, %arg3: memref<10240xf32, #tpu.memory_space<hbm>>, %arg4: memref<128xf32, #tpu.memory_space<hbm>>, %arg5: memref<2x10240xf32, #tpu.memory_space<hbm>>, %arg6: memref<80x128xi32, #tpu.memory_space<vmem>>, %arg7: memref<128xf32, #tpu.memory_space<vmem>>, %arg8: memref<10240xf32, #tpu.memory_space<vmem_shared>>) attributes {dimension_semantics = [#tpu.dimension_semantics<core_parallel>, #tpu.dimension_semantics<subcore_parallel>], iteration_bounds = array<i64: 2, 16>, scalar_prefetch = 0 : i64, scratch_operands = 3 : i64, tpu.core_type = #tpu.core_type<sc_vector_subcore>, window_params = [{transform_indices = #map}, {transform_indices = #map1}, {transform_indices = #map1}, {transform_indices = #map}]} {
    %mul3A = arith.constant 16 : i32
    %mul3A_0 = arith.muli %arg0, %mul3A : i32
    %add3A = arith.addi %mul3A_0, %arg1 : i32
    %mul3A_1 = arith.constant 640 : i32
    %mul3A_2 = arith.muli %arg1, %mul3A_1 : i32
    "tpu.region"() ({
      %run_scoped3A = tpu.sem_alloc : memref<!tpu.dma_semaphore, #tpu.memory_space<semaphore_mem>>
      %dma_start3A = tpu.memref_slice %arg8[%mul3A_2] : memref<10240xf32, #tpu.memory_space<vmem_shared>> -> memref<640xf32, #tpu.memory_space<vmem_shared>>
      %dma_start3A_11 = tpu.memref_slice %arg3[%mul3A_2] : memref<10240xf32, #tpu.memory_space<hbm>> -> memref<640xf32, #tpu.memory_space<hbm>>
      tpu.enqueue_dma source(%dma_start3A_11 : memref<640xf32, #tpu.memory_space<hbm>>) target(%dma_start3A : memref<640xf32, #tpu.memory_space<vmem_shared>>) target_semaphore(%run_scoped3A : memref<!tpu.dma_semaphore, #tpu.memory_space<semaphore_mem>>)
      %dma_wait3A = tpu.memref_slice %arg8[%mul3A_2] : memref<10240xf32, #tpu.memory_space<vmem_shared>> -> memref<640xf32, #tpu.memory_space<vmem_shared>>
      %dma_wait3A_12 = tpu.memref_slice %arg3[%mul3A_2] : memref<10240xf32, #tpu.memory_space<hbm>> -> memref<640xf32, #tpu.memory_space<hbm>>
      tpu.wait_dma2 semaphore(%run_scoped3A : memref<!tpu.dma_semaphore, #tpu.memory_space<semaphore_mem>>) src(%dma_wait3A_12 : memref<640xf32, #tpu.memory_space<hbm>>) dst(%dma_wait3A : memref<640xf32, #tpu.memory_space<vmem_shared>>)
      tpu.yield
    }) : () -> ()
    %mul3A_3 = arith.constant 80 : i32
    %mul3A_4 = arith.muli %add3A, %mul3A_3 : i32
    "tpu.region"() ({
      %run_scoped3A = tpu.sem_alloc : memref<!tpu.dma_semaphore, #tpu.memory_space<semaphore_mem>>
      %dma_start3A = arith.constant 0 : i32
      %dma_start3A_11 = tpu.memref_slice %arg2[%mul3A_4, %dma_start3A] : memref<2560x128xi32, #tpu.memory_space<hbm>> -> memref<80x128xi32, #tpu.memory_space<hbm>>
      %dma_start3A_12 = arith.constant 0 : i32
      %dma_start3A_13 = tpu.memref_slice %arg2[%mul3A_4, %dma_start3A_12] : memref<2560x128xi32, #tpu.memory_space<hbm>> -> memref<80x128xi32, #tpu.memory_space<hbm>>
      tpu.enqueue_dma source(%dma_start3A_13 : memref<80x128xi32, #tpu.memory_space<hbm>>) target(%arg6 : memref<80x128xi32, #tpu.memory_space<vmem>>) target_semaphore(%run_scoped3A : memref<!tpu.dma_semaphore, #tpu.memory_space<semaphore_mem>>)
      %dma_wait3A = arith.constant 0 : i32
      %dma_wait3A_14 = tpu.memref_slice %arg2[%mul3A_4, %dma_wait3A] : memref<2560x128xi32, #tpu.memory_space<hbm>> -> memref<80x128xi32, #tpu.memory_space<hbm>>
      %dma_wait3A_15 = arith.constant 0 : i32
      %dma_wait3A_16 = tpu.memref_slice %arg2[%mul3A_4, %dma_wait3A_15] : memref<2560x128xi32, #tpu.memory_space<hbm>> -> memref<80x128xi32, #tpu.memory_space<hbm>>
      tpu.wait_dma2 semaphore(%run_scoped3A : memref<!tpu.dma_semaphore, #tpu.memory_space<semaphore_mem>>) src(%dma_wait3A_16 : memref<80x128xi32, #tpu.memory_space<hbm>>) dst(%arg6 : memref<80x128xi32, #tpu.memory_space<vmem>>)
      tpu.yield
    }) : () -> ()
    "tpu.region"() ({
      %run_scoped3A = tpu.sem_alloc : memref<!tpu.dma_semaphore, #tpu.memory_space<semaphore_mem>>
      tpu.enqueue_dma source(%arg4 : memref<128xf32, #tpu.memory_space<hbm>>) target(%arg7 : memref<128xf32, #tpu.memory_space<vmem>>) target_semaphore(%run_scoped3A : memref<!tpu.dma_semaphore, #tpu.memory_space<semaphore_mem>>)
      tpu.wait_dma2 semaphore(%run_scoped3A : memref<!tpu.dma_semaphore, #tpu.memory_space<semaphore_mem>>) src(%arg4 : memref<128xf32, #tpu.memory_space<hbm>>) dst(%arg7 : memref<128xf32, #tpu.memory_space<vmem>>)
      tpu.yield
    }) : () -> ()
    %barrier3A = arith.constant 0 : index
    tpu.barrier barrier_id(%barrier3A)
    %scan3A = arith.constant 0 : i32
    %scan3A_5 = arith.constant 0 : i32
    %scan3A_6 = arith.constant 80 : i32
    %scan3A_7 = arith.addi %scan3A_5, %scan3A_6 : i32
    %scan3A_8 = arith.constant 1 : i32
    scf.for %scan3A_11 = %scan3A_5 to %scan3A_7 step %scan3A_8  : i32 {
      "tpu.region"() ({
        %run_scoped3A = tpu.sem_alloc : memref<!tpu.dma_semaphore, #tpu.memory_space<semaphore_mem>>
        %dma_start3A = arith.constant 0 : i32
        %dma_start3A_12 = tpu.memref_slice %arg6[%scan3A_11, %dma_start3A] : memref<80x128xi32, #tpu.memory_space<vmem>> -> memref<1x128xi32, #tpu.memory_space<vmem>>
        %dma_start3A_13 = tpu.memref_squeeze %dma_start3A_12 : memref<1x128xi32, #tpu.memory_space<vmem>> -> memref<128xi32, #tpu.memory_space<vmem>>
        %dma_start3A_14 = arith.constant 0 : i32
        %dma_start3A_15 = tpu.memref_slice %arg8[%dma_start3A_14] : memref<10240xf32, #tpu.memory_space<vmem_shared>> -> memref<10240xf32, #tpu.memory_space<vmem_shared>>
        tpu.enqueue_indirect_dma source(%arg7 : memref<128xf32, #tpu.memory_space<vmem>>) target(%dma_start3A_15 : memref<10240xf32, #tpu.memory_space<vmem_shared>>) offsets(%dma_start3A_13 : memref<128xi32, #tpu.memory_space<vmem>>) semaphore(%run_scoped3A : memref<!tpu.dma_semaphore, #tpu.memory_space<semaphore_mem>>) {add = true}
        %dma_wait3A = arith.constant 0 : i32
        %dma_wait3A_16 = tpu.memref_slice %arg6[%scan3A_11, %dma_wait3A] : memref<80x128xi32, #tpu.memory_space<vmem>> -> memref<1x128xi32, #tpu.memory_space<vmem>>
        %dma_wait3A_17 = tpu.memref_squeeze %dma_wait3A_16 : memref<1x128xi32, #tpu.memory_space<vmem>> -> memref<128xi32, #tpu.memory_space<vmem>>
        %dma_wait3A_18 = arith.constant 0 : i32
        %dma_wait3A_19 = tpu.memref_slice %arg8[%dma_wait3A_18] : memref<10240xf32, #tpu.memory_space<vmem_shared>> -> memref<10240xf32, #tpu.memory_space<vmem_shared>>
        tpu.wait_indirect_dma semaphore(%run_scoped3A : memref<!tpu.dma_semaphore, #tpu.memory_space<semaphore_mem>>) src(%arg7 : memref<128xf32, #tpu.memory_space<vmem>>) dst(%dma_wait3A_19 : memref<10240xf32, #tpu.memory_space<vmem_shared>>)
        tpu.yield
      }) : () -> ()
    }
    %scan3A_9 = arith.constant 80 : i32
    %barrier3A_10 = arith.constant 0 : index
    tpu.barrier barrier_id(%barrier3A_10)
    "tpu.region"() ({
      %run_scoped3A = tpu.sem_alloc : memref<!tpu.dma_semaphore, #tpu.memory_space<semaphore_mem>>
      %dma_start3A = tpu.memref_slice %arg5[%arg0, %mul3A_2] : memref<2x10240xf32, #tpu.memory_space<hbm>> -> memref<1x640xf32, #tpu.memory_space<hbm>>
      %dma_start3A_11 = tpu.memref_squeeze %dma_start3A : memref<1x640xf32, #tpu.memory_space<hbm>> -> memref<640xf32, #tpu.memory_space<hbm>>
      %dma_start3A_12 = tpu.memref_slice %arg8[%mul3A_2] : memref<10240xf32, #tpu.memory_space<vmem_shared>> -> memref<640xf32, #tpu.memory_space<vmem_shared>>
      tpu.enqueue_dma source(%dma_start3A_12 : memref<640xf32, #tpu.memory_space<vmem_shared>>) target(%dma_start3A_11 : memref<640xf32, #tpu.memory_space<hbm>>) target_semaphore(%run_scoped3A : memref<!tpu.dma_semaphore, #tpu.memory_space<semaphore_mem>>)
      %dma_wait3A = tpu.memref_slice %arg5[%arg0, %mul3A_2] : memref<2x10240xf32, #tpu.memory_space<hbm>> -> memref<1x640xf32, #tpu.memory_space<hbm>>
      %dma_wait3A_13 = tpu.memref_squeeze %dma_wait3A : memref<1x640xf32, #tpu.memory_space<hbm>> -> memref<640xf32, #tpu.memory_space<hbm>>
      %dma_wait3A_14 = tpu.memref_slice %arg8[%mul3A_2] : memref<10240xf32, #tpu.memory_space<vmem_shared>> -> memref<640xf32, #tpu.memory_space<vmem_shared>>
      tpu.wait_dma2 semaphore(%run_scoped3A : memref<!tpu.dma_semaphore, #tpu.memory_space<semaphore_mem>>) src(%dma_wait3A_14 : memref<640xf32, #tpu.memory_space<vmem_shared>>) dst(%dma_wait3A_13 : memref<640xf32, #tpu.memory_space<hbm>>)
      tpu.yield
    }) : () -> ()
    return
  }
}

#map = affine_map<(d0, d1) -> (0, 0)>
#map1 = affine_map<(d0, d1) -> (0, 0, 0)>
module attributes {stable_mosaic.version = 14 : i64} {
  func.func @k(%arg0: i32, %arg1: i32, %arg2: memref<10240x128xbf16, #tpu.memory_space<hbm>>, %arg3: memref<2560x128xi32, #tpu.memory_space<hbm>>, %arg4: memref<2560x128xi32, #tpu.memory_space<hbm>>, %arg5: memref<10240x128xbf16, #tpu.memory_space<hbm>>, %arg6: memref<2x10240x128xbf16, #tpu.memory_space<hbm>>, %arg7: memref<10240x128xbf16, #tpu.memory_space<vmem_shared>>, %arg8: memref<80x128xi32, #tpu.memory_space<vmem>>, %arg9: memref<80x128xi32, #tpu.memory_space<vmem>>, %arg10: memref<128x128xbf16, #tpu.memory_space<vmem>>, %arg11: memref<128x128xbf16, #tpu.memory_space<vmem>>, %arg12: memref<128x128xbf16, #tpu.memory_space<vmem>>, %arg13: memref<128x128xbf16, #tpu.memory_space<vmem>>, %arg14: memref<!tpu.dma_semaphore, #tpu.memory_space<semaphore_mem>>, %arg15: memref<!tpu.dma_semaphore, #tpu.memory_space<semaphore_mem>>, %arg16: memref<!tpu.dma_semaphore, #tpu.memory_space<semaphore_mem>>, %arg17: memref<!tpu.dma_semaphore, #tpu.memory_space<semaphore_mem>>, %arg18: memref<!tpu.dma_semaphore, #tpu.memory_space<semaphore_mem>>, %arg19: memref<!tpu.dma_semaphore, #tpu.memory_space<semaphore_mem>>, %arg20: memref<!tpu.dma_semaphore, #tpu.memory_space<semaphore_mem>>, %arg21: memref<!tpu.dma_semaphore, #tpu.memory_space<semaphore_mem>>) attributes {dimension_semantics = [#tpu.dimension_semantics<core_parallel>, #tpu.dimension_semantics<subcore_parallel>], iteration_bounds = array<i64: 2, 16>, scalar_prefetch = 0 : i64, scratch_operands = 15 : i64, tpu.core_type = #tpu.core_type<sc_vector_subcore>, window_params = [{transform_indices = #map}, {transform_indices = #map}, {transform_indices = #map}, {transform_indices = #map}, {transform_indices = #map1}]} {
    %mul3A = arith.constant 16 : i32
    %mul3A_0 = arith.muli %arg0, %mul3A : i32
    %add3A = arith.addi %mul3A_0, %arg1 : i32
    %mul3A_1 = arith.constant 640 : i32
    %mul3A_2 = arith.muli %arg1, %mul3A_1 : i32
    "tpu.region"() ({
      %run_scoped3A = tpu.sem_alloc : memref<!tpu.dma_semaphore, #tpu.memory_space<semaphore_mem>>
      %dma_start3A_123 = arith.constant 0 : i32
      %dma_start3A_124 = tpu.memref_slice %arg7[%mul3A_2, %dma_start3A_123] : memref<10240x128xbf16, #tpu.memory_space<vmem_shared>> -> memref<640x128xbf16, #tpu.memory_space<vmem_shared>>
      %dma_start3A_125 = arith.constant 0 : i32
      %dma_start3A_126 = tpu.memref_slice %arg5[%mul3A_2, %dma_start3A_125] : memref<10240x128xbf16, #tpu.memory_space<hbm>> -> memref<640x128xbf16, #tpu.memory_space<hbm>>
      tpu.enqueue_dma source(%dma_start3A_126 : memref<640x128xbf16, #tpu.memory_space<hbm>>) target(%dma_start3A_124 : memref<640x128xbf16, #tpu.memory_space<vmem_shared>>) target_semaphore(%run_scoped3A : memref<!tpu.dma_semaphore, #tpu.memory_space<semaphore_mem>>)
      %dma_wait3A_127 = arith.constant 0 : i32
      %dma_wait3A_128 = tpu.memref_slice %arg7[%mul3A_2, %dma_wait3A_127] : memref<10240x128xbf16, #tpu.memory_space<vmem_shared>> -> memref<640x128xbf16, #tpu.memory_space<vmem_shared>>
      %dma_wait3A_129 = arith.constant 0 : i32
      %dma_wait3A_130 = tpu.memref_slice %arg5[%mul3A_2, %dma_wait3A_129] : memref<10240x128xbf16, #tpu.memory_space<hbm>> -> memref<640x128xbf16, #tpu.memory_space<hbm>>
      tpu.wait_dma2 semaphore(%run_scoped3A : memref<!tpu.dma_semaphore, #tpu.memory_space<semaphore_mem>>) src(%dma_wait3A_130 : memref<640x128xbf16, #tpu.memory_space<hbm>>) dst(%dma_wait3A_128 : memref<640x128xbf16, #tpu.memory_space<vmem_shared>>)
      tpu.yield
    }) : () -> ()
    %mul3A_3 = arith.constant 80 : i32
    %mul3A_4 = arith.muli %add3A, %mul3A_3 : i32
    "tpu.region"() ({
      %run_scoped3A = tpu.sem_alloc : memref<!tpu.dma_semaphore, #tpu.memory_space<semaphore_mem>>
      %dma_start3A_123 = arith.constant 0 : i32
      %dma_start3A_124 = tpu.memref_slice %arg3[%mul3A_4, %dma_start3A_123] : memref<2560x128xi32, #tpu.memory_space<hbm>> -> memref<80x128xi32, #tpu.memory_space<hbm>>
      %dma_start3A_125 = arith.constant 0 : i32
      %dma_start3A_126 = tpu.memref_slice %arg3[%mul3A_4, %dma_start3A_125] : memref<2560x128xi32, #tpu.memory_space<hbm>> -> memref<80x128xi32, #tpu.memory_space<hbm>>
      tpu.enqueue_dma source(%dma_start3A_126 : memref<80x128xi32, #tpu.memory_space<hbm>>) target(%arg8 : memref<80x128xi32, #tpu.memory_space<vmem>>) target_semaphore(%run_scoped3A : memref<!tpu.dma_semaphore, #tpu.memory_space<semaphore_mem>>)
      %dma_wait3A_127 = arith.constant 0 : i32
      %dma_wait3A_128 = tpu.memref_slice %arg3[%mul3A_4, %dma_wait3A_127] : memref<2560x128xi32, #tpu.memory_space<hbm>> -> memref<80x128xi32, #tpu.memory_space<hbm>>
      %dma_wait3A_129 = arith.constant 0 : i32
      %dma_wait3A_130 = tpu.memref_slice %arg3[%mul3A_4, %dma_wait3A_129] : memref<2560x128xi32, #tpu.memory_space<hbm>> -> memref<80x128xi32, #tpu.memory_space<hbm>>
      tpu.wait_dma2 semaphore(%run_scoped3A : memref<!tpu.dma_semaphore, #tpu.memory_space<semaphore_mem>>) src(%dma_wait3A_130 : memref<80x128xi32, #tpu.memory_space<hbm>>) dst(%arg8 : memref<80x128xi32, #tpu.memory_space<vmem>>)
      tpu.yield
    }) : () -> ()
    %mul3A_5 = arith.constant 80 : i32
    %mul3A_6 = arith.muli %add3A, %mul3A_5 : i32
    "tpu.region"() ({
      %run_scoped3A = tpu.sem_alloc : memref<!tpu.dma_semaphore, #tpu.memory_space<semaphore_mem>>
      %dma_start3A_123 = arith.constant 0 : i32
      %dma_start3A_124 = tpu.memref_slice %arg4[%mul3A_6, %dma_start3A_123] : memref<2560x128xi32, #tpu.memory_space<hbm>> -> memref<80x128xi32, #tpu.memory_space<hbm>>
      %dma_start3A_125 = arith.constant 0 : i32
      %dma_start3A_126 = tpu.memref_slice %arg4[%mul3A_6, %dma_start3A_125] : memref<2560x128xi32, #tpu.memory_space<hbm>> -> memref<80x128xi32, #tpu.memory_space<hbm>>
      tpu.enqueue_dma source(%dma_start3A_126 : memref<80x128xi32, #tpu.memory_space<hbm>>) target(%arg9 : memref<80x128xi32, #tpu.memory_space<vmem>>) target_semaphore(%run_scoped3A : memref<!tpu.dma_semaphore, #tpu.memory_space<semaphore_mem>>)
      %dma_wait3A_127 = arith.constant 0 : i32
      %dma_wait3A_128 = tpu.memref_slice %arg4[%mul3A_6, %dma_wait3A_127] : memref<2560x128xi32, #tpu.memory_space<hbm>> -> memref<80x128xi32, #tpu.memory_space<hbm>>
      %dma_wait3A_129 = arith.constant 0 : i32
      %dma_wait3A_130 = tpu.memref_slice %arg4[%mul3A_6, %dma_wait3A_129] : memref<2560x128xi32, #tpu.memory_space<hbm>> -> memref<80x128xi32, #tpu.memory_space<hbm>>
      tpu.wait_dma2 semaphore(%run_scoped3A : memref<!tpu.dma_semaphore, #tpu.memory_space<semaphore_mem>>) src(%dma_wait3A_130 : memref<80x128xi32, #tpu.memory_space<hbm>>) dst(%arg9 : memref<80x128xi32, #tpu.memory_space<vmem>>)
      tpu.yield
    }) : () -> ()
    %barrier3A = arith.constant 0 : index
    tpu.barrier barrier_id(%barrier3A)
    %dma_start3A = arith.constant 0 : i32
    %dma_start3A_7 = arith.constant 0 : i32
    %dma_start3A_8 = tpu.memref_slice %arg8[%dma_start3A, %dma_start3A_7] : memref<80x128xi32, #tpu.memory_space<vmem>> -> memref<1x128xi32, #tpu.memory_space<vmem>>
    %dma_start3A_9 = tpu.memref_squeeze %dma_start3A_8 : memref<1x128xi32, #tpu.memory_space<vmem>> -> memref<128xi32, #tpu.memory_space<vmem>>
    %dma_start3A_10 = arith.constant 0 : i32
    %dma_start3A_11 = arith.constant 0 : i32
    %dma_start3A_12 = tpu.memref_slice %arg2[%dma_start3A_10, %dma_start3A_11] : memref<10240x128xbf16, #tpu.memory_space<hbm>> -> memref<10240x128xbf16, #tpu.memory_space<hbm>>
    tpu.enqueue_indirect_dma source(%dma_start3A_12 : memref<10240x128xbf16, #tpu.memory_space<hbm>>) target(%arg10 : memref<128x128xbf16, #tpu.memory_space<vmem>>) offsets(%dma_start3A_9 : memref<128xi32, #tpu.memory_space<vmem>>) semaphore(%arg14 : memref<!tpu.dma_semaphore, #tpu.memory_space<semaphore_mem>>)
    %dma_start3A_13 = arith.constant 1 : i32
    %dma_start3A_14 = arith.constant 0 : i32
    %dma_start3A_15 = tpu.memref_slice %arg8[%dma_start3A_13, %dma_start3A_14] : memref<80x128xi32, #tpu.memory_space<vmem>> -> memref<1x128xi32, #tpu.memory_space<vmem>>
    %dma_start3A_16 = tpu.memref_squeeze %dma_start3A_15 : memref<1x128xi32, #tpu.memory_space<vmem>> -> memref<128xi32, #tpu.memory_space<vmem>>
    %dma_start3A_17 = arith.constant 0 : i32
    %dma_start3A_18 = arith.constant 0 : i32
    %dma_start3A_19 = tpu.memref_slice %arg2[%dma_start3A_17, %dma_start3A_18] : memref<10240x128xbf16, #tpu.memory_space<hbm>> -> memref<10240x128xbf16, #tpu.memory_space<hbm>>
    tpu.enqueue_indirect_dma source(%dma_start3A_19 : memref<10240x128xbf16, #tpu.memory_space<hbm>>) target(%arg11 : memref<128x128xbf16, #tpu.memory_space<vmem>>) offsets(%dma_start3A_16 : memref<128xi32, #tpu.memory_space<vmem>>) semaphore(%arg15 : memref<!tpu.dma_semaphore, #tpu.memory_space<semaphore_mem>>)
    %dma_start3A_20 = arith.constant 2 : i32
    %dma_start3A_21 = arith.constant 0 : i32
    %dma_start3A_22 = tpu.memref_slice %arg8[%dma_start3A_20, %dma_start3A_21] : memref<80x128xi32, #tpu.memory_space<vmem>> -> memref<1x128xi32, #tpu.memory_space<vmem>>
    %dma_start3A_23 = tpu.memref_squeeze %dma_start3A_22 : memref<1x128xi32, #tpu.memory_space<vmem>> -> memref<128xi32, #tpu.memory_space<vmem>>
    %dma_start3A_24 = arith.constant 0 : i32
    %dma_start3A_25 = arith.constant 0 : i32
    %dma_start3A_26 = tpu.memref_slice %arg2[%dma_start3A_24, %dma_start3A_25] : memref<10240x128xbf16, #tpu.memory_space<hbm>> -> memref<10240x128xbf16, #tpu.memory_space<hbm>>
    tpu.enqueue_indirect_dma source(%dma_start3A_26 : memref<10240x128xbf16, #tpu.memory_space<hbm>>) target(%arg12 : memref<128x128xbf16, #tpu.memory_space<vmem>>) offsets(%dma_start3A_23 : memref<128xi32, #tpu.memory_space<vmem>>) semaphore(%arg16 : memref<!tpu.dma_semaphore, #tpu.memory_space<semaphore_mem>>)
    %dma_start3A_27 = arith.constant 3 : i32
    %dma_start3A_28 = arith.constant 0 : i32
    %dma_start3A_29 = tpu.memref_slice %arg8[%dma_start3A_27, %dma_start3A_28] : memref<80x128xi32, #tpu.memory_space<vmem>> -> memref<1x128xi32, #tpu.memory_space<vmem>>
    %dma_start3A_30 = tpu.memref_squeeze %dma_start3A_29 : memref<1x128xi32, #tpu.memory_space<vmem>> -> memref<128xi32, #tpu.memory_space<vmem>>
    %dma_start3A_31 = arith.constant 0 : i32
    %dma_start3A_32 = arith.constant 0 : i32
    %dma_start3A_33 = tpu.memref_slice %arg2[%dma_start3A_31, %dma_start3A_32] : memref<10240x128xbf16, #tpu.memory_space<hbm>> -> memref<10240x128xbf16, #tpu.memory_space<hbm>>
    tpu.enqueue_indirect_dma source(%dma_start3A_33 : memref<10240x128xbf16, #tpu.memory_space<hbm>>) target(%arg13 : memref<128x128xbf16, #tpu.memory_space<vmem>>) offsets(%dma_start3A_30 : memref<128xi32, #tpu.memory_space<vmem>>) semaphore(%arg17 : memref<!tpu.dma_semaphore, #tpu.memory_space<semaphore_mem>>)
    %dma_wait3A = arith.constant 0 : i32
    %dma_wait3A_34 = arith.constant 0 : i32
    %dma_wait3A_35 = tpu.memref_slice %arg8[%dma_wait3A, %dma_wait3A_34] : memref<80x128xi32, #tpu.memory_space<vmem>> -> memref<1x128xi32, #tpu.memory_space<vmem>>
    %dma_wait3A_36 = tpu.memref_squeeze %dma_wait3A_35 : memref<1x128xi32, #tpu.memory_space<vmem>> -> memref<128xi32, #tpu.memory_space<vmem>>
    %dma_wait3A_37 = arith.constant 0 : i32
    %dma_wait3A_38 = arith.constant 0 : i32
    %dma_wait3A_39 = tpu.memref_slice %arg2[%dma_wait3A_37, %dma_wait3A_38] : memref<10240x128xbf16, #tpu.memory_space<hbm>> -> memref<10240x128xbf16, #tpu.memory_space<hbm>>
    tpu.wait_indirect_dma semaphore(%arg14 : memref<!tpu.dma_semaphore, #tpu.memory_space<semaphore_mem>>) src(%dma_wait3A_39 : memref<10240x128xbf16, #tpu.memory_space<hbm>>) dst(%arg10 : memref<128x128xbf16, #tpu.memory_space<vmem>>)
    %dma_start3A_40 = arith.constant 0 : i32
    %dma_start3A_41 = arith.constant 0 : i32
    %dma_start3A_42 = tpu.memref_slice %arg9[%dma_start3A_40, %dma_start3A_41] : memref<80x128xi32, #tpu.memory_space<vmem>> -> memref<1x128xi32, #tpu.memory_space<vmem>>
    %dma_start3A_43 = tpu.memref_squeeze %dma_start3A_42 : memref<1x128xi32, #tpu.memory_space<vmem>> -> memref<128xi32, #tpu.memory_space<vmem>>
    %dma_start3A_44 = arith.constant 0 : i32
    %dma_start3A_45 = arith.constant 0 : i32
    %dma_start3A_46 = tpu.memref_slice %arg7[%dma_start3A_44, %dma_start3A_45] : memref<10240x128xbf16, #tpu.memory_space<vmem_shared>> -> memref<10240x128xbf16, #tpu.memory_space<vmem_shared>>
    tpu.enqueue_indirect_dma source(%arg10 : memref<128x128xbf16, #tpu.memory_space<vmem>>) target(%dma_start3A_46 : memref<10240x128xbf16, #tpu.memory_space<vmem_shared>>) offsets(%dma_start3A_43 : memref<128xi32, #tpu.memory_space<vmem>>) semaphore(%arg18 : memref<!tpu.dma_semaphore, #tpu.memory_space<semaphore_mem>>) {add = true}
    %dma_wait3A_47 = arith.constant 1 : i32
    %dma_wait3A_48 = arith.constant 0 : i32
    %dma_wait3A_49 = tpu.memref_slice %arg8[%dma_wait3A_47, %dma_wait3A_48] : memref<80x128xi32, #tpu.memory_space<vmem>> -> memref<1x128xi32, #tpu.memory_space<vmem>>
    %dma_wait3A_50 = tpu.memref_squeeze %dma_wait3A_49 : memref<1x128xi32, #tpu.memory_space<vmem>> -> memref<128xi32, #tpu.memory_space<vmem>>
    %dma_wait3A_51 = arith.constant 0 : i32
    %dma_wait3A_52 = arith.constant 0 : i32
    %dma_wait3A_53 = tpu.memref_slice %arg2[%dma_wait3A_51, %dma_wait3A_52] : memref<10240x128xbf16, #tpu.memory_space<hbm>> -> memref<10240x128xbf16, #tpu.memory_space<hbm>>
    tpu.wait_indirect_dma semaphore(%arg15 : memref<!tpu.dma_semaphore, #tpu.memory_space<semaphore_mem>>) src(%dma_wait3A_53 : memref<10240x128xbf16, #tpu.memory_space<hbm>>) dst(%arg11 : memref<128x128xbf16, #tpu.memory_space<vmem>>)
    %dma_start3A_54 = arith.constant 1 : i32
    %dma_start3A_55 = arith.constant 0 : i32
    %dma_start3A_56 = tpu.memref_slice %arg9[%dma_start3A_54, %dma_start3A_55] : memref<80x128xi32, #tpu.memory_space<vmem>> -> memref<1x128xi32, #tpu.memory_space<vmem>>
    %dma_start3A_57 = tpu.memref_squeeze %dma_start3A_56 : memref<1x128xi32, #tpu.memory_space<vmem>> -> memref<128xi32, #tpu.memory_space<vmem>>
    %dma_start3A_58 = arith.constant 0 : i32
    %dma_start3A_59 = arith.constant 0 : i32
    %dma_start3A_60 = tpu.memref_slice %arg7[%dma_start3A_58, %dma_start3A_59] : memref<10240x128xbf16, #tpu.memory_space<vmem_shared>> -> memref<10240x128xbf16, #tpu.memory_space<vmem_shared>>
    tpu.enqueue_indirect_dma source(%arg11 : memref<128x128xbf16, #tpu.memory_space<vmem>>) target(%dma_start3A_60 : memref<10240x128xbf16, #tpu.memory_space<vmem_shared>>) offsets(%dma_start3A_57 : memref<128xi32, #tpu.memory_space<vmem>>) semaphore(%arg19 : memref<!tpu.dma_semaphore, #tpu.memory_space<semaphore_mem>>) {add = true}
    %scan3A = arith.constant 0 : i32
    %scan3A_61 = arith.constant 0 : i32
    %scan3A_62 = arith.constant 19 : i32
    %scan3A_63 = arith.addi %scan3A_61, %scan3A_62 : i32
    %scan3A_64 = arith.constant 1 : i32
    scf.for %scan3A_123 = %scan3A_61 to %scan3A_63 step %scan3A_64  : i32 {
      %mul3A_124 = arith.constant 4 : i32
      %mul3A_125 = arith.muli %scan3A_123, %mul3A_124 : i32
      %add3A_126 = arith.constant 2 : i32
      %add3A_127 = arith.addi %mul3A_125, %add3A_126 : i32
      %dma_wait3A_128 = arith.constant 0 : i32
      %dma_wait3A_129 = tpu.memref_slice %arg8[%add3A_127, %dma_wait3A_128] : memref<80x128xi32, #tpu.memory_space<vmem>> -> memref<1x128xi32, #tpu.memory_space<vmem>>
      %dma_wait3A_130 = tpu.memref_squeeze %dma_wait3A_129 : memref<1x128xi32, #tpu.memory_space<vmem>> -> memref<128xi32, #tpu.memory_space<vmem>>
      %dma_wait3A_131 = arith.constant 0 : i32
      %dma_wait3A_132 = arith.constant 0 : i32
      %dma_wait3A_133 = tpu.memref_slice %arg2[%dma_wait3A_131, %dma_wait3A_132] : memref<10240x128xbf16, #tpu.memory_space<hbm>> -> memref<10240x128xbf16, #tpu.memory_space<hbm>>
      tpu.wait_indirect_dma semaphore(%arg16 : memref<!tpu.dma_semaphore, #tpu.memory_space<semaphore_mem>>) src(%dma_wait3A_133 : memref<10240x128xbf16, #tpu.memory_space<hbm>>) dst(%arg12 : memref<128x128xbf16, #tpu.memory_space<vmem>>)
      %dma_start3A_134 = arith.constant 0 : i32
      %dma_start3A_135 = tpu.memref_slice %arg9[%add3A_127, %dma_start3A_134] : memref<80x128xi32, #tpu.memory_space<vmem>> -> memref<1x128xi32, #tpu.memory_space<vmem>>
      %dma_start3A_136 = tpu.memref_squeeze %dma_start3A_135 : memref<1x128xi32, #tpu.memory_space<vmem>> -> memref<128xi32, #tpu.memory_space<vmem>>
      %dma_start3A_137 = arith.constant 0 : i32
      %dma_start3A_138 = arith.constant 0 : i32
      %dma_start3A_139 = tpu.memref_slice %arg7[%dma_start3A_137, %dma_start3A_138] : memref<10240x128xbf16, #tpu.memory_space<vmem_shared>> -> memref<10240x128xbf16, #tpu.memory_space<vmem_shared>>
      tpu.enqueue_indirect_dma source(%arg12 : memref<128x128xbf16, #tpu.memory_space<vmem>>) target(%dma_start3A_139 : memref<10240x128xbf16, #tpu.memory_space<vmem_shared>>) offsets(%dma_start3A_136 : memref<128xi32, #tpu.memory_space<vmem>>) semaphore(%arg20 : memref<!tpu.dma_semaphore, #tpu.memory_space<semaphore_mem>>) {add = true}
      %sub3A = arith.constant 2 : i32
      %sub3A_140 = arith.subi %add3A_127, %sub3A : i32
      %dma_wait3A_141 = arith.constant 0 : i32
      %dma_wait3A_142 = tpu.memref_slice %arg9[%sub3A_140, %dma_wait3A_141] : memref<80x128xi32, #tpu.memory_space<vmem>> -> memref<1x128xi32, #tpu.memory_space<vmem>>
      %dma_wait3A_143 = tpu.memref_squeeze %dma_wait3A_142 : memref<1x128xi32, #tpu.memory_space<vmem>> -> memref<128xi32, #tpu.memory_space<vmem>>
      %dma_wait3A_144 = arith.constant 0 : i32
      %dma_wait3A_145 = arith.constant 0 : i32
      %dma_wait3A_146 = tpu.memref_slice %arg7[%dma_wait3A_144, %dma_wait3A_145] : memref<10240x128xbf16, #tpu.memory_space<vmem_shared>> -> memref<10240x128xbf16, #tpu.memory_space<vmem_shared>>
      tpu.wait_indirect_dma semaphore(%arg18 : memref<!tpu.dma_semaphore, #tpu.memory_space<semaphore_mem>>) src(%arg10 : memref<128x128xbf16, #tpu.memory_space<vmem>>) dst(%dma_wait3A_146 : memref<10240x128xbf16, #tpu.memory_space<vmem_shared>>)
      %add3A_147 = arith.constant 2 : i32
      %add3A_148 = arith.addi %add3A_127, %add3A_147 : i32
      %dma_start3A_149 = arith.constant 0 : i32
      %dma_start3A_150 = tpu.memref_slice %arg8[%add3A_148, %dma_start3A_149] : memref<80x128xi32, #tpu.memory_space<vmem>> -> memref<1x128xi32, #tpu.memory_space<vmem>>
      %dma_start3A_151 = tpu.memref_squeeze %dma_start3A_150 : memref<1x128xi32, #tpu.memory_space<vmem>> -> memref<128xi32, #tpu.memory_space<vmem>>
      %dma_start3A_152 = arith.constant 0 : i32
      %dma_start3A_153 = arith.constant 0 : i32
      %dma_start3A_154 = tpu.memref_slice %arg2[%dma_start3A_152, %dma_start3A_153] : memref<10240x128xbf16, #tpu.memory_space<hbm>> -> memref<10240x128xbf16, #tpu.memory_space<hbm>>
      tpu.enqueue_indirect_dma source(%dma_start3A_154 : memref<10240x128xbf16, #tpu.memory_space<hbm>>) target(%arg10 : memref<128x128xbf16, #tpu.memory_space<vmem>>) offsets(%dma_start3A_151 : memref<128xi32, #tpu.memory_space<vmem>>) semaphore(%arg14 : memref<!tpu.dma_semaphore, #tpu.memory_space<semaphore_mem>>)
      %mul3A_155 = arith.constant 4 : i32
      %mul3A_156 = arith.muli %scan3A_123, %mul3A_155 : i32
      %add3A_157 = arith.constant 3 : i32
      %add3A_158 = arith.addi %mul3A_156, %add3A_157 : i32
      %dma_wait3A_159 = arith.constant 0 : i32
      %dma_wait3A_160 = tpu.memref_slice %arg8[%add3A_158, %dma_wait3A_159] : memref<80x128xi32, #tpu.memory_space<vmem>> -> memref<1x128xi32, #tpu.memory_space<vmem>>
      %dma_wait3A_161 = tpu.memref_squeeze %dma_wait3A_160 : memref<1x128xi32, #tpu.memory_space<vmem>> -> memref<128xi32, #tpu.memory_space<vmem>>
      %dma_wait3A_162 = arith.constant 0 : i32
      %dma_wait3A_163 = arith.constant 0 : i32
      %dma_wait3A_164 = tpu.memref_slice %arg2[%dma_wait3A_162, %dma_wait3A_163] : memref<10240x128xbf16, #tpu.memory_space<hbm>> -> memref<10240x128xbf16, #tpu.memory_space<hbm>>
      tpu.wait_indirect_dma semaphore(%arg17 : memref<!tpu.dma_semaphore, #tpu.memory_space<semaphore_mem>>) src(%dma_wait3A_164 : memref<10240x128xbf16, #tpu.memory_space<hbm>>) dst(%arg13 : memref<128x128xbf16, #tpu.memory_space<vmem>>)
      %dma_start3A_165 = arith.constant 0 : i32
      %dma_start3A_166 = tpu.memref_slice %arg9[%add3A_158, %dma_start3A_165] : memref<80x128xi32, #tpu.memory_space<vmem>> -> memref<1x128xi32, #tpu.memory_space<vmem>>
      %dma_start3A_167 = tpu.memref_squeeze %dma_start3A_166 : memref<1x128xi32, #tpu.memory_space<vmem>> -> memref<128xi32, #tpu.memory_space<vmem>>
      %dma_start3A_168 = arith.constant 0 : i32
      %dma_start3A_169 = arith.constant 0 : i32
      %dma_start3A_170 = tpu.memref_slice %arg7[%dma_start3A_168, %dma_start3A_169] : memref<10240x128xbf16, #tpu.memory_space<vmem_shared>> -> memref<10240x128xbf16, #tpu.memory_space<vmem_shared>>
      tpu.enqueue_indirect_dma source(%arg13 : memref<128x128xbf16, #tpu.memory_space<vmem>>) target(%dma_start3A_170 : memref<10240x128xbf16, #tpu.memory_space<vmem_shared>>) offsets(%dma_start3A_167 : memref<128xi32, #tpu.memory_space<vmem>>) semaphore(%arg21 : memref<!tpu.dma_semaphore, #tpu.memory_space<semaphore_mem>>) {add = true}
      %sub3A_171 = arith.constant 2 : i32
      %sub3A_172 = arith.subi %add3A_158, %sub3A_171 : i32
      %dma_wait3A_173 = arith.constant 0 : i32
      %dma_wait3A_174 = tpu.memref_slice %arg9[%sub3A_172, %dma_wait3A_173] : memref<80x128xi32, #tpu.memory_space<vmem>> -> memref<1x128xi32, #tpu.memory_space<vmem>>
      %dma_wait3A_175 = tpu.memref_squeeze %dma_wait3A_174 : memref<1x128xi32, #tpu.memory_space<vmem>> -> memref<128xi32, #tpu.memory_space<vmem>>
      %dma_wait3A_176 = arith.constant 0 : i32
      %dma_wait3A_177 = arith.constant 0 : i32
      %dma_wait3A_178 = tpu.memref_slice %arg7[%dma_wait3A_176, %dma_wait3A_177] : memref<10240x128xbf16, #tpu.memory_space<vmem_shared>> -> memref<10240x128xbf16, #tpu.memory_space<vmem_shared>>
      tpu.wait_indirect_dma semaphore(%arg19 : memref<!tpu.dma_semaphore, #tpu.memory_space<semaphore_mem>>) src(%arg11 : memref<128x128xbf16, #tpu.memory_space<vmem>>) dst(%dma_wait3A_178 : memref<10240x128xbf16, #tpu.memory_space<vmem_shared>>)
      %add3A_179 = arith.constant 2 : i32
      %add3A_180 = arith.addi %add3A_158, %add3A_179 : i32
      %dma_start3A_181 = arith.constant 0 : i32
      %dma_start3A_182 = tpu.memref_slice %arg8[%add3A_180, %dma_start3A_181] : memref<80x128xi32, #tpu.memory_space<vmem>> -> memref<1x128xi32, #tpu.memory_space<vmem>>
      %dma_start3A_183 = tpu.memref_squeeze %dma_start3A_182 : memref<1x128xi32, #tpu.memory_space<vmem>> -> memref<128xi32, #tpu.memory_space<vmem>>
      %dma_start3A_184 = arith.constant 0 : i32
      %dma_start3A_185 = arith.constant 0 : i32
      %dma_start3A_186 = tpu.memref_slice %arg2[%dma_start3A_184, %dma_start3A_185] : memref<10240x128xbf16, #tpu.memory_space<hbm>> -> memref<10240x128xbf16, #tpu.memory_space<hbm>>
      tpu.enqueue_indirect_dma source(%dma_start3A_186 : memref<10240x128xbf16, #tpu.memory_space<hbm>>) target(%arg11 : memref<128x128xbf16, #tpu.memory_space<vmem>>) offsets(%dma_start3A_183 : memref<128xi32, #tpu.memory_space<vmem>>) semaphore(%arg15 : memref<!tpu.dma_semaphore, #tpu.memory_space<semaphore_mem>>)
      %mul3A_187 = arith.constant 4 : i32
      %mul3A_188 = arith.muli %scan3A_123, %mul3A_187 : i32
      %add3A_189 = arith.constant 4 : i32
      %add3A_190 = arith.addi %mul3A_188, %add3A_189 : i32
      %dma_wait3A_191 = arith.constant 0 : i32
      %dma_wait3A_192 = tpu.memref_slice %arg8[%add3A_190, %dma_wait3A_191] : memref<80x128xi32, #tpu.memory_space<vmem>> -> memref<1x128xi32, #tpu.memory_space<vmem>>
      %dma_wait3A_193 = tpu.memref_squeeze %dma_wait3A_192 : memref<1x128xi32, #tpu.memory_space<vmem>> -> memref<128xi32, #tpu.memory_space<vmem>>
      %dma_wait3A_194 = arith.constant 0 : i32
      %dma_wait3A_195 = arith.constant 0 : i32
      %dma_wait3A_196 = tpu.memref_slice %arg2[%dma_wait3A_194, %dma_wait3A_195] : memref<10240x128xbf16, #tpu.memory_space<hbm>> -> memref<10240x128xbf16, #tpu.memory_space<hbm>>
      tpu.wait_indirect_dma semaphore(%arg14 : memref<!tpu.dma_semaphore, #tpu.memory_space<semaphore_mem>>) src(%dma_wait3A_196 : memref<10240x128xbf16, #tpu.memory_space<hbm>>) dst(%arg10 : memref<128x128xbf16, #tpu.memory_space<vmem>>)
      %dma_start3A_197 = arith.constant 0 : i32
      %dma_start3A_198 = tpu.memref_slice %arg9[%add3A_190, %dma_start3A_197] : memref<80x128xi32, #tpu.memory_space<vmem>> -> memref<1x128xi32, #tpu.memory_space<vmem>>
      %dma_start3A_199 = tpu.memref_squeeze %dma_start3A_198 : memref<1x128xi32, #tpu.memory_space<vmem>> -> memref<128xi32, #tpu.memory_space<vmem>>
      %dma_start3A_200 = arith.constant 0 : i32
      %dma_start3A_201 = arith.constant 0 : i32
      %dma_start3A_202 = tpu.memref_slice %arg7[%dma_start3A_200, %dma_start3A_201] : memref<10240x128xbf16, #tpu.memory_space<vmem_shared>> -> memref<10240x128xbf16, #tpu.memory_space<vmem_shared>>
      tpu.enqueue_indirect_dma source(%arg10 : memref<128x128xbf16, #tpu.memory_space<vmem>>) target(%dma_start3A_202 : memref<10240x128xbf16, #tpu.memory_space<vmem_shared>>) offsets(%dma_start3A_199 : memref<128xi32, #tpu.memory_space<vmem>>) semaphore(%arg18 : memref<!tpu.dma_semaphore, #tpu.memory_space<semaphore_mem>>) {add = true}
      %sub3A_203 = arith.constant 2 : i32
      %sub3A_204 = arith.subi %add3A_190, %sub3A_203 : i32
      %dma_wait3A_205 = arith.constant 0 : i32
      %dma_wait3A_206 = tpu.memref_slice %arg9[%sub3A_204, %dma_wait3A_205] : memref<80x128xi32, #tpu.memory_space<vmem>> -> memref<1x128xi32, #tpu.memory_space<vmem>>
      %dma_wait3A_207 = tpu.memref_squeeze %dma_wait3A_206 : memref<1x128xi32, #tpu.memory_space<vmem>> -> memref<128xi32, #tpu.memory_space<vmem>>
      %dma_wait3A_208 = arith.constant 0 : i32
      %dma_wait3A_209 = arith.constant 0 : i32
      %dma_wait3A_210 = tpu.memref_slice %arg7[%dma_wait3A_208, %dma_wait3A_209] : memref<10240x128xbf16, #tpu.memory_space<vmem_shared>> -> memref<10240x128xbf16, #tpu.memory_space<vmem_shared>>
      tpu.wait_indirect_dma semaphore(%arg20 : memref<!tpu.dma_semaphore, #tpu.memory_space<semaphore_mem>>) src(%arg12 : memref<128x128xbf16, #tpu.memory_space<vmem>>) dst(%dma_wait3A_210 : memref<10240x128xbf16, #tpu.memory_space<vmem_shared>>)
      %add3A_211 = arith.constant 2 : i32
      %add3A_212 = arith.addi %add3A_190, %add3A_211 : i32
      %dma_start3A_213 = arith.constant 0 : i32
      %dma_start3A_214 = tpu.memref_slice %arg8[%add3A_212, %dma_start3A_213] : memref<80x128xi32, #tpu.memory_space<vmem>> -> memref<1x128xi32, #tpu.memory_space<vmem>>
      %dma_start3A_215 = tpu.memref_squeeze %dma_start3A_214 : memref<1x128xi32, #tpu.memory_space<vmem>> -> memref<128xi32, #tpu.memory_space<vmem>>
      %dma_start3A_216 = arith.constant 0 : i32
      %dma_start3A_217 = arith.constant 0 : i32
      %dma_start3A_218 = tpu.memref_slice %arg2[%dma_start3A_216, %dma_start3A_217] : memref<10240x128xbf16, #tpu.memory_space<hbm>> -> memref<10240x128xbf16, #tpu.memory_space<hbm>>
      tpu.enqueue_indirect_dma source(%dma_start3A_218 : memref<10240x128xbf16, #tpu.memory_space<hbm>>) target(%arg12 : memref<128x128xbf16, #tpu.memory_space<vmem>>) offsets(%dma_start3A_215 : memref<128xi32, #tpu.memory_space<vmem>>) semaphore(%arg16 : memref<!tpu.dma_semaphore, #tpu.memory_space<semaphore_mem>>)
      %mul3A_219 = arith.constant 4 : i32
      %mul3A_220 = arith.muli %scan3A_123, %mul3A_219 : i32
      %add3A_221 = arith.constant 5 : i32
      %add3A_222 = arith.addi %mul3A_220, %add3A_221 : i32
      %dma_wait3A_223 = arith.constant 0 : i32
      %dma_wait3A_224 = tpu.memref_slice %arg8[%add3A_222, %dma_wait3A_223] : memref<80x128xi32, #tpu.memory_space<vmem>> -> memref<1x128xi32, #tpu.memory_space<vmem>>
      %dma_wait3A_225 = tpu.memref_squeeze %dma_wait3A_224 : memref<1x128xi32, #tpu.memory_space<vmem>> -> memref<128xi32, #tpu.memory_space<vmem>>
      %dma_wait3A_226 = arith.constant 0 : i32
      %dma_wait3A_227 = arith.constant 0 : i32
      %dma_wait3A_228 = tpu.memref_slice %arg2[%dma_wait3A_226, %dma_wait3A_227] : memref<10240x128xbf16, #tpu.memory_space<hbm>> -> memref<10240x128xbf16, #tpu.memory_space<hbm>>
      tpu.wait_indirect_dma semaphore(%arg15 : memref<!tpu.dma_semaphore, #tpu.memory_space<semaphore_mem>>) src(%dma_wait3A_228 : memref<10240x128xbf16, #tpu.memory_space<hbm>>) dst(%arg11 : memref<128x128xbf16, #tpu.memory_space<vmem>>)
      %dma_start3A_229 = arith.constant 0 : i32
      %dma_start3A_230 = tpu.memref_slice %arg9[%add3A_222, %dma_start3A_229] : memref<80x128xi32, #tpu.memory_space<vmem>> -> memref<1x128xi32, #tpu.memory_space<vmem>>
      %dma_start3A_231 = tpu.memref_squeeze %dma_start3A_230 : memref<1x128xi32, #tpu.memory_space<vmem>> -> memref<128xi32, #tpu.memory_space<vmem>>
      %dma_start3A_232 = arith.constant 0 : i32
      %dma_start3A_233 = arith.constant 0 : i32
      %dma_start3A_234 = tpu.memref_slice %arg7[%dma_start3A_232, %dma_start3A_233] : memref<10240x128xbf16, #tpu.memory_space<vmem_shared>> -> memref<10240x128xbf16, #tpu.memory_space<vmem_shared>>
      tpu.enqueue_indirect_dma source(%arg11 : memref<128x128xbf16, #tpu.memory_space<vmem>>) target(%dma_start3A_234 : memref<10240x128xbf16, #tpu.memory_space<vmem_shared>>) offsets(%dma_start3A_231 : memref<128xi32, #tpu.memory_space<vmem>>) semaphore(%arg19 : memref<!tpu.dma_semaphore, #tpu.memory_space<semaphore_mem>>) {add = true}
      %sub3A_235 = arith.constant 2 : i32
      %sub3A_236 = arith.subi %add3A_222, %sub3A_235 : i32
      %dma_wait3A_237 = arith.constant 0 : i32
      %dma_wait3A_238 = tpu.memref_slice %arg9[%sub3A_236, %dma_wait3A_237] : memref<80x128xi32, #tpu.memory_space<vmem>> -> memref<1x128xi32, #tpu.memory_space<vmem>>
      %dma_wait3A_239 = tpu.memref_squeeze %dma_wait3A_238 : memref<1x128xi32, #tpu.memory_space<vmem>> -> memref<128xi32, #tpu.memory_space<vmem>>
      %dma_wait3A_240 = arith.constant 0 : i32
      %dma_wait3A_241 = arith.constant 0 : i32
      %dma_wait3A_242 = tpu.memref_slice %arg7[%dma_wait3A_240, %dma_wait3A_241] : memref<10240x128xbf16, #tpu.memory_space<vmem_shared>> -> memref<10240x128xbf16, #tpu.memory_space<vmem_shared>>
      tpu.wait_indirect_dma semaphore(%arg21 : memref<!tpu.dma_semaphore, #tpu.memory_space<semaphore_mem>>) src(%arg13 : memref<128x128xbf16, #tpu.memory_space<vmem>>) dst(%dma_wait3A_242 : memref<10240x128xbf16, #tpu.memory_space<vmem_shared>>)
      %add3A_243 = arith.constant 2 : i32
      %add3A_244 = arith.addi %add3A_222, %add3A_243 : i32
      %dma_start3A_245 = arith.constant 0 : i32
      %dma_start3A_246 = tpu.memref_slice %arg8[%add3A_244, %dma_start3A_245] : memref<80x128xi32, #tpu.memory_space<vmem>> -> memref<1x128xi32, #tpu.memory_space<vmem>>
      %dma_start3A_247 = tpu.memref_squeeze %dma_start3A_246 : memref<1x128xi32, #tpu.memory_space<vmem>> -> memref<128xi32, #tpu.memory_space<vmem>>
      %dma_start3A_248 = arith.constant 0 : i32
      %dma_start3A_249 = arith.constant 0 : i32
      %dma_start3A_250 = tpu.memref_slice %arg2[%dma_start3A_248, %dma_start3A_249] : memref<10240x128xbf16, #tpu.memory_space<hbm>> -> memref<10240x128xbf16, #tpu.memory_space<hbm>>
      tpu.enqueue_indirect_dma source(%dma_start3A_250 : memref<10240x128xbf16, #tpu.memory_space<hbm>>) target(%arg13 : memref<128x128xbf16, #tpu.memory_space<vmem>>) offsets(%dma_start3A_247 : memref<128xi32, #tpu.memory_space<vmem>>) semaphore(%arg17 : memref<!tpu.dma_semaphore, #tpu.memory_space<semaphore_mem>>)
    }
    %scan3A_65 = arith.constant 19 : i32
    %dma_wait3A_66 = arith.constant 78 : i32
    %dma_wait3A_67 = arith.constant 0 : i32
    %dma_wait3A_68 = tpu.memref_slice %arg8[%dma_wait3A_66, %dma_wait3A_67] : memref<80x128xi32, #tpu.memory_space<vmem>> -> memref<1x128xi32, #tpu.memory_space<vmem>>
    %dma_wait3A_69 = tpu.memref_squeeze %dma_wait3A_68 : memref<1x128xi32, #tpu.memory_space<vmem>> -> memref<128xi32, #tpu.memory_space<vmem>>
    %dma_wait3A_70 = arith.constant 0 : i32
    %dma_wait3A_71 = arith.constant 0 : i32
    %dma_wait3A_72 = tpu.memref_slice %arg2[%dma_wait3A_70, %dma_wait3A_71] : memref<10240x128xbf16, #tpu.memory_space<hbm>> -> memref<10240x128xbf16, #tpu.memory_space<hbm>>
    tpu.wait_indirect_dma semaphore(%arg16 : memref<!tpu.dma_semaphore, #tpu.memory_space<semaphore_mem>>) src(%dma_wait3A_72 : memref<10240x128xbf16, #tpu.memory_space<hbm>>) dst(%arg12 : memref<128x128xbf16, #tpu.memory_space<vmem>>)
    %dma_start3A_73 = arith.constant 78 : i32
    %dma_start3A_74 = arith.constant 0 : i32
    %dma_start3A_75 = tpu.memref_slice %arg9[%dma_start3A_73, %dma_start3A_74] : memref<80x128xi32, #tpu.memory_space<vmem>> -> memref<1x128xi32, #tpu.memory_space<vmem>>
    %dma_start3A_76 = tpu.memref_squeeze %dma_start3A_75 : memref<1x128xi32, #tpu.memory_space<vmem>> -> memref<128xi32, #tpu.memory_space<vmem>>
    %dma_start3A_77 = arith.constant 0 : i32
    %dma_start3A_78 = arith.constant 0 : i32
    %dma_start3A_79 = tpu.memref_slice %arg7[%dma_start3A_77, %dma_start3A_78] : memref<10240x128xbf16, #tpu.memory_space<vmem_shared>> -> memref<10240x128xbf16, #tpu.memory_space<vmem_shared>>
    tpu.enqueue_indirect_dma source(%arg12 : memref<128x128xbf16, #tpu.memory_space<vmem>>) target(%dma_start3A_79 : memref<10240x128xbf16, #tpu.memory_space<vmem_shared>>) offsets(%dma_start3A_76 : memref<128xi32, #tpu.memory_space<vmem>>) semaphore(%arg20 : memref<!tpu.dma_semaphore, #tpu.memory_space<semaphore_mem>>) {add = true}
    %dma_wait3A_80 = arith.constant 79 : i32
    %dma_wait3A_81 = arith.constant 0 : i32
    %dma_wait3A_82 = tpu.memref_slice %arg8[%dma_wait3A_80, %dma_wait3A_81] : memref<80x128xi32, #tpu.memory_space<vmem>> -> memref<1x128xi32, #tpu.memory_space<vmem>>
    %dma_wait3A_83 = tpu.memref_squeeze %dma_wait3A_82 : memref<1x128xi32, #tpu.memory_space<vmem>> -> memref<128xi32, #tpu.memory_space<vmem>>
    %dma_wait3A_84 = arith.constant 0 : i32
    %dma_wait3A_85 = arith.constant 0 : i32
    %dma_wait3A_86 = tpu.memref_slice %arg2[%dma_wait3A_84, %dma_wait3A_85] : memref<10240x128xbf16, #tpu.memory_space<hbm>> -> memref<10240x128xbf16, #tpu.memory_space<hbm>>
    tpu.wait_indirect_dma semaphore(%arg17 : memref<!tpu.dma_semaphore, #tpu.memory_space<semaphore_mem>>) src(%dma_wait3A_86 : memref<10240x128xbf16, #tpu.memory_space<hbm>>) dst(%arg13 : memref<128x128xbf16, #tpu.memory_space<vmem>>)
    %dma_start3A_87 = arith.constant 79 : i32
    %dma_start3A_88 = arith.constant 0 : i32
    %dma_start3A_89 = tpu.memref_slice %arg9[%dma_start3A_87, %dma_start3A_88] : memref<80x128xi32, #tpu.memory_space<vmem>> -> memref<1x128xi32, #tpu.memory_space<vmem>>
    %dma_start3A_90 = tpu.memref_squeeze %dma_start3A_89 : memref<1x128xi32, #tpu.memory_space<vmem>> -> memref<128xi32, #tpu.memory_space<vmem>>
    %dma_start3A_91 = arith.constant 0 : i32
    %dma_start3A_92 = arith.constant 0 : i32
    %dma_start3A_93 = tpu.memref_slice %arg7[%dma_start3A_91, %dma_start3A_92] : memref<10240x128xbf16, #tpu.memory_space<vmem_shared>> -> memref<10240x128xbf16, #tpu.memory_space<vmem_shared>>
    tpu.enqueue_indirect_dma source(%arg13 : memref<128x128xbf16, #tpu.memory_space<vmem>>) target(%dma_start3A_93 : memref<10240x128xbf16, #tpu.memory_space<vmem_shared>>) offsets(%dma_start3A_90 : memref<128xi32, #tpu.memory_space<vmem>>) semaphore(%arg21 : memref<!tpu.dma_semaphore, #tpu.memory_space<semaphore_mem>>) {add = true}
    %dma_wait3A_94 = arith.constant 76 : i32
    %dma_wait3A_95 = arith.constant 0 : i32
    %dma_wait3A_96 = tpu.memref_slice %arg9[%dma_wait3A_94, %dma_wait3A_95] : memref<80x128xi32, #tpu.memory_space<vmem>> -> memref<1x128xi32, #tpu.memory_space<vmem>>
    %dma_wait3A_97 = tpu.memref_squeeze %dma_wait3A_96 : memref<1x128xi32, #tpu.memory_space<vmem>> -> memref<128xi32, #tpu.memory_space<vmem>>
    %dma_wait3A_98 = arith.constant 0 : i32
    %dma_wait3A_99 = arith.constant 0 : i32
    %dma_wait3A_100 = tpu.memref_slice %arg7[%dma_wait3A_98, %dma_wait3A_99] : memref<10240x128xbf16, #tpu.memory_space<vmem_shared>> -> memref<10240x128xbf16, #tpu.memory_space<vmem_shared>>
    tpu.wait_indirect_dma semaphore(%arg18 : memref<!tpu.dma_semaphore, #tpu.memory_space<semaphore_mem>>) src(%arg10 : memref<128x128xbf16, #tpu.memory_space<vmem>>) dst(%dma_wait3A_100 : memref<10240x128xbf16, #tpu.memory_space<vmem_shared>>)
    %dma_wait3A_101 = arith.constant 77 : i32
    %dma_wait3A_102 = arith.constant 0 : i32
    %dma_wait3A_103 = tpu.memref_slice %arg9[%dma_wait3A_101, %dma_wait3A_102] : memref<80x128xi32, #tpu.memory_space<vmem>> -> memref<1x128xi32, #tpu.memory_space<vmem>>
    %dma_wait3A_104 = tpu.memref_squeeze %dma_wait3A_103 : memref<1x128xi32, #tpu.memory_space<vmem>> -> memref<128xi32, #tpu.memory_space<vmem>>
    %dma_wait3A_105 = arith.constant 0 : i32
    %dma_wait3A_106 = arith.constant 0 : i32
    %dma_wait3A_107 = tpu.memref_slice %arg7[%dma_wait3A_105, %dma_wait3A_106] : memref<10240x128xbf16, #tpu.memory_space<vmem_shared>> -> memref<10240x128xbf16, #tpu.memory_space<vmem_shared>>
    tpu.wait_indirect_dma semaphore(%arg19 : memref<!tpu.dma_semaphore, #tpu.memory_space<semaphore_mem>>) src(%arg11 : memref<128x128xbf16, #tpu.memory_space<vmem>>) dst(%dma_wait3A_107 : memref<10240x128xbf16, #tpu.memory_space<vmem_shared>>)
    %dma_wait3A_108 = arith.constant 78 : i32
    %dma_wait3A_109 = arith.constant 0 : i32
    %dma_wait3A_110 = tpu.memref_slice %arg9[%dma_wait3A_108, %dma_wait3A_109] : memref<80x128xi32, #tpu.memory_space<vmem>> -> memref<1x128xi32, #tpu.memory_space<vmem>>
    %dma_wait3A_111 = tpu.memref_squeeze %dma_wait3A_110 : memref<1x128xi32, #tpu.memory_space<vmem>> -> memref<128xi32, #tpu.memory_space<vmem>>
    %dma_wait3A_112 = arith.constant 0 : i32
    %dma_wait3A_113 = arith.constant 0 : i32
    %dma_wait3A_114 = tpu.memref_slice %arg7[%dma_wait3A_112, %dma_wait3A_113] : memref<10240x128xbf16, #tpu.memory_space<vmem_shared>> -> memref<10240x128xbf16, #tpu.memory_space<vmem_shared>>
    tpu.wait_indirect_dma semaphore(%arg20 : memref<!tpu.dma_semaphore, #tpu.memory_space<semaphore_mem>>) src(%arg12 : memref<128x128xbf16, #tpu.memory_space<vmem>>) dst(%dma_wait3A_114 : memref<10240x128xbf16, #tpu.memory_space<vmem_shared>>)
    %dma_wait3A_115 = arith.constant 79 : i32
    %dma_wait3A_116 = arith.constant 0 : i32
    %dma_wait3A_117 = tpu.memref_slice %arg9[%dma_wait3A_115, %dma_wait3A_116] : memref<80x128xi32, #tpu.memory_space<vmem>> -> memref<1x128xi32, #tpu.memory_space<vmem>>
    %dma_wait3A_118 = tpu.memref_squeeze %dma_wait3A_117 : memref<1x128xi32, #tpu.memory_space<vmem>> -> memref<128xi32, #tpu.memory_space<vmem>>
    %dma_wait3A_119 = arith.constant 0 : i32
    %dma_wait3A_120 = arith.constant 0 : i32
    %dma_wait3A_121 = tpu.memref_slice %arg7[%dma_wait3A_119, %dma_wait3A_120] : memref<10240x128xbf16, #tpu.memory_space<vmem_shared>> -> memref<10240x128xbf16, #tpu.memory_space<vmem_shared>>
    tpu.wait_indirect_dma semaphore(%arg21 : memref<!tpu.dma_semaphore, #tpu.memory_space<semaphore_mem>>) src(%arg13 : memref<128x128xbf16, #tpu.memory_space<vmem>>) dst(%dma_wait3A_121 : memref<10240x128xbf16, #tpu.memory_space<vmem_shared>>)
    %barrier3A_122 = arith.constant 0 : index
    tpu.barrier barrier_id(%barrier3A_122)
    "tpu.region"() ({
      %run_scoped3A = tpu.sem_alloc : memref<!tpu.dma_semaphore, #tpu.memory_space<semaphore_mem>>
      %dma_start3A_123 = arith.constant 0 : i32
      %dma_start3A_124 = tpu.memref_slice %arg6[%arg0, %mul3A_2, %dma_start3A_123] : memref<2x10240x128xbf16, #tpu.memory_space<hbm>> -> memref<1x640x128xbf16, #tpu.memory_space<hbm>>
      %dma_start3A_125 = tpu.memref_squeeze %dma_start3A_124 : memref<1x640x128xbf16, #tpu.memory_space<hbm>> -> memref<640x128xbf16, #tpu.memory_space<hbm>>
      %dma_start3A_126 = arith.constant 0 : i32
      %dma_start3A_127 = tpu.memref_slice %arg7[%mul3A_2, %dma_start3A_126] : memref<10240x128xbf16, #tpu.memory_space<vmem_shared>> -> memref<640x128xbf16, #tpu.memory_space<vmem_shared>>
      tpu.enqueue_dma source(%dma_start3A_127 : memref<640x128xbf16, #tpu.memory_space<vmem_shared>>) target(%dma_start3A_125 : memref<640x128xbf16, #tpu.memory_space<hbm>>) target_semaphore(%run_scoped3A : memref<!tpu.dma_semaphore, #tpu.memory_space<semaphore_mem>>)
      %dma_wait3A_128 = arith.constant 0 : i32
      %dma_wait3A_129 = tpu.memref_slice %arg6[%arg0, %mul3A_2, %dma_wait3A_128] : memref<2x10240x128xbf16, #tpu.memory_space<hbm>> -> memref<1x640x128xbf16, #tpu.memory_space<hbm>>
      %dma_wait3A_130 = tpu.memref_squeeze %dma_wait3A_129 : memref<1x640x128xbf16, #tpu.memory_space<hbm>> -> memref<640x128xbf16, #tpu.memory_space<hbm>>
      %dma_wait3A_131 = arith.constant 0 : i32
      %dma_wait3A_132 = tpu.memref_slice %arg7[%mul3A_2, %dma_wait3A_131] : memref<10240x128xbf16, #tpu.memory_space<vmem_shared>> -> memref<640x128xbf16, #tpu.memory_space<vmem_shared>>
      tpu.wait_dma2 semaphore(%run_scoped3A : memref<!tpu.dma_semaphore, #tpu.memory_space<semaphore_mem>>) src(%dma_wait3A_132 : memref<640x128xbf16, #tpu.memory_space<vmem_shared>>) dst(%dma_wait3A_130 : memref<640x128xbf16, #tpu.memory_space<hbm>>)
      tpu.yield
    }) : () -> ()
    return
  }
}

module attributes {stable_mosaic.version = 14 : i64} {
  func.func @body(%arg0: i32, %arg1: memref<2048x128xf32, #tpu.memory_space<vmem>>, %arg2: memref<128x128xf32, #tpu.memory_space<vmem>>, %arg3: memref<2048x128xf32, #tpu.memory_space<vmem>>) attributes {dimension_semantics = [#tpu.dimension_semantics<arbitrary>], iteration_bounds = array<i64: 5>, scalar_prefetch = 0 : i64, scratch_operands = 0 : i64, tpu.core_type = #tpu.core_type<tc>, window_params = [{transform_indices = @transform_0, window_bounds = array<i64: 2048, 128>}, {pipeline_mode = #tpu.pipeline_mode<synchronous>, transform_indices = @transform_1, window_bounds = array<i64: 128, 128>}, {transform_indices = @transform_2, window_bounds = array<i64: 2048, 128>}]} {
    %get3A = arith.constant 0 : index
    %get3A_0 = arith.constant 0 : index
    %get3A_1 = vector.load %arg1[%get3A, %get3A_0] : memref<2048x128xf32, #tpu.memory_space<vmem>>, vector<2048x128xf32>
    %get3A_2 = arith.constant 0 : index
    %get3A_3 = arith.constant 0 : index
    %get3A_4 = vector.load %arg2[%get3A_2, %get3A_3] : memref<128x128xf32, #tpu.memory_space<vmem>>, vector<128x128xf32>
    %dot_general3A = arith.constant dense<0.000000e+00> : vector<2048x128xf32>
    %dot_general3A_5 = tpu.matmul %get3A_1, %get3A_4, %dot_general3A {dimension_numbers = #tpu.dot_dimension_numbers<[1], [0], [0], [1], [0, 0, 1, 1], [], []>, transpose_lhs_hint = false} : vector<2048x128xf32>, vector<128x128xf32>, vector<2048x128xf32> -> vector<2048x128xf32>
    %swap3A = arith.constant 0 : index
    %swap3A_6 = arith.constant 0 : index
    %swap3A_7 = vector.load %arg3[%swap3A, %swap3A_6] : memref<2048x128xf32, #tpu.memory_space<vmem>>, vector<2048x128xf32>
    tpu.vector_store %arg3[%swap3A, %swap3A_6], %dot_general3A_5 {strides = array<i32>} : memref<2048x128xf32, #tpu.memory_space<vmem>>, vector<2048x128xf32>,
    return
  }
  func.func @transform_0(%arg0: i32) -> (i32, i32) {
    %c0_i32 = arith.constant 0 : i32
    %c0_i32_0 = arith.constant 0 : i32
    return %arg0, %c0_i32 : i32, i32
  }
  func.func @transform_1(%arg0: i32) -> (i32, i32) {
    %c0_i32 = arith.constant 0 : i32
    %c0_i32_0 = arith.constant 0 : i32
    %c0_i32_1 = arith.constant 0 : i32
    return %c0_i32, %c0_i32_0 : i32, i32
  }
  func.func @transform_2(%arg0: i32) -> (i32, i32) {
    %c0_i32 = arith.constant 0 : i32
    %c0_i32_0 = arith.constant 0 : i32
    return %arg0, %c0_i32 : i32, i32
  }
}

module attributes {stable_mosaic.version = 14 : i64} {
  func.func @body(%arg0: i32, %arg1: memref<2048x128xf32, #tpu.memory_space<vmem>>, %arg2: memref<2x2048x1xf32, #tpu.memory_space<vmem>>, %arg3: memref<2048x1xf32, #tpu.memory_space<vmem>>, %arg4: memref<2048x128xbf16, #tpu.memory_space<vmem>>) attributes {dimension_semantics = [#tpu.dimension_semantics<arbitrary>], iteration_bounds = array<i64: 5>, scalar_prefetch = 0 : i64, scratch_operands = 0 : i64, tpu.core_type = #tpu.core_type<tc>, window_params = [{transform_indices = @transform_0, window_bounds = array<i64: 2048, 128>}, {transform_indices = @transform_1, window_bounds = array<i64: 2, 2048, 1>}, {transform_indices = @transform_2, window_bounds = array<i64: 2048, 1>}, {transform_indices = @transform_3, window_bounds = array<i64: 2048, 128>}]} {
    %get3A = arith.constant 0 : index
    %get3A_0 = arith.constant 0 : index
    %get3A_1 = arith.constant 0 : index
    %get3A_2 = vector.load %arg2[%get3A, %get3A_0, %get3A_1] : memref<2x2048x1xf32, #tpu.memory_space<vmem>>, vector<1x2048x1xf32>
    %get3A_3 = vector.shape_cast %get3A_2 : vector<1x2048x1xf32> to vector<2048x1xf32>
    %get3A_4 = arith.constant 1 : index
    %get3A_5 = arith.constant 0 : index
    %get3A_6 = arith.constant 0 : index
    %get3A_7 = vector.load %arg2[%get3A_4, %get3A_5, %get3A_6] : memref<2x2048x1xf32, #tpu.memory_space<vmem>>, vector<1x2048x1xf32>
    %get3A_8 = vector.shape_cast %get3A_7 : vector<1x2048x1xf32> to vector<2048x1xf32>
    %add3A = arith.addf %get3A_3, %get3A_8 : vector<2048x1xf32>
    %add3A_9 = arith.constant 1.000000e+00 : f32
    %add3A_10 = vector.broadcast %add3A_9 : f32 to vector<2048x1xf32>
    %add3A_11 = arith.addf %add3A, %add3A_10 : vector<2048x1xf32>
    %rsqrt3A = math.rsqrt %add3A_11 : vector<2048x1xf32>
    %swap3A = arith.constant 0 : index
    %swap3A_12 = arith.constant 0 : index
    %swap3A_13 = vector.load %arg3[%swap3A, %swap3A_12] : memref<2048x1xf32, #tpu.memory_space<vmem>>, vector<2048x1xf32>
    tpu.vector_store %arg3[%swap3A, %swap3A_12], %rsqrt3A {strides = array<i32>} : memref<2048x1xf32, #tpu.memory_space<vmem>>, vector<2048x1xf32>,
    %get3A_14 = arith.constant 0 : index
    %get3A_15 = arith.constant 0 : index
    %get3A_16 = vector.load %arg1[%get3A_14, %get3A_15] : memref<2048x128xf32, #tpu.memory_space<vmem>>, vector<2048x128xf32>
    %mul3A = vector.broadcast %rsqrt3A : vector<2048x1xf32> to vector<2048x128xf32>
    %mul3A_17 = arith.mulf %mul3A, %get3A_16 : vector<2048x128xf32>
    %convert_element_type3A = arith.truncf %mul3A_17 : vector<2048x128xf32> to vector<2048x128xbf16>
    %swap3A_18 = arith.constant 0 : index
    %swap3A_19 = arith.constant 0 : index
    %swap3A_20 = vector.load %arg4[%swap3A_18, %swap3A_19] : memref<2048x128xbf16, #tpu.memory_space<vmem>>, vector<2048x128xbf16>
    tpu.vector_store %arg4[%swap3A_18, %swap3A_19], %convert_element_type3A {strides = array<i32>} : memref<2048x128xbf16, #tpu.memory_space<vmem>>, vector<2048x128xbf16>,
    return
  }
  func.func @transform_0(%arg0: i32) -> (i32, i32) {
    %c0_i32 = arith.constant 0 : i32
    %c0_i32_0 = arith.constant 0 : i32
    return %arg0, %c0_i32 : i32, i32
  }
  func.func @transform_1(%arg0: i32) -> (i32, i32, i32) {
    %c0_i32 = arith.constant 0 : i32
    %c0_i32_0 = arith.constant 0 : i32
    %c0_i32_1 = arith.constant 0 : i32
    return %c0_i32, %arg0, %c0_i32_0 : i32, i32, i32
  }
  func.func @transform_2(%arg0: i32) -> (i32, i32) {
    %c0_i32 = arith.constant 0 : i32
    %c0_i32_0 = arith.constant 0 : i32
    return %arg0, %c0_i32 : i32, i32
  }
  func.func @transform_3(%arg0: i32) -> (i32, i32) {
    %c0_i32 = arith.constant 0 : i32
    %c0_i32_0 = arith.constant 0 : i32
    return %arg0, %c0_i32 : i32, i32
  }
}

module attributes {stable_mosaic.version = 14 : i64} {
  func.func @body(%arg0: i32, %arg1: memref<2x2048x128xbf16, #tpu.memory_space<vmem>>, %arg2: memref<2048x128xbf16, #tpu.memory_space<vmem>>, %arg3: memref<2048x1xf32, #tpu.memory_space<vmem>>, %arg4: memref<1x128xf32, #tpu.memory_space<vmem>>, %arg5: memref<128x16xf32, #tpu.memory_space<vmem>>, %arg6: memref<2048x16xf32, #tpu.memory_space<vmem>>) attributes {dimension_semantics = [#tpu.dimension_semantics<arbitrary>], iteration_bounds = array<i64: 5>, scalar_prefetch = 0 : i64, scratch_operands = 0 : i64, tpu.core_type = #tpu.core_type<tc>, window_params = [{transform_indices = @transform_0, window_bounds = array<i64: 2, 2048, 128>}, {transform_indices = @transform_1, window_bounds = array<i64: 2048, 128>}, {transform_indices = @transform_2, window_bounds = array<i64: 2048, 1>}, {pipeline_mode = #tpu.pipeline_mode<synchronous>, transform_indices = @transform_3, window_bounds = array<i64: 1, 128>}, {pipeline_mode = #tpu.pipeline_mode<synchronous>, transform_indices = @transform_4, window_bounds = array<i64: 128, 16>}, {transform_indices = @transform_5, window_bounds = array<i64: 2048, 16>}]} {
    %get3A = arith.constant 0 : index
    %get3A_0 = arith.constant 0 : index
    %get3A_1 = arith.constant 0 : index
    %get3A_2 = vector.load %arg1[%get3A, %get3A_0, %get3A_1] : memref<2x2048x128xbf16, #tpu.memory_space<vmem>>, vector<1x2048x128xbf16>
    %get3A_3 = vector.shape_cast %get3A_2 : vector<1x2048x128xbf16> to vector<2048x128xbf16>
    %convert_element_type3A = arith.extf %get3A_3 : vector<2048x128xbf16> to vector<2048x128xf32>
    %get3A_4 = arith.constant 1 : index
    %get3A_5 = arith.constant 0 : index
    %get3A_6 = arith.constant 0 : index
    %get3A_7 = vector.load %arg1[%get3A_4, %get3A_5, %get3A_6] : memref<2x2048x128xbf16, #tpu.memory_space<vmem>>, vector<1x2048x128xbf16>
    %get3A_8 = vector.shape_cast %get3A_7 : vector<1x2048x128xbf16> to vector<2048x128xbf16>
    %convert_element_type3A_9 = arith.extf %get3A_8 : vector<2048x128xbf16> to vector<2048x128xf32>
    %add3A = arith.addf %convert_element_type3A, %convert_element_type3A_9 : vector<2048x128xf32>
    %get3A_10 = arith.constant 0 : index
    %get3A_11 = arith.constant 0 : index
    %get3A_12 = vector.load %arg2[%get3A_10, %get3A_11] : memref<2048x128xbf16, #tpu.memory_space<vmem>>, vector<2048x128xbf16>
    %convert_element_type3A_13 = arith.extf %get3A_12 : vector<2048x128xbf16> to vector<2048x128xf32>
    %add3A_14 = arith.addf %add3A, %convert_element_type3A_13 : vector<2048x128xf32>
    %get3A_15 = arith.constant 0 : index
    %get3A_16 = arith.constant 0 : index
    %get3A_17 = vector.load %arg3[%get3A_15, %get3A_16] : memref<2048x1xf32, #tpu.memory_space<vmem>>, vector<2048x1xf32>
    %mul3A = vector.broadcast %get3A_17 : vector<2048x1xf32> to vector<2048x128xf32>
    %mul3A_18 = arith.mulf %mul3A, %add3A_14 : vector<2048x128xf32>
    %get3A_19 = arith.constant 0 : index
    %get3A_20 = arith.constant 0 : index
    %get3A_21 = vector.load %arg4[%get3A_19, %get3A_20] : memref<1x128xf32, #tpu.memory_space<vmem>>, vector<1x128xf32>
    %add3A_22 = vector.broadcast %get3A_21 : vector<1x128xf32> to vector<2048x128xf32>
    %add3A_23 = arith.addf %mul3A_18, %add3A_22 : vector<2048x128xf32>
    %ge3A = arith.constant 0.000000e+00 : f32
    %ge3A_24 = vector.broadcast %ge3A : f32 to vector<2048x128xf32>
    %ge3A_25 = arith.cmpf oge, %add3A_23, %ge3A_24 : vector<2048x128xf32>
    %mul3A_26 = arith.constant 2.000000e-01 : f32
    %mul3A_27 = vector.broadcast %mul3A_26 : f32 to vector<2048x128xf32>
    %mul3A_28 = arith.mulf %mul3A_27, %add3A_23 : vector<2048x128xf32>
    %select_n3A = arith.select %ge3A_25, %add3A_23, %mul3A_28 : vector<2048x128xi1>, vector<2048x128xf32>
    %get3A_29 = arith.constant 0 : index
    %get3A_30 = arith.constant 0 : index
    %get3A_31 = vector.load %arg3[%get3A_29, %get3A_30] : memref<2048x1xf32, #tpu.memory_space<vmem>>, vector<2048x1xf32>
    %get3A_32 = arith.constant 0 : index
    %get3A_33 = arith.constant 0 : index
    %get3A_34 = vector.load %arg5[%get3A_32, %get3A_33] : memref<128x16xf32, #tpu.memory_space<vmem>>, vector<128x16xf32>
    %dot_general3A = arith.constant dense<0.000000e+00> : vector<2048x16xf32>
    %dot_general3A_35 = tpu.matmul %select_n3A, %get3A_34, %dot_general3A {dimension_numbers = #tpu.dot_dimension_numbers<[1], [0], [0], [1], [0, 0, 1, 1], [], []>, transpose_lhs_hint = false} : vector<2048x128xf32>, vector<128x16xf32>, vector<2048x16xf32> -> vector<2048x16xf32>
    %mul3A_36 = vector.broadcast %get3A_31 : vector<2048x1xf32> to vector<2048x16xf32>
    %mul3A_37 = arith.mulf %mul3A_36, %dot_general3A_35 : vector<2048x16xf32>
    %swap3A = arith.constant 0 : index
    %swap3A_38 = arith.constant 0 : index
    %swap3A_39 = vector.load %arg6[%swap3A, %swap3A_38] : memref<2048x16xf32, #tpu.memory_space<vmem>>, vector<2048x16xf32>
    tpu.vector_store %arg6[%swap3A, %swap3A_38], %mul3A_37 {strides = array<i32>} : memref<2048x16xf32, #tpu.memory_space<vmem>>, vector<2048x16xf32>,
    return
  }
  func.func @transform_0(%arg0: i32) -> (i32, i32, i32) {
    %c0_i32 = arith.constant 0 : i32
    %c0_i32_0 = arith.constant 0 : i32
    %c0_i32_1 = arith.constant 0 : i32
    return %c0_i32, %arg0, %c0_i32_0 : i32, i32, i32
  }
  func.func @transform_1(%arg0: i32) -> (i32, i32) {
    %c0_i32 = arith.constant 0 : i32
    %c0_i32_0 = arith.constant 0 : i32
    return %arg0, %c0_i32 : i32, i32
  }
  func.func @transform_2(%arg0: i32) -> (i32, i32) {
    %c0_i32 = arith.constant 0 : i32
    %c0_i32_0 = arith.constant 0 : i32
    return %arg0, %c0_i32 : i32, i32
  }
  func.func @transform_3(%arg0: i32) -> (i32, i32) {
    %c0_i32 = arith.constant 0 : i32
    %c0_i32_0 = arith.constant 0 : i32
    %c0_i32_1 = arith.constant 0 : i32
    return %c0_i32, %c0_i32_0 : i32, i32
  }
  func.func @transform_4(%arg0: i32) -> (i32, i32) {
    %c0_i32 = arith.constant 0 : i32
    %c0_i32_0 = arith.constant 0 : i32
    %c0_i32_1 = arith.constant 0 : i32
    return %c0_i32, %c0_i32_0 : i32, i32
  }
  func.func @transform_5(%arg0: i32) -> (i32, i32) {
    %c0_i32 = arith.constant 0 : i32
    %c0_i32_0 = arith.constant 0 : i32
    return %arg0, %c0_i32 : i32, i32
  }
}

module attributes {stable_mosaic.version = 14 : i64} {
  func.func @body(%arg0: i32, %arg1: memref<2x2048x16xf32, #tpu.memory_space<vmem>>, %arg2: memref<2048x16xf32, #tpu.memory_space<vmem>>, %arg3: memref<2048x1xf32, #tpu.memory_space<vmem>>, %arg4: memref<1x16xf32, #tpu.memory_space<vmem>>, %arg5: memref<16x16xf32, #tpu.memory_space<vmem>>, %arg6: memref<2048x16xf32, #tpu.memory_space<vmem>>) attributes {dimension_semantics = [#tpu.dimension_semantics<arbitrary>], iteration_bounds = array<i64: 5>, scalar_prefetch = 0 : i64, scratch_operands = 0 : i64, tpu.core_type = #tpu.core_type<tc>, window_params = [{transform_indices = @transform_0, window_bounds = array<i64: 2, 2048, 16>}, {transform_indices = @transform_1, window_bounds = array<i64: 2048, 16>}, {transform_indices = @transform_2, window_bounds = array<i64: 2048, 1>}, {pipeline_mode = #tpu.pipeline_mode<synchronous>, transform_indices = @transform_3, window_bounds = array<i64: 1, 16>}, {pipeline_mode = #tpu.pipeline_mode<synchronous>, transform_indices = @transform_4, window_bounds = array<i64: 16, 16>}, {transform_indices = @transform_5, window_bounds = array<i64: 2048, 16>}]} {
    %get3A = arith.constant 0 : index
    %get3A_0 = arith.constant 0 : index
    %get3A_1 = arith.constant 0 : index
    %get3A_2 = vector.load %arg1[%get3A, %get3A_0, %get3A_1] : memref<2x2048x16xf32, #tpu.memory_space<vmem>>, vector<1x2048x16xf32>
    %get3A_3 = vector.shape_cast %get3A_2 : vector<1x2048x16xf32> to vector<2048x16xf32>
    %get3A_4 = arith.constant 1 : index
    %get3A_5 = arith.constant 0 : index
    %get3A_6 = arith.constant 0 : index
    %get3A_7 = vector.load %arg1[%get3A_4, %get3A_5, %get3A_6] : memref<2x2048x16xf32, #tpu.memory_space<vmem>>, vector<1x2048x16xf32>
    %get3A_8 = vector.shape_cast %get3A_7 : vector<1x2048x16xf32> to vector<2048x16xf32>
    %add3A = arith.addf %get3A_3, %get3A_8 : vector<2048x16xf32>
    %get3A_9 = arith.constant 0 : index
    %get3A_10 = arith.constant 0 : index
    %get3A_11 = vector.load %arg2[%get3A_9, %get3A_10] : memref<2048x16xf32, #tpu.memory_space<vmem>>, vector<2048x16xf32>
    %add3A_12 = arith.addf %add3A, %get3A_11 : vector<2048x16xf32>
    %get3A_13 = arith.constant 0 : index
    %get3A_14 = arith.constant 0 : index
    %get3A_15 = vector.load %arg3[%get3A_13, %get3A_14] : memref<2048x1xf32, #tpu.memory_space<vmem>>, vector<2048x1xf32>
    %mul3A = vector.broadcast %get3A_15 : vector<2048x1xf32> to vector<2048x16xf32>
    %mul3A_16 = arith.mulf %mul3A, %add3A_12 : vector<2048x16xf32>
    %get3A_17 = arith.constant 0 : index
    %get3A_18 = arith.constant 0 : index
    %get3A_19 = vector.load %arg4[%get3A_17, %get3A_18] : memref<1x16xf32, #tpu.memory_space<vmem>>, vector<1x16xf32>
    %add3A_20 = vector.broadcast %get3A_19 : vector<1x16xf32> to vector<2048x16xf32>
    %add3A_21 = arith.addf %mul3A_16, %add3A_20 : vector<2048x16xf32>
    %ge3A = arith.constant 0.000000e+00 : f32
    %ge3A_22 = vector.broadcast %ge3A : f32 to vector<2048x16xf32>
    %ge3A_23 = arith.cmpf oge, %add3A_21, %ge3A_22 : vector<2048x16xf32>
    %mul3A_24 = arith.constant 2.000000e-01 : f32
    %mul3A_25 = vector.broadcast %mul3A_24 : f32 to vector<2048x16xf32>
    %mul3A_26 = arith.mulf %mul3A_25, %add3A_21 : vector<2048x16xf32>
    %select_n3A = arith.select %ge3A_23, %add3A_21, %mul3A_26 : vector<2048x16xi1>, vector<2048x16xf32>
    %get3A_27 = arith.constant 0 : index
    %get3A_28 = arith.constant 0 : index
    %get3A_29 = vector.load %arg3[%get3A_27, %get3A_28] : memref<2048x1xf32, #tpu.memory_space<vmem>>, vector<2048x1xf32>
    %get3A_30 = arith.constant 0 : index
    %get3A_31 = arith.constant 0 : index
    %get3A_32 = vector.load %arg5[%get3A_30, %get3A_31] : memref<16x16xf32, #tpu.memory_space<vmem>>, vector<16x16xf32>
    %dot_general3A = arith.constant dense<0.000000e+00> : vector<2048x16xf32>
    %dot_general3A_33 = tpu.matmul %select_n3A, %get3A_32, %dot_general3A {dimension_numbers = #tpu.dot_dimension_numbers<[1], [0], [0], [1], [0, 0, 1, 1], [], []>, transpose_lhs_hint = false} : vector<2048x16xf32>, vector<16x16xf32>, vector<2048x16xf32> -> vector<2048x16xf32>
    %mul3A_34 = vector.broadcast %get3A_29 : vector<2048x1xf32> to vector<2048x16xf32>
    %mul3A_35 = arith.mulf %mul3A_34, %dot_general3A_33 : vector<2048x16xf32>
    %swap3A = arith.constant 0 : index
    %swap3A_36 = arith.constant 0 : index
    %swap3A_37 = vector.load %arg6[%swap3A, %swap3A_36] : memref<2048x16xf32, #tpu.memory_space<vmem>>, vector<2048x16xf32>
    tpu.vector_store %arg6[%swap3A, %swap3A_36], %mul3A_35 {strides = array<i32>} : memref<2048x16xf32, #tpu.memory_space<vmem>>, vector<2048x16xf32>,
    return
  }
  func.func @transform_0(%arg0: i32) -> (i32, i32, i32) {
    %c0_i32 = arith.constant 0 : i32
    %c0_i32_0 = arith.constant 0 : i32
    %c0_i32_1 = arith.constant 0 : i32
    return %c0_i32, %arg0, %c0_i32_0 : i32, i32, i32
  }
  func.func @transform_1(%arg0: i32) -> (i32, i32) {
    %c0_i32 = arith.constant 0 : i32
    %c0_i32_0 = arith.constant 0 : i32
    return %arg0, %c0_i32 : i32, i32
  }
  func.func @transform_2(%arg0: i32) -> (i32, i32) {
    %c0_i32 = arith.constant 0 : i32
    %c0_i32_0 = arith.constant 0 : i32
    return %arg0, %c0_i32 : i32, i32
  }
  func.func @transform_3(%arg0: i32) -> (i32, i32) {
    %c0_i32 = arith.constant 0 : i32
    %c0_i32_0 = arith.constant 0 : i32
    %c0_i32_1 = arith.constant 0 : i32
    return %c0_i32, %c0_i32_0 : i32, i32
  }
  func.func @transform_4(%arg0: i32) -> (i32, i32) {
    %c0_i32 = arith.constant 0 : i32
    %c0_i32_0 = arith.constant 0 : i32
    %c0_i32_1 = arith.constant 0 : i32
    return %c0_i32, %c0_i32_0 : i32, i32
  }
  func.func @transform_5(%arg0: i32) -> (i32, i32) {
    %c0_i32 = arith.constant 0 : i32
    %c0_i32_0 = arith.constant 0 : i32
    return %arg0, %c0_i32 : i32, i32
  }
}

module attributes {stable_mosaic.version = 14 : i64} {
  func.func @body(%arg0: i32, %arg1: memref<2x2048x16xf32, #tpu.memory_space<vmem>>, %arg2: memref<2048x16xf32, #tpu.memory_space<vmem>>, %arg3: memref<2048x1xf32, #tpu.memory_space<vmem>>, %arg4: memref<1x16xf32, #tpu.memory_space<vmem>>, %arg5: memref<2048x16xf32, #tpu.memory_space<vmem>>) attributes {dimension_semantics = [#tpu.dimension_semantics<arbitrary>], iteration_bounds = array<i64: 5>, scalar_prefetch = 0 : i64, scratch_operands = 0 : i64, tpu.core_type = #tpu.core_type<tc>, window_params = [{transform_indices = @transform_0, window_bounds = array<i64: 2, 2048, 16>}, {transform_indices = @transform_1, window_bounds = array<i64: 2048, 16>}, {transform_indices = @transform_2, window_bounds = array<i64: 2048, 1>}, {pipeline_mode = #tpu.pipeline_mode<synchronous>, transform_indices = @transform_3, window_bounds = array<i64: 1, 16>}, {transform_indices = @transform_4, window_bounds = array<i64: 2048, 16>}]} {
    %get3A = arith.constant 0 : index
    %get3A_0 = arith.constant 0 : index
    %get3A_1 = vector.load %arg3[%get3A, %get3A_0] : memref<2048x1xf32, #tpu.memory_space<vmem>>, vector<2048x1xf32>
    %get3A_2 = arith.constant 0 : index
    %get3A_3 = arith.constant 0 : index
    %get3A_4 = arith.constant 0 : index
    %get3A_5 = vector.load %arg1[%get3A_2, %get3A_3, %get3A_4] : memref<2x2048x16xf32, #tpu.memory_space<vmem>>, vector<1x2048x16xf32>
    %get3A_6 = vector.shape_cast %get3A_5 : vector<1x2048x16xf32> to vector<2048x16xf32>
    %get3A_7 = arith.constant 1 : index
    %get3A_8 = arith.constant 0 : index
    %get3A_9 = arith.constant 0 : index
    %get3A_10 = vector.load %arg1[%get3A_7, %get3A_8, %get3A_9] : memref<2x2048x16xf32, #tpu.memory_space<vmem>>, vector<1x2048x16xf32>
    %get3A_11 = vector.shape_cast %get3A_10 : vector<1x2048x16xf32> to vector<2048x16xf32>
    %add3A = arith.addf %get3A_6, %get3A_11 : vector<2048x16xf32>
    %get3A_12 = arith.constant 0 : index
    %get3A_13 = arith.constant 0 : index
    %get3A_14 = vector.load %arg2[%get3A_12, %get3A_13] : memref<2048x16xf32, #tpu.memory_space<vmem>>, vector<2048x16xf32>
    %add3A_15 = arith.addf %add3A, %get3A_14 : vector<2048x16xf32>
    %mul3A = vector.broadcast %get3A_1 : vector<2048x1xf32> to vector<2048x16xf32>
    %mul3A_16 = arith.mulf %mul3A, %add3A_15 : vector<2048x16xf32>
    %get3A_17 = arith.constant 0 : index
    %get3A_18 = arith.constant 0 : index
    %get3A_19 = vector.load %arg4[%get3A_17, %get3A_18] : memref<1x16xf32, #tpu.memory_space<vmem>>, vector<1x16xf32>
    %add3A_20 = vector.broadcast %get3A_19 : vector<1x16xf32> to vector<2048x16xf32>
    %add3A_21 = arith.addf %mul3A_16, %add3A_20 : vector<2048x16xf32>
    %swap3A = arith.constant 0 : index
    %swap3A_22 = arith.constant 0 : index
    %swap3A_23 = vector.load %arg5[%swap3A, %swap3A_22] : memref<2048x16xf32, #tpu.memory_space<vmem>>, vector<2048x16xf32>
    tpu.vector_store %arg5[%swap3A, %swap3A_22], %add3A_21 {strides = array<i32>} : memref<2048x16xf32, #tpu.memory_space<vmem>>, vector<2048x16xf32>,
    return
  }
  func.func @transform_0(%arg0: i32) -> (i32, i32, i32) {
    %c0_i32 = arith.constant 0 : i32
    %c0_i32_0 = arith.constant 0 : i32
    %c0_i32_1 = arith.constant 0 : i32
    return %c0_i32, %arg0, %c0_i32_0 : i32, i32, i32
  }
  func.func @transform_1(%arg0: i32) -> (i32, i32) {
    %c0_i32 = arith.constant 0 : i32
    %c0_i32_0 = arith.constant 0 : i32
    return %arg0, %c0_i32 : i32, i32
  }
  func.func @transform_2(%arg0: i32) -> (i32, i32) {
    %c0_i32 = arith.constant 0 : i32
    %c0_i32_0 = arith.constant 0 : i32
    return %arg0, %c0_i32 : i32, i32
  }
  func.func @transform_3(%arg0: i32) -> (i32, i32) {
    %c0_i32 = arith.constant 0 : i32
    %c0_i32_0 = arith.constant 0 : i32
    %c0_i32_1 = arith.constant 0 : i32
    return %c0_i32, %c0_i32_0 : i32, i32
  }
  func.func @transform_4(%arg0: i32) -> (i32, i32) {
    %c0_i32 = arith.constant 0 : i32
    %c0_i32_0 = arith.constant 0 : i32
    return %arg0, %c0_i32 : i32, i32
  }
}

</mosaic_0001>

<sc_bundles>
// kernel: kernel.11.cloned.1.call-start
scs
__scs_entry_jumppad:
0x0: {  	(pc) =	sbr.rel $0x88, $3  }
0x1: {  	(tag) =	ssettag $0x0;
	lr =	simm.s32 $0x1  }
0x2: {  	[smem:$0x3F99] =	sst lr;
	_ =	strace $0xD0000000  }
0x3: {  	_ = 	snop  }
0x4: {  	_ = 	snop  }
0x5: {  	_ = 	snop  }
0x6: {  	_ = 	snop  }
0x7: {  	_ = 	snop  }
__scs_overlays_trampoline_lowered:
0x8: {  	[smem:$0x3FA8] =	sst s0  }
0x9: {  	[smem:$0x3FA9] =	sst s1  }
0xa: {  	[smem:$0x3FAA] =	sst s2  }
0xb: {  	[smem:$0x3FAB] =	sst s3  }
0xc: {  	[smem:$0x3FAC] =	sst s4  }
0xd: {  	[smem:$0x3FAD] =	sst s5  }
0xe: {  	[smem:$0x3FAE] =	sst s6  }
0xf: {  	[smem:$0x3FAF] =	sst s7  }
0x10: {  	[smem:$0x3FB0] =	sst s8  }
0x11: {  	[smem:$0x3FB1] =	sst s9;
	s0 =	simm.s32 @!p0 $0x0  }
0x12: {  	s1 =	sld [smem:$0x3F97];
	s0 =	simm.s32 @p0 $0x1  }
0x13: {  	[smem:$0x3FB2] =	sst s0;
	s0 =	simm.s32 @!p1 $0x0  }
0x14: {  	s2 =	sld [smem:$0x3F96];
	s0 =	simm.s32 @p1 $0x1  }
0x15: {  	[smem:$0x3FB3] =	sst s0;
	s0 =	simm.s32 @!p2 $0x0  }
0x16: {  	s3 =	sld [smem:$0x3FDB];
	s0 =	simm.s32 @p2 $0x1  }
0x17: {  	s4 =	simm.s32 $0x1BF5;
	[smem:$0x3FB5] =	sst s0  }
0x18: {  	s0 =	sld [smem:$0x3F98];
	_ =	swait.ge [sflag:s4], $0x0  }
0x19: {  	s7 =	sld [smem:$0x3F99]  }
0x1a: {  	s8 =	sadd.s32 $0xFFFFE003, lr  }
0x1b: {  	s9 =	sadd.s32 $0xFFFFFEF7, lr;
	s5 =	simm.s32 $0xFFFFFFFF;
	p2 =	slt.u32 s8, $0xFFFFF086  }
0x1c: {  	p1 =	slt.u32 s9, $0xF7A;
	s5 =	simm.s32 @!p2 $0x0  }
0x1d: {  	s5 =	simm.s32 @p1 $0x1;
	p0 =	seq.s32 s7, s2  }
0x1e: {  	s7 =	smul.u32 @!p0 $0xF7A, s2;
	p2 =	seq.s32 @!p0 s5, $0x0  }
0x1f: {  	s9 =	smul.u32 $0xF7A, s1;
	s8 =	simm.s32 @!p0 $0x1BF5;
	p2 =	por !p2, p0  }
0x20: {  	[sflag:s8] =	ssyncset.s32 @!p0 $0xFFFFF086;
	s6 =	sadd.s32 @!p0 s3, s7;
	s7 =	simm.s32 @!p0 $0x108  }
0x21: {  	s3 =	sadd.s32 s3, s9;
	s6 =	sadd.s32 @!p0 $0x88, s6;
	s7 =	simm.s32 @p2 $0x1082  }
0x22: {  	[simem:s7], [sflag:s8] =	dma.local @!p0 [hbm:s6], $0xF7A  }
0x23: {  	s9 =	sor.u32 $0xD0000000, s2;
	s6 =	simm.s32 $0x108;
	_ =	swait.ge @!p0 [sflag:s8], $0x0  }
0x24: {  	s3 =	sadd.s32 $0x88, s3;
	s6 =	simm.s32 @!p1 $0x1082;
	[sflag:s4] =	ssyncset.s32 $0xFFFFF086  }
0x25: {  	[simem:s6], [sflag:s4] =	dma.local [hbm:s3], $0xF7A  }
0x26: {  	[smem:$0x3F99] =	sst s1;
	(tag) =	ssettag s2;
	_ =	strace s9  }
0x27: {  	s1 =	sld [smem:$0x3FA9]  }
0x28: {  	s2 =	sld [smem:$0x3FAA]  }
0x29: {  	s4 =	sld [smem:$0x3FAC]  }
0x2a: {  	p0 =	seq.s32 s5, $0x0;
	s5 =	sld [smem:$0x3FAD]  }
0x2b: {  	s6 =	sld [smem:$0x3FAE]  }
0x2c: {  	s7 =	sld [smem:$0x3FAF]  }
0x2d: {  	s3 =	simm.s32 $0x108;
	s8 =	sld [smem:$0x3FB0]  }
0x2e: {  	s3 =	simm.s32 @!p0 $0x1082;
	s9 =	sld [smem:$0x3FB1]  }
0x2f: {  	lr =	sadd.s32 s0, s3;
	s0 =	sld [smem:$0x3FA8]  }
0x30: {  	s3 =	sld [smem:$0x3FAB]  }
0x31: {  	[smem:$0x3FB4] =	sst s10  }
0x32: {  	s10 =	sld [smem:$0x3FB2];
	_ =	sdelay $0x3  }
0x33: {  	p0 =	seq.s32 s10, $0x1;
	s10 =	sld [smem:$0x3FB4];
	_ =	sdelay $0x3  }
0x34: {  	[smem:$0x3FB4] =	sst s10  }
0x35: {  	s10 =	sld [smem:$0x3FB3];
	_ =	sdelay $0x3  }
0x36: {  	p1 =	seq.s32 s10, $0x1;
	s10 =	sld [smem:$0x3FB4];
	_ =	sdelay $0x3  }
0x37: {  	[smem:$0x3FB4] =	sst s10  }
0x38: {  	s10 =	sld [smem:$0x3FB5]  }
0x39: {  	_ = 	snop;
	(pc) =	sbr.ind lr, $3  }
0x3a: {  	_ = 	snop  }
0x3b: {  	_ = 	snop  }
0x3c: {  	p2 =	seq.s32 s10, $0x1;
	s10 =	sld [smem:$0x3FB4]  }
0x3d: {  	_ =	shalt  }
0x3e: {  	_ =	shalt  }
0x3f: {  	_ =	shalt  }
0x40: {  	_ =	shalt  }
0x41: {  	_ =	shalt  }
0x42: {  	_ =	shalt  }
0x43: {  	_ =	shalt  }
0x44: {  	_ =	shalt  }
0x45: {  	_ =	shalt  }
0x46: {  	_ =	shalt  }
0x47: {  	_ =	shalt  }
0x48: {  	_ =	shalt  }
0x49: {  	_ =	shalt  }
0x4a: {  	_ =	shalt  }
0x4b: {  	_ =	shalt  }
0x4c: {  	_ =	shalt  }
0x4d: {  	_ =	shalt  }
0x4e: {  	_ =	shalt  }
0x4f: {  	_ =	shalt  }
0x50: {  	_ =	shalt  }
0x51: {  	_ =	shalt  }
0x52: {  	_ =	shalt  }
0x53: {  	_ =	shalt  }
0x54: {  	_ =	shalt  }
0x55: {  	_ =	shalt  }
0x56: {  	_ =	shalt  }
0x57: {  	_ =	shalt  }
0x58: {  	_ =	shalt  }
0x59: {  	_ =	shalt  }
0x5a: {  	_ =	shalt  }
0x5b: {  	_ =	shalt  }
0x5c: {  	_ =	shalt  }
0x5d: {  	_ =	shalt  }
0x5e: {  	_ =	shalt  }
0x5f: {  	_ =	shalt  }
0x60: {  	_ =	shalt  }
0x61: {  	_ =	shalt  }
0x62: {  	_ =	shalt  }
0x63: {  	_ =	shalt  }
0x64: {  	_ =	shalt  }
0x65: {  	_ =	shalt  }
0x66: {  	_ =	shalt  }
0x67: {  	_ =	shalt  }
0x68: {  	_ =	shalt  }
0x69: {  	_ =	shalt  }
0x6a: {  	_ =	shalt  }
0x6b: {  	_ =	shalt  }
0x6c: {  	_ =	shalt  }
0x6d: {  	_ =	shalt  }
0x6e: {  	_ =	shalt  }
0x6f: {  	_ =	shalt  }
0x70: {  	_ =	shalt  }
0x71: {  	_ =	shalt  }
0x72: {  	_ =	shalt  }
0x73: {  	_ =	shalt  }
0x74: {  	_ =	shalt  }
0x75: {  	_ =	shalt  }
0x76: {  	_ =	shalt  }
0x77: {  	_ =	shalt  }
0x78: {  	_ =	shalt  }
0x79: {  	_ =	shalt  }
0x7a: {  	_ =	shalt  }
0x7b: {  	_ =	shalt  }
0x7c: {  	_ =	shalt  }
0x7d: {  	_ =	shalt  }
0x7e: {  	_ =	shalt  }
0x7f: {  	_ =	shalt  }
0x80: {  	_ =	shalt  }
0x81: {  	_ =	shalt  }
0x82: {  	_ =	shalt  }
0x83: {  	_ =	shalt  }
0x84: {  	_ =	shalt  }
0x85: {  	_ =	shalt  }
0x86: {  	_ =	shalt  }
0x87: {  	_ =	shalt  }
.Lfunc_end0:
.L_simem_size_0:
called_computation_lowered:
.L_overlay_start_0:
0x88: {  	s2 =	sld [smem:$0x3FD9]  }
0x89: {  	s3 =	sld [smem:$0x3FFE];
	_ =	sdelay $0x1  }
0x8a: {  	s1 =	srdreg.scid  }
0x8b: {  	s0 =	sand.u32 $0x1, s1  }
0x8c: {  	s17 =	sshll.u32 s0, $0xA;
	s2 =	sadd.s32 s3, s2  }
0x8d: {  	s2 =	sadd.s32 s2, s17  }
0x8e: {  	[smem:$0x3FC0] =	sst s2  }
0x8f: {  	_ = 	snop  }
0x90: {  	s2 =	sld [smem:$0x3FD0];
	(tm) =	ssettm $0x1  }
0x91: {  	s18 =	sld [smem:$0x3FFB];
	_ =	sdelay $0x3  }
0x92: {  	_ =	strace s18  }
0x93: {  	s3 =	sld [smem:$0x3FFC];
	_ =	sdelay $0x3  }
0x94: {  	_ =	strace s3  }
0x95: {  	s3 =	sld [smem:$0x3FFD];
	_ =	sdelay $0x3  }
0x96: {  	_ =	strace s3  }
0x97: {  	_ =	strace $0x8FFFFFFF  }
0x98: {  	s19 =	sld [smem:$0x3FDB];
	_ =	sdelay $0x1  }
0x99: {  	s4 =	simm.s32 $_scs_section_size  }
0x9a: {  	s5 =	simm.s32 $_size__tile_overlayer_lowered;
	s6 =	simm.s32 $_tile_overlayer_lowered  }
0x9b: {  	s22 =	simm.s32 $0x1BFF;
	s21 =	sshll.u32 s6, $0x1;
	s3 =	sadd.s32 s4, s19  }
0x9c: {  	s7 =	simm.s32 $0x0;
	s20 =	sshll.u32 s5, $0x1;
	s5 =	sadd.s32 s21, s3  }
0x9d: {  	[timem:s7], [sflag:s22] =	dma.local [hbm:s5], s20  }
0x9e: {  	_ =	swait.ge [sflag:s22], s20  }
0x9f: {  	s4 =	ssub.s32 $0x0, s20;
	[sflag:s22] =	ssyncset.done $0x0  }
0xa0: {  	[sflag:s22] =	ssyncadd.s32 s4;
	_ =	sdelay $0x1  }
0xa1: {  	s23 =	simm.s32 $0x1B8B  }
0xa2: {  	_ =	swait.ge [sflag:s23], $0x1  }
0xa3: {  	[sflag:s23] =	ssyncset.done $0x0  }
0xa4: {  	s25 =	simm.s32 $0x1B8E;
	s24 =	sld [smem:$0x3FFE];
	[sflag:s23] =	ssyncadd.s32 $0xFFFFFFFF  }
0xa5: {  	s26 =	simm.s32 $execute0_lowered;
	[smem:$0x3FD2] =	sst s25  }
0xa6: {  	s5 =	sshll.u32 s26, $0x1;
	_ =	strace $0x80000046;
	[dreg:$0x1] =	wrdreg $0xFFFFFFFF  }
0xa7: {  	s28 =	simm.s32 $_size_execute0_lowered;
	s3 =	sadd.s32 s3, s5;
	[dreg:$0x0] =	wrdreg $0x0  }
0xa8: {  	s5 =	sshll.u32 s28, $0x1;
	[dreg:$0x2] =	wrdreg s3  }
0xa9: {  	[dreg:$0x3] =	wrdreg s5  }
0xaa: {  	[dreg:$0x4] =	wrdreg $0xC0  }
0xab: {  	_ =	task [dreg:s7], $0x5FFFF  }
0xac: {  	[dreg:$0x1] =	wrdreg $0xFFFFFFFF  }
0xad: {  	[dreg:$0x0] =	wrdreg $0x60  }
0xae: {  	[dreg:$0x2] =	wrdreg s24  }
0xaf: {  	[dreg:$0x3] =	wrdreg s2  }
0xb0: {  	[dreg:$0x4] =	wrdreg $0x28800  }
0xb1: {  	[dreg:$0x5] =	wrdreg $0x9  }
0xb2: {  	_ =	task.clear_ibuf [dreg:s7], $0x6FFFF;
	_ =	strace $0x90000046  }
0xb3: {  	s29 =	simm.s32 $0x9;
	_ =	strace $0x80000048  }
0xb4: {  	_ =	swait.ge [sflag:s29], $0x1  }
0xb5: {  	[sflag:s29] =	ssyncadd.s32 $0xFFFFFFFF  }
0xb6: {  	_ =	strace $0x90000048  }
0xb7: {  	_ =	sfence  }
0xb8: {  	s30 =	sld [smem:$0x0];
	_ =	sdelay $0x2  }
0xb9: {  	s31 =	sshll.u32 s1, $0xD;
	s1 =	sshrl.u32 s1, $0x2  }
0xba: {  	s3 =	sand.u32 $0x4000, s31;
	s1 =	sadd.s32 s1, s30  }
0xbb: {  	s0 =	sor.u32 s3, s0;
	s1 =	sshll.u32 s1, $0x11  }
0xbc: {  	s0 =	sor.u32 s1, s0  }
0xbd: {  	s0 =	sadd.s32 $0x8F2B, s0  }
0xbe: {  	[sflag:s0] =	ssyncadd.remote.s32 $0x1  }
0xbf: {  	_ =	sfence.sel $0xFFFF  }
0xc0: {  	[dreg:$0x0] =	wrdreg $0xFFFFFFFF;
	(pc) =	sbr.abs _section_cstart, $3  }
0xc1: {  	[dreg:$0x1] =	wrdreg $0xFFFFFFFF  }
0xc2: {  	_ =	task.clear_ibuf [dreg:s7], $0x2FFFF;
	_ =	strace $0x9FFFFFFF  }
0xc3: {  	(tm) =	ssettm $0x7FFFFFFF  }
tec
execute0_lowered:
.L_overlay_start_1:
0x0: {  	(tag) =	ssettag $0x1  }
0x1: {  	s4 =	rddreg [dreg:$0x0]  }
0x2: {  	s0 =	srdreg.scid;
	s8 =	rddreg [dreg:$0x1]  }
0x3: {  	s2 =	rddreg [dreg:$0x2];
	s3 =	simm.s32 $0x0;
	s13 =	simm.s32 $0x80  }
0x4: {  	s14 =	simm.s32 $0x0;
	s5 =	sand.u32 $0x1, s0;
	s0 =	stileid.u32  }
0x5: {  	[smem:$0x7FF] =	sst s3;
	s1 =	sshll.u32 s5, $0x4;
	s7 =	smul.u32 $0x280, s0  }
0x6: {  	s10 =	ssub.s32 $0x2, s5;
	s5 =	smul.u32 $0x2800, s5;
	s31 =	sshll.u32 s0, $0x6  }
0x7: {  	s6 =	sor.u32 s0, s1;
	s1 =	rddreg [dreg:$0x3];
	_ =	strace $0x80000047  }
0x8: {  	s11 =	sshrl.u32 s10, $0x1;
	s6 =	smul.u32 $0x500, s6;
	s29 =	sshrl.u32 s7, $0x3  }
0x9: {  	s10 =	ssub.s32 s10, s11;
	s30 =	sadd.s32 s7, s2;
	s7 =	sadd.s32 s7, s5  }
0xa: {  	s11 =	simm.s32 $0x1;
	s12 =	sshrl.u32 s7, $0x3;
	s9 =	sadd.s32 s6, s4  }
0xb: {  	s6 =	sadd.s32 s29, s4;
	s4 =	sadd.s32 $0x16600, s4;
	s8 =	sadd.s32 s8, s12  }
0xc: {  	s12 =	simm.s32 $0x2800;
	s5 =	sadd.s32 $0x16000, s6;
	s6 =	sor.u32 $0x1C01, s31  }
0xd: {  	s7 =	sadd.s32 $0xC000, s9;
	s9 =	smax.u32 s10, $0x1;
	s10 =	sshrl.u32 s30, $0x3  }
.LBB2_1:
0xe: {  	[spmem:s10], [sflag:s6] =	dma.local [hbm:s5], $0x50  }
0xf: {  	_ =	swait.ge [sflag:s11], $0x50  }
0x10: {  	[sflag:s11] =	ssyncset.done $0x0  }
0x11: {  	[sflag:s11] =	ssyncadd.s32 $0xFFFFFFB0  }
0x12: {  	[tilespmem:s3], [sflag:$0x1] =	stream.linear.gather [hbm4b:s7+s3], $0x2800, $0x38;
	[tilespmem:$0x2B00] =	vst v63  }
0x13: {  	_ =	swait.ge [sflag:s11], $0x2800  }
0x14: {  	[sflag:s11] =	ssyncset.done $0x0  }
0x15: {  	[sflag:s11] =	ssyncadd.s32 $0xFFFFD800  }
0x16: {  	[tilespmem:s12], [sflag:$0x1] =	stream.linear.gather [hbm4b:s4+s3], $0x80, $0x38;
	[tilespmem:$0x2B00] =	vst v63  }
0x17: {  	_ =	swait.ge [sflag:s11], $0x80  }
0x18: {  	[sflag:s11] =	ssyncset.done $0x0  }
0x19: {  	[sflag:s11] =	ssyncadd.s32 $0xFFFFFF80  }
0x1a: {  	s15 =	simm.s32 $0x0;
	[bflag:$0x0] =	sbarrier.arrive $0xFFFF  }
0x1b: {  	[spmem:s2] =	stream.indirect.scatter.add.f32 [tilespmem:s12], [sflag:$0x1], $0x1, s15, s13, $0xb8;
	[tilespmem:$0x2B00] =	vst v63  }
0x1c: {  	_ =	swait.ge [sflag:s11], $0x80  }
0x1d: {  	s15 =	simm.s32 $0x200;
	[sflag:s11] =	ssyncset.done $0x0  }
.LBB2_2:
0x1e: {  	s16 =	sshra.s32 s15, $0x2;
	[sflag:s11] =	ssyncadd.s32 $0xFFFFFF80;
	p0 =	sne.s32 s15, $0x9E00  }
0x1f: {  	[spmem:s2] =	stream.indirect.scatter.add.f32 [tilespmem:s12], [sflag:$0x1], $0x1, s16, s13, $0xb8;
	[tilespmem:$0x2B00] =	vst v63  }
.Ltmp0:
0x20: {  	_ = 	snop;
	(pc) =	sbr.rel @p0 .LBB2_2-.Ltmp0, $4  }
0x21: {  	_ = 	snop  }
0x22: {  	s15 =	sadd.s32 $0x200, s15  }
0x23: {  	_ =	swait.ge [sflag:s11], $0x80  }
0x24: {  	[sflag:s11] =	ssyncset.done $0x0  }
0x25: {  	s14 =	sadd.s32 $0x1, s14  }
0x26: {  	[sflag:s11] =	ssyncadd.s32 $0xFFFFFF80;
	p0 =	sne.s32 s14, s9  }
.Ltmp1:
0x27: {  	[bflag:$0x0] =	sbarrier.arrive $0xFFFF;
	(pc) =	sbr.rel @p0 .LBB2_1-.Ltmp1, $4  }
0x28: {  	[hbm:s8], [sflag:s6] =	dma.local [spmem:s10], $0x50  }
0x29: {  	_ =	swait.ge [sflag:s11], $0x50  }
0x2a: {  	[sflag:s11] =	ssyncset.done $0x0  }
0x2b: {  	[sflag:s11] =	ssyncadd.s32 $0xFFFFFFB0  }
0x2c: {  	_ =	sfence.sel $0x180000  }
0x2d: {  	[bflag:$0x0] =	sbarrier.arrive $0xFFFF  }
0x2e: {  	p0 =	sne.s32 s0, $0x0;
	_ =	strace $0x90000047  }
0x2f: {  	s0 =	sadd.s32 @!p0 $0x100000, s1;
	[bflag:$0x2] =	sbarrier.arrive $0xFFFF  }
0x30: {  	[sflag:s0] =	ssyncadd.tile.s32 @!p0 $0x1;
	_ =	shalt  }
.Lfunc_end2:
_tile_overlayer_lowered:
.L_overlay_start_2:
0x31: {  	(tag) =	ssettag $0x2  }
0x32: {  	s0 =	rddreg [dreg:$0x0];
	s2 =	stileid.u32  }
0x33: {  	s1 =	rddreg [dreg:$0x1];
	p0 =	sne.s32 s2, $0x0  }
0x34: {  	s3 =	rddreg [dreg:$0x2];
	[bflag:$0x3] =	sbarrier.arrive $0xFFFF;
	s2 =	simm.s32 @!p0 $0x1C01  }
0x35: {  	[timem:s3], [sflag:s2] =	dma.local @!p0 [hbm:s0], s1  }
0x36: {  	s0 =	simm.s32 @!p0 $0x1  }
0x37: {  	_ =	swait.ge @!p0 [sflag:s0], s1  }
0x38: {  	s1 =	ssub.s32 @!p0 $0x0, s1;
	[sflag:s0] =	ssyncset.done @!p0 $0x0  }
0x39: {  	[sflag:s0] =	ssyncadd.s32 @!p0 s1  }
0x3a: {  	[bflag:$0x3] =	sbarrier.arrive $0xFFFF  }
0x3b: {  	_ =	shalt  }

// kernel: kernel.14.cloned.1.call-start
scs
__scs_entry_jumppad:
0x0: {  	(pc) =	sbr.rel $0x88, $3  }
0x1: {  	(tag) =	ssettag $0x0;
	lr =	simm.s32 $0x1  }
0x2: {  	[smem:$0x3F99] =	sst lr;
	_ =	strace $0xD0000000  }
0x3: {  	_ = 	snop  }
0x4: {  	_ = 	snop  }
0x5: {  	_ = 	snop  }
0x6: {  	_ = 	snop  }
0x7: {  	_ = 	snop  }
__scs_overlays_trampoline_lowered:
0x8: {  	[smem:$0x3FA8] =	sst s0  }
0x9: {  	[smem:$0x3FA9] =	sst s1  }
0xa: {  	[smem:$0x3FAA] =	sst s2  }
0xb: {  	[smem:$0x3FAB] =	sst s3  }
0xc: {  	[smem:$0x3FAC] =	sst s4  }
0xd: {  	[smem:$0x3FAD] =	sst s5  }
0xe: {  	[smem:$0x3FAE] =	sst s6  }
0xf: {  	[smem:$0x3FAF] =	sst s7  }
0x10: {  	[smem:$0x3FB0] =	sst s8  }
0x11: {  	[smem:$0x3FB1] =	sst s9;
	s0 =	simm.s32 @!p0 $0x0  }
0x12: {  	s1 =	sld [smem:$0x3F97];
	s0 =	simm.s32 @p0 $0x1  }
0x13: {  	[smem:$0x3FB2] =	sst s0;
	s0 =	simm.s32 @!p1 $0x0  }
0x14: {  	s2 =	sld [smem:$0x3F96];
	s0 =	simm.s32 @p1 $0x1  }
0x15: {  	[smem:$0x3FB3] =	sst s0;
	s0 =	simm.s32 @!p2 $0x0  }
0x16: {  	s3 =	sld [smem:$0x3FDB];
	s0 =	simm.s32 @p2 $0x1  }
0x17: {  	s4 =	simm.s32 $0x1BF5;
	[smem:$0x3FB5] =	sst s0  }
0x18: {  	s0 =	sld [smem:$0x3F98];
	_ =	swait.ge [sflag:s4], $0x0  }
0x19: {  	s7 =	sld [smem:$0x3F99]  }
0x1a: {  	s8 =	sadd.s32 $0xFFFFE003, lr  }
0x1b: {  	s9 =	sadd.s32 $0xFFFFFEF7, lr;
	s5 =	simm.s32 $0xFFFFFFFF;
	p2 =	slt.u32 s8, $0xFFFFF086  }
0x1c: {  	p1 =	slt.u32 s9, $0xF7A;
	s5 =	simm.s32 @!p2 $0x0  }
0x1d: {  	s5 =	simm.s32 @p1 $0x1;
	p0 =	seq.s32 s7, s2  }
0x1e: {  	s7 =	smul.u32 @!p0 $0xF7A, s2;
	p2 =	seq.s32 @!p0 s5, $0x0  }
0x1f: {  	s9 =	smul.u32 $0xF7A, s1;
	s8 =	simm.s32 @!p0 $0x1BF5;
	p2 =	por !p2, p0  }
0x20: {  	[sflag:s8] =	ssyncset.s32 @!p0 $0xFFFFF086;
	s6 =	sadd.s32 @!p0 s3, s7;
	s7 =	simm.s32 @!p0 $0x108  }
0x21: {  	s3 =	sadd.s32 s3, s9;
	s6 =	sadd.s32 @!p0 $0x88, s6;
	s7 =	simm.s32 @p2 $0x1082  }
0x22: {  	[simem:s7], [sflag:s8] =	dma.local @!p0 [hbm:s6], $0xF7A  }
0x23: {  	s9 =	sor.u32 $0xD0000000, s2;
	s6 =	simm.s32 $0x108;
	_ =	swait.ge @!p0 [sflag:s8], $0x0  }
0x24: {  	s3 =	sadd.s32 $0x88, s3;
	s6 =	simm.s32 @!p1 $0x1082;
	[sflag:s4] =	ssyncset.s32 $0xFFFFF086  }
0x25: {  	[simem:s6], [sflag:s4] =	dma.local [hbm:s3], $0xF7A  }
0x26: {  	[smem:$0x3F99] =	sst s1;
	(tag) =	ssettag s2;
	_ =	strace s9  }
0x27: {  	s1 =	sld [smem:$0x3FA9]  }
0x28: {  	s2 =	sld [smem:$0x3FAA]  }
0x29: {  	s4 =	sld [smem:$0x3FAC]  }
0x2a: {  	p0 =	seq.s32 s5, $0x0;
	s5 =	sld [smem:$0x3FAD]  }
0x2b: {  	s6 =	sld [smem:$0x3FAE]  }
0x2c: {  	s7 =	sld [smem:$0x3FAF]  }
0x2d: {  	s3 =	simm.s32 $0x108;
	s8 =	sld [smem:$0x3FB0]  }
0x2e: {  	s3 =	simm.s32 @!p0 $0x1082;
	s9 =	sld [smem:$0x3FB1]  }
0x2f: {  	lr =	sadd.s32 s0, s3;
	s0 =	sld [smem:$0x3FA8]  }
0x30: {  	s3 =	sld [smem:$0x3FAB]  }
0x31: {  	[smem:$0x3FB4] =	sst s10  }
0x32: {  	s10 =	sld [smem:$0x3FB2];
	_ =	sdelay $0x3  }
0x33: {  	p0 =	seq.s32 s10, $0x1;
	s10 =	sld [smem:$0x3FB4];
	_ =	sdelay $0x3  }
0x34: {  	[smem:$0x3FB4] =	sst s10  }
0x35: {  	s10 =	sld [smem:$0x3FB3];
	_ =	sdelay $0x3  }
0x36: {  	p1 =	seq.s32 s10, $0x1;
	s10 =	sld [smem:$0x3FB4];
	_ =	sdelay $0x3  }
0x37: {  	[smem:$0x3FB4] =	sst s10  }
0x38: {  	s10 =	sld [smem:$0x3FB5]  }
0x39: {  	_ = 	snop;
	(pc) =	sbr.ind lr, $3  }
0x3a: {  	_ = 	snop  }
0x3b: {  	_ = 	snop  }
0x3c: {  	p2 =	seq.s32 s10, $0x1;
	s10 =	sld [smem:$0x3FB4]  }
0x3d: {  	_ =	shalt  }
0x3e: {  	_ =	shalt  }
0x3f: {  	_ =	shalt  }
0x40: {  	_ =	shalt  }
0x41: {  	_ =	shalt  }
0x42: {  	_ =	shalt  }
0x43: {  	_ =	shalt  }
0x44: {  	_ =	shalt  }
0x45: {  	_ =	shalt  }
0x46: {  	_ =	shalt  }
0x47: {  	_ =	shalt  }
0x48: {  	_ =	shalt  }
0x49: {  	_ =	shalt  }
0x4a: {  	_ =	shalt  }
0x4b: {  	_ =	shalt  }
0x4c: {  	_ =	shalt  }
0x4d: {  	_ =	shalt  }
0x4e: {  	_ =	shalt  }
0x4f: {  	_ =	shalt  }
0x50: {  	_ =	shalt  }
0x51: {  	_ =	shalt  }
0x52: {  	_ =	shalt  }
0x53: {  	_ =	shalt  }
0x54: {  	_ =	shalt  }
0x55: {  	_ =	shalt  }
0x56: {  	_ =	shalt  }
0x57: {  	_ =	shalt  }
0x58: {  	_ =	shalt  }
0x59: {  	_ =	shalt  }
0x5a: {  	_ =	shalt  }
0x5b: {  	_ =	shalt  }
0x5c: {  	_ =	shalt  }
0x5d: {  	_ =	shalt  }
0x5e: {  	_ =	shalt  }
0x5f: {  	_ =	shalt  }
0x60: {  	_ =	shalt  }
0x61: {  	_ =	shalt  }
0x62: {  	_ =	shalt  }
0x63: {  	_ =	shalt  }
0x64: {  	_ =	shalt  }
0x65: {  	_ =	shalt  }
0x66: {  	_ =	shalt  }
0x67: {  	_ =	shalt  }
0x68: {  	_ =	shalt  }
0x69: {  	_ =	shalt  }
0x6a: {  	_ =	shalt  }
0x6b: {  	_ =	shalt  }
0x6c: {  	_ =	shalt  }
0x6d: {  	_ =	shalt  }
0x6e: {  	_ =	shalt  }
0x6f: {  	_ =	shalt  }
0x70: {  	_ =	shalt  }
0x71: {  	_ =	shalt  }
0x72: {  	_ =	shalt  }
0x73: {  	_ =	shalt  }
0x74: {  	_ =	shalt  }
0x75: {  	_ =	shalt  }
0x76: {  	_ =	shalt  }
0x77: {  	_ =	shalt  }
0x78: {  	_ =	shalt  }
0x79: {  	_ =	shalt  }
0x7a: {  	_ =	shalt  }
0x7b: {  	_ =	shalt  }
0x7c: {  	_ =	shalt  }
0x7d: {  	_ =	shalt  }
0x7e: {  	_ =	shalt  }
0x7f: {  	_ =	shalt  }
0x80: {  	_ =	shalt  }
0x81: {  	_ =	shalt  }
0x82: {  	_ =	shalt  }
0x83: {  	_ =	shalt  }
0x84: {  	_ =	shalt  }
0x85: {  	_ =	shalt  }
0x86: {  	_ =	shalt  }
0x87: {  	_ =	shalt  }
.Lfunc_end0:
.L_simem_size_0:
called_computation.1_lowered:
.L_overlay_start_0:
0x88: {  	s2 =	sld [smem:$0x3FD9]  }
0x89: {  	s3 =	sld [smem:$0x3FFE];
	_ =	sdelay $0x1  }
0x8a: {  	s1 =	srdreg.scid  }
0x8b: {  	s0 =	sand.u32 $0x1, s1  }
0x8c: {  	s16 =	sshll.u32 s0, $0xA;
	s2 =	sadd.s32 s3, s2  }
0x8d: {  	s2 =	sadd.s32 s2, s16  }
0x8e: {  	[smem:$0x3FC0] =	sst s2  }
0x8f: {  	_ = 	snop  }
0x90: {  	(tm) =	ssettm $0x1  }
0x91: {  	s17 =	sld [smem:$0x3FFB];
	_ =	sdelay $0x3  }
0x92: {  	_ =	strace s17  }
0x93: {  	s2 =	sld [smem:$0x3FFC];
	_ =	sdelay $0x3  }
0x94: {  	_ =	strace s2  }
0x95: {  	s2 =	sld [smem:$0x3FFD];
	_ =	sdelay $0x3  }
0x96: {  	_ =	strace s2  }
0x97: {  	_ =	strace $0x8FFFFFFF  }
0x98: {  	s18 =	sld [smem:$0x3FDB];
	_ =	sdelay $0x1  }
0x99: {  	s19 =	simm.s32 $_scs_section_size  }
0x9a: {  	s4 =	simm.s32 $_size__tile_overlayer_lowered;
	s5 =	simm.s32 $_tile_overlayer_lowered  }
0x9b: {  	s22 =	simm.s32 $0x1BFF;
	s21 =	sshll.u32 s5, $0x1;
	s2 =	sadd.s32 s19, s18  }
0x9c: {  	s6 =	simm.s32 $0x0;
	s20 =	sshll.u32 s4, $0x1;
	s4 =	sadd.s32 s21, s2  }
0x9d: {  	[timem:s6], [sflag:s22] =	dma.local [hbm:s4], s20  }
0x9e: {  	_ =	swait.ge [sflag:s22], s20  }
0x9f: {  	s3 =	ssub.s32 $0x0, s20;
	[sflag:s22] =	ssyncset.done $0x0  }
0xa0: {  	[sflag:s22] =	ssyncadd.s32 s3;
	_ =	sdelay $0x1  }
0xa1: {  	s23 =	simm.s32 $0x1B8B  }
0xa2: {  	_ =	swait.ge [sflag:s23], $0x1  }
0xa3: {  	[sflag:s23] =	ssyncset.done $0x0  }
0xa4: {  	s25 =	simm.s32 $0x1B8E;
	s24 =	sld [smem:$0x3FFE];
	[sflag:s23] =	ssyncadd.s32 $0xFFFFFFFF  }
0xa5: {  	s26 =	simm.s32 $execute0_lowered;
	[smem:$0x3FD2] =	sst s25  }
0xa6: {  	s4 =	sshll.u32 s26, $0x1;
	_ =	strace $0x80000049;
	[dreg:$0x1] =	wrdreg $0xFFFFFFFF  }
0xa7: {  	s28 =	simm.s32 $_size_execute0_lowered;
	s2 =	sadd.s32 s2, s4;
	[dreg:$0x0] =	wrdreg $0x0  }
0xa8: {  	s4 =	sshll.u32 s28, $0x1;
	[dreg:$0x2] =	wrdreg s2  }
0xa9: {  	[dreg:$0x3] =	wrdreg s4  }
0xaa: {  	[dreg:$0x4] =	wrdreg $0xC0  }
0xab: {  	_ =	task [dreg:s6], $0x5FFFF  }
0xac: {  	[dreg:$0x1] =	wrdreg $0xFFFFFFFF  }
0xad: {  	[dreg:$0x0] =	wrdreg $0x60  }
0xae: {  	[dreg:$0x2] =	wrdreg s24  }
0xaf: {  	[dreg:$0x3] =	wrdreg $0x0  }
0xb0: {  	[dreg:$0x4] =	wrdreg $0x9  }
0xb1: {  	_ =	task.clear_ibuf [dreg:s6], $0x5FFFF;
	_ =	strace $0x90000049  }
0xb2: {  	s29 =	simm.s32 $0x9;
	_ =	strace $0x8000004B  }
0xb3: {  	_ =	swait.ge [sflag:s29], $0x1  }
0xb4: {  	[sflag:s29] =	ssyncadd.s32 $0xFFFFFFFF  }
0xb5: {  	_ =	strace $0x9000004B  }
0xb6: {  	_ =	sfence  }
0xb7: {  	s30 =	sld [smem:$0x0];
	_ =	sdelay $0x2  }
0xb8: {  	s31 =	sshll.u32 s1, $0xD;
	s1 =	sshrl.u32 s1, $0x2  }
0xb9: {  	s3 =	sand.u32 $0x4000, s31;
	s1 =	sadd.s32 s1, s30  }
0xba: {  	s0 =	sor.u32 s3, s0;
	s1 =	sshll.u32 s1, $0x11  }
0xbb: {  	s0 =	sor.u32 s1, s0  }
0xbc: {  	s0 =	sadd.s32 $0x8F2B, s0  }
0xbd: {  	[sflag:s0] =	ssyncadd.remote.s32 $0x1  }
0xbe: {  	_ =	sfence.sel $0xFFFF  }
0xbf: {  	[dreg:$0x0] =	wrdreg $0xFFFFFFFF;
	(pc) =	sbr.abs _section_cstart, $3  }
0xc0: {  	[dreg:$0x1] =	wrdreg $0xFFFFFFFF  }
0xc1: {  	_ =	task.clear_ibuf [dreg:s6], $0x2FFFF;
	_ =	strace $0x9FFFFFFF  }
0xc2: {  	(tm) =	ssettm $0x7FFFFFFF  }
0xc3: {  	_ =	shalt  }
tec
execute0_lowered:
.L_overlay_start_1:
0x0: {  	(tag) =	ssettag $0x1  }
0x1: {  	s0 =	srdreg.scid  }
0x2: {  	s10 =	stileid.u32;
	s5 =	rddreg [dreg:$0x0]  }
0x3: {  	s2 =	rddreg [dreg:$0x1];
	s3 =	simm.s32 $0x0;
	s12 =	simm.s32 $0x9  }
0x4: {  	s13 =	simm.s32 $0xA000;
	s14 =	simm.s32 $0xC800;
	s15 =	simm.s32 $0x80  }
0x5: {  	s16 =	simm.s32 $0xF000;
	s18 =	simm.s32 $0x11000;
	s20 =	simm.s32 $0x13000  }
0x6: {  	s22 =	simm.s32 $0x15000;
	s23 =	simm.s32 $0x1;
	s24 =	simm.s32 $0x2  }
0x7: {  	s28 =	simm.s32 $0x5;
	s29 =	simm.s32 $0x4;
	s30 =	simm.s32 $0x6  }
0x8: {  	s31 =	simm.s32 $0x7;
	s17 =	simm.s32 $0xEF80;
	s19 =	simm.s32 $0x0  }
0x9: {  	s0 =	sand.u32 $0x1, s0;
	s6 =	smul.u32 $0x14000, s10;
	[smem:$0x7FF] =	sst s3  }
0xa: {  	s4 =	sadd.s32 $0x2A800, s5;
	s26 =	sshll.u32 s10, $0x6;
	s1 =	sshll.u32 s0, $0x4  }
0xb: {  	s7 =	smul.u32 $0x140000, s0;
	_ =	strace $0x8000004A;
	s0 =	ssub.s32 $0x2, s0  }
0xc: {  	s1 =	sor.u32 s10, s1;
	s8 =	sshrl.u32 s6, $0x4;
	s25 =	sshrl.u32 s0, $0x1  }
0xd: {  	s1 =	smul.u32 $0x500, s1;
	s7 =	sadd.s32 s6, s7;
	s8 =	sadd.s32 s8, s5  }
0xe: {  	s6 =	sshrl.u32 s6, $0x1;
	s0 =	ssub.s32 s0, s25;
	s7 =	sshrl.u32 s7, $0x4  }
0xf: {  	s11 =	sadd.s32 s6, s2;
	s6 =	sor.u32 $0x1C09, s26;
	s10 =	smax.u32 s0, $0x1  }
0x10: {  	s26 =	simm.s32 $0x3;
	s1 =	sadd.s32 s1, s5;
	s9 =	sadd.s32 s7, s5  }
0x11: {  	s5 =	sadd.s32 $0x16800, s8;
	s11 =	sshrl.u32 s11, $0x3;
	s7 =	sadd.s32 $0x2000, s1  }
0x12: {  	s8 =	sadd.s32 $0xC000, s1;
	s9 =	sadd.s32 $0x3E800, s9;
	s1 =	simm.s32 $0x8  }
.LBB2_1:
0x13: {  	[spmem:s11], [sflag:s6] =	dma.local [hbm:s5], $0x1400  }
0x14: {  	_ =	swait.ge [sflag:s12], $0x1400  }
0x15: {  	[sflag:s12] =	ssyncset.done $0x0  }
0x16: {  	[sflag:s12] =	ssyncadd.s32 $0xFFFFEC00  }
0x17: {  	[tilespmem:s13], [sflag:$0x9] =	stream.linear.gather [hbm4b:s7+s3], $0x2800, $0x38;
	[tilespmem:$0x17000] =	vst v63  }
0x18: {  	_ =	swait.ge [sflag:s12], $0x2800  }
0x19: {  	[sflag:s12] =	ssyncset.done $0x0  }
0x1a: {  	[sflag:s12] =	ssyncadd.s32 $0xFFFFD800  }
0x1b: {  	[tilespmem:s14], [sflag:$0x9] =	stream.linear.gather [hbm4b:s8+s3], $0x2800, $0x38;
	[tilespmem:$0x17000] =	vst v63  }
0x1c: {  	_ =	swait.ge [sflag:s12], $0x2800  }
0x1d: {  	[sflag:s12] =	ssyncset.done $0x0  }
0x1e: {  	[sflag:s12] =	ssyncadd.s32 $0xFFFFD800  }
0x1f: {  	[bflag:$0x0] =	sbarrier.arrive $0xFFFF  }
0x20: {  	[tilespmem:s16], [sflag:$0x1] =	stream.indirect.gather [hbm4b:s4+s15], $0x40, s13, s15, $0xb8;
	[tilespmem:$0x17000] =	vst v63  }
0x21: {  	s0 =	simm.s32 $0xA080  }
0x22: {  	[tilespmem:s18], [sflag:$0x2] =	stream.indirect.gather [hbm4b:s4+s15], $0x40, s0, s15, $0xb8;
	[tilespmem:$0x17000] =	vst v63  }
0x23: {  	s25 =	simm.s32 $0xA100  }
0x24: {  	[tilespmem:s20], [sflag:$0x3] =	stream.indirect.gather [hbm4b:s4+s15], $0x40, s25, s15, $0xb8;
	[tilespmem:$0x17000] =	vst v63  }
0x25: {  	s21 =	simm.s32 $0xA180  }
0x26: {  	[tilespmem:s22], [sflag:$0x4] =	stream.indirect.gather [hbm4b:s4+s15], $0x40, s21, s15, $0xb8;
	[tilespmem:$0x17000] =	vst v63  }
0x27: {  	_ =	swait.ge [sflag:s23], $0x2000  }
0x28: {  	[sflag:s23] =	ssyncset.done $0x0  }
0x29: {  	[sflag:s23] =	ssyncadd.s32 $0xFFFFE000  }
0x2a: {  	[spmem:s2] =	stream.indirect.scatter.add.bf16 [tilespmem:s16], [sflag:$0x5], $0x40, s14, s15, $0xb8;
	[tilespmem:$0x17000] =	vst v63  }
0x2b: {  	_ =	swait.ge [sflag:s24], $0x2000  }
0x2c: {  	[sflag:s24] =	ssyncset.done $0x0  }
0x2d: {  	s25 =	simm.s32 $0xC880;
	[sflag:s24] =	ssyncadd.s32 $0xFFFFE000  }
0x2e: {  	[spmem:s2] =	stream.indirect.scatter.add.bf16 [tilespmem:s18], [sflag:$0x6], $0x40, s25, s15, $0xb8;
	[tilespmem:$0x17000] =	vst v63  }
0x2f: {  	_ =	swait.ge [sflag:s26], $0x2000  }
0x30: {  	[sflag:s26] =	ssyncset.done $0x0  }
0x31: {  	s21 =	simm.s32 $0xC900;
	[sflag:s26] =	ssyncadd.s32 $0xFFFFE000  }
0x32: {  	[spmem:s2] =	stream.indirect.scatter.add.bf16 [tilespmem:s20], [sflag:$0x7], $0x40, s21, s15, $0xb8;
	[tilespmem:$0x17000] =	vst v63  }
0x33: {  	_ =	swait.ge [sflag:s28], $0x2000  }
0x34: {  	[sflag:s28] =	ssyncset.done $0x0  }
0x35: {  	s0 =	simm.s32 $0xA200;
	[sflag:s28] =	ssyncadd.s32 $0xFFFFE000  }
0x36: {  	[tilespmem:s16], [sflag:$0x1] =	stream.indirect.gather [hbm4b:s4+s15], $0x40, s0, s15, $0xb8;
	[tilespmem:$0x17000] =	vst v63  }
0x37: {  	_ =	swait.ge [sflag:s29], $0x2000  }
0x38: {  	[sflag:s29] =	ssyncset.done $0x0  }
0x39: {  	s25 =	simm.s32 $0xC980;
	[sflag:s29] =	ssyncadd.s32 $0xFFFFE000  }
0x3a: {  	[spmem:s2] =	stream.indirect.scatter.add.bf16 [tilespmem:s22], [sflag:$0x8], $0x40, s25, s15, $0xb8;
	[tilespmem:$0x17000] =	vst v63  }
0x3b: {  	_ =	swait.ge [sflag:s30], $0x2000  }
0x3c: {  	[sflag:s30] =	ssyncset.done $0x0  }
0x3d: {  	s0 =	simm.s32 $0xA280;
	[sflag:s30] =	ssyncadd.s32 $0xFFFFE000  }
0x3e: {  	[tilespmem:s18], [sflag:$0x2] =	stream.indirect.gather [hbm4b:s4+s15], $0x40, s0, s15, $0xb8;
	[tilespmem:$0x17000] =	vst v63  }
0x3f: {  	_ =	swait.ge [sflag:s23], $0x2000  }
0x40: {  	[sflag:s23] =	ssyncset.done $0x0  }
0x41: {  	s25 =	simm.s32 $0xCA00;
	[sflag:s23] =	ssyncadd.s32 $0xFFFFE000  }
0x42: {  	[spmem:s2] =	stream.indirect.scatter.add.bf16 [tilespmem:s16], [sflag:$0x5], $0x40, s25, s15, $0xb8;
	[tilespmem:$0x17000] =	vst v63  }
0x43: {  	_ =	swait.ge [sflag:s31], $0x2000  }
0x44: {  	[sflag:s31] =	ssyncset.done $0x0  }
0x45: {  	s0 =	simm.s32 $0xA300;
	[sflag:s31] =	ssyncadd.s32 $0xFFFFE000  }
0x46: {  	[tilespmem:s20], [sflag:$0x3] =	stream.indirect.gather [hbm4b:s4+s15], $0x40, s0, s15, $0xb8;
	[tilespmem:$0x17000] =	vst v63  }
0x47: {  	_ =	swait.ge [sflag:s24], $0x2000  }
0x48: {  	[sflag:s24] =	ssyncset.done $0x0  }
0x49: {  	s25 =	simm.s32 $0xCA80;
	[sflag:s24] =	ssyncadd.s32 $0xFFFFE000  }
0x4a: {  	[spmem:s2] =	stream.indirect.scatter.add.bf16 [tilespmem:s18], [sflag:$0x6], $0x40, s25, s15, $0xb8;
	[tilespmem:$0x17000] =	vst v63  }
0x4b: {  	_ =	swait.ge [sflag:s1], $0x2000  }
0x4c: {  	[sflag:s1] =	ssyncset.done $0x0  }
0x4d: {  	s21 =	simm.s32 $0x800;
	s25 =	simm.s32 $0xA380;
	[sflag:s1] =	ssyncadd.s32 $0xFFFFE000  }
.LBB2_2:
0x4e: {  	[tilespmem:s22], [sflag:$0x4] =	stream.indirect.gather [hbm4b:s4+s15], $0x40, s25, s15, $0xb8;
	[tilespmem:$0x17000] =	vst v63  }
0x4f: {  	s25 =	smov.u32 s21  }
0x50: {  	p0 =	sne.s32 s21, $0x9000;
	s21 =	sadd.s32 $0x800, s21;
	_ =	swait.ge [sflag:s26], $0x2000  }
0x51: {  	s25 =	sshra.s32 s25, $0x2;
	[sflag:s26] =	ssyncset.done $0x0  }
0x52: {  	s0 =	sadd.s32 $0xC900, s25;
	[sflag:s26] =	ssyncadd.s32 $0xFFFFE000  }
0x53: {  	[spmem:s2] =	stream.indirect.scatter.add.bf16 [tilespmem:s20], [sflag:$0x7], $0x40, s0, s15, $0xb8;
	[tilespmem:$0x17000] =	vst v63  }
0x54: {  	_ =	swait.ge [sflag:s28], $0x2000  }
0x55: {  	[sflag:s28] =	ssyncset.done $0x0  }
0x56: {  	s0 =	sadd.s32 $0xA200, s25;
	[sflag:s28] =	ssyncadd.s32 $0xFFFFE000  }
0x57: {  	[tilespmem:s16], [sflag:$0x1] =	stream.indirect.gather [hbm4b:s4+s15], $0x40, s0, s15, $0xb8;
	[tilespmem:$0x17000] =	vst v63  }
0x58: {  	_ =	swait.ge [sflag:s29], $0x2000  }
0x59: {  	[sflag:s29] =	ssyncset.done $0x0  }
0x5a: {  	s0 =	sadd.s32 $0xC980, s25;
	[sflag:s29] =	ssyncadd.s32 $0xFFFFE000  }
0x5b: {  	[spmem:s2] =	stream.indirect.scatter.add.bf16 [tilespmem:s22], [sflag:$0x8], $0x40, s0, s15, $0xb8;
	[tilespmem:$0x17000] =	vst v63  }
0x5c: {  	_ =	swait.ge [sflag:s30], $0x2000  }
0x5d: {  	[sflag:s30] =	ssyncset.done $0x0  }
0x5e: {  	s0 =	sadd.s32 $0xA280, s25;
	[sflag:s30] =	ssyncadd.s32 $0xFFFFE000  }
0x5f: {  	[tilespmem:s18], [sflag:$0x2] =	stream.indirect.gather [hbm4b:s4+s15], $0x40, s0, s15, $0xb8;
	[tilespmem:$0x17000] =	vst v63  }
0x60: {  	_ =	swait.ge [sflag:s23], $0x2000  }
0x61: {  	[sflag:s23] =	ssyncset.done $0x0  }
0x62: {  	s0 =	sadd.s32 $0xCA00, s25;
	[sflag:s23] =	ssyncadd.s32 $0xFFFFE000  }
0x63: {  	[spmem:s2] =	stream.indirect.scatter.add.bf16 [tilespmem:s16], [sflag:$0x5], $0x40, s0, s15, $0xb8;
	[tilespmem:$0x17000] =	vst v63  }
0x64: {  	_ =	swait.ge [sflag:s31], $0x2000  }
0x65: {  	[sflag:s31] =	ssyncset.done $0x0  }
0x66: {  	s0 =	sadd.s32 $0xA300, s25;
	[sflag:s31] =	ssyncadd.s32 $0xFFFFE000  }
0x67: {  	[tilespmem:s20], [sflag:$0x3] =	stream.indirect.gather [hbm4b:s4+s15], $0x40, s0, s15, $0xb8;
	[tilespmem:$0x17000] =	vst v63  }
0x68: {  	_ =	swait.ge [sflag:s24], $0x2000  }
0x69: {  	[sflag:s24] =	ssyncset.done $0x0  }
.Ltmp0:
0x6a: {  	s0 =	sadd.s32 $0xCA80, s25;
	[sflag:s24] =	ssyncadd.s32 $0xFFFFE000;
	(pc) =	sbr.rel @p0 .LBB2_2-.Ltmp0, $4  }
0x6b: {  	[spmem:s2] =	stream.indirect.scatter.add.bf16 [tilespmem:s18], [sflag:$0x6], $0x40, s0, s15, $0xb8;
	[tilespmem:$0x17000] =	vst v63  }
0x6c: {  	_ =	swait.ge [sflag:s1], $0x2000  }
0x6d: {  	[sflag:s1] =	ssyncset.done $0x0  }
0x6e: {  	s25 =	sadd.s32 $0xA380, s25;
	[sflag:s1] =	ssyncadd.s32 $0xFFFFE000  }
0x6f: {  	[tilespmem:s22], [sflag:$0x4] =	stream.indirect.gather [hbm4b:s4+s15], $0x40, s25, s15, $0xb8;
	[tilespmem:$0x17000] =	vst v63  }
0x70: {  	_ =	swait.ge [sflag:s26], $0x2000  }
0x71: {  	[sflag:s26] =	ssyncset.done $0x0  }
0x72: {  	s0 =	simm.s32 $0xEF00;
	[sflag:s26] =	ssyncadd.s32 $0xFFFFE000  }
0x73: {  	[spmem:s2] =	stream.indirect.scatter.add.bf16 [tilespmem:s20], [sflag:$0x7], $0x40, s0, s15, $0xb8;
	[tilespmem:$0x17000] =	vst v63  }
0x74: {  	_ =	swait.ge [sflag:s29], $0x2000  }
0x75: {  	[sflag:s29] =	ssyncset.done $0x0  }
0x76: {  	[sflag:s29] =	ssyncadd.s32 $0xFFFFE000  }
0x77: {  	[spmem:s2] =	stream.indirect.scatter.add.bf16 [tilespmem:s22], [sflag:$0x8], $0x40, s17, s15, $0xb8;
	[tilespmem:$0x17000] =	vst v63  }
0x78: {  	_ =	swait.ge [sflag:s28], $0x2000  }
0x79: {  	[sflag:s28] =	ssyncset.done $0x0  }
0x7a: {  	[sflag:s28] =	ssyncadd.s32 $0xFFFFE000  }
0x7b: {  	_ =	swait.ge [sflag:s30], $0x2000  }
0x7c: {  	[sflag:s30] =	ssyncset.done $0x0  }
0x7d: {  	[sflag:s30] =	ssyncadd.s32 $0xFFFFE000  }
0x7e: {  	_ =	swait.ge [sflag:s31], $0x2000  }
0x7f: {  	[sflag:s31] =	ssyncset.done $0x0  }
0x80: {  	[sflag:s31] =	ssyncadd.s32 $0xFFFFE000  }
0x81: {  	_ =	swait.ge [sflag:s1], $0x2000  }
0x82: {  	s19 =	sadd.s32 $0x1, s19;
	[sflag:s1] =	ssyncset.done $0x0  }
0x83: {  	p0 =	sne.s32 s19, s10;
	[sflag:s1] =	ssyncadd.s32 $0xFFFFE000  }
.Ltmp1:
0x84: {  	[bflag:$0x0] =	sbarrier.arrive $0xFFFF;
	(pc) =	sbr.rel @p0 .LBB2_1-.Ltmp1, $4  }
0x85: {  	[hbm:s9], [sflag:s6] =	dma.local [spmem:s11], $0x1400  }
0x86: {  	_ =	swait.ge [sflag:s12], $0x1400  }
0x87: {  	[sflag:s12] =	ssyncset.done $0x0  }
0x88: {  	[sflag:s12] =	ssyncadd.s32 $0xFFFFEC00  }
0x89: {  	_ =	sfence.sel $0x180000  }
0x8a: {  	[bflag:$0x0] =	sbarrier.arrive $0xFFFF  }
0x8b: {  	_ =	strace $0x9000004A  }
0x8c: {  	s0 =	stileid.u32;
	[bflag:$0x2] =	sbarrier.arrive $0xFFFF  }
0x8d: {  	p0 =	sne.s32 s0, $0x0;
	s0 =	rddreg [dreg:$0x2]  }
0x8e: {  	s0 =	sadd.s32 @!p0 $0x100000, s0  }
0x8f: {  	[sflag:s0] =	ssyncadd.tile.s32 @!p0 $0x1;
	_ =	shalt  }
.Lfunc_end2:
_tile_overlayer_lowered:
.L_overlay_start_2:
0x90: {  	(tag) =	ssettag $0x2  }
0x91: {  	s0 =	rddreg [dreg:$0x0];
	s2 =	stileid.u32  }
0x92: {  	s1 =	rddreg [dreg:$0x1];
	p0 =	sne.s32 s2, $0x0  }
0x93: {  	s3 =	rddreg [dreg:$0x2];
	[bflag:$0x3] =	sbarrier.arrive $0xFFFF;
	s2 =	simm.s32 @!p0 $0x1C09  }
0x94: {  	[timem:s3], [sflag:s2] =	dma.local @!p0 [hbm:s0], s1  }
0x95: {  	s0 =	simm.s32 @!p0 $0x9  }
0x96: {  	_ =	swait.ge @!p0 [sflag:s0], s1  }
0x97: {  	s1 =	ssub.s32 @!p0 $0x0, s1;
	[sflag:s0] =	ssyncset.done @!p0 $0x0  }
0x98: {  	[sflag:s0] =	ssyncadd.s32 @!p0 s1  }
0x99: {  	[bflag:$0x3] =	sbarrier.arrive $0xFFFF  }
0x9a: {  	_ =	shalt  }

// kernel: kernel.17.cloned.1.call-start
scs
__scs_entry_jumppad:
0x0: {  	(pc) =	sbr.rel $0x88, $3  }
0x1: {  	(tag) =	ssettag $0x0;
	lr =	simm.s32 $0x1  }
0x2: {  	[smem:$0x3F99] =	sst lr;
	_ =	strace $0xD0000000  }
0x3: {  	_ = 	snop  }
0x4: {  	_ = 	snop  }
0x5: {  	_ = 	snop  }
0x6: {  	_ = 	snop  }
0x7: {  	_ = 	snop  }
__scs_overlays_trampoline_lowered:
0x8: {  	[smem:$0x3FA8] =	sst s0  }
0x9: {  	[smem:$0x3FA9] =	sst s1  }
0xa: {  	[smem:$0x3FAA] =	sst s2  }
0xb: {  	[smem:$0x3FAB] =	sst s3  }
0xc: {  	[smem:$0x3FAC] =	sst s4  }
0xd: {  	[smem:$0x3FAD] =	sst s5  }
0xe: {  	[smem:$0x3FAE] =	sst s6  }
0xf: {  	[smem:$0x3FAF] =	sst s7  }
0x10: {  	[smem:$0x3FB0] =	sst s8  }
0x11: {  	[smem:$0x3FB1] =	sst s9;
	s0 =	simm.s32 @!p0 $0x0  }
0x12: {  	s1 =	sld [smem:$0x3F97];
	s0 =	simm.s32 @p0 $0x1  }
0x13: {  	[smem:$0x3FB2] =	sst s0;
	s0 =	simm.s32 @!p1 $0x0  }
0x14: {  	s2 =	sld [smem:$0x3F96];
	s0 =	simm.s32 @p1 $0x1  }
0x15: {  	[smem:$0x3FB3] =	sst s0;
	s0 =	simm.s32 @!p2 $0x0  }
0x16: {  	s3 =	sld [smem:$0x3FDB];
	s0 =	simm.s32 @p2 $0x1  }
0x17: {  	s4 =	simm.s32 $0x1BF5;
	[smem:$0x3FB5] =	sst s0  }
0x18: {  	s0 =	sld [smem:$0x3F98];
	_ =	swait.ge [sflag:s4], $0x0  }
0x19: {  	s7 =	sld [smem:$0x3F99]  }
0x1a: {  	s8 =	sadd.s32 $0xFFFFE003, lr  }
0x1b: {  	s9 =	sadd.s32 $0xFFFFFEF7, lr;
	s5 =	simm.s32 $0xFFFFFFFF;
	p2 =	slt.u32 s8, $0xFFFFF086  }
0x1c: {  	p1 =	slt.u32 s9, $0xF7A;
	s5 =	simm.s32 @!p2 $0x0  }
0x1d: {  	s5 =	simm.s32 @p1 $0x1;
	p0 =	seq.s32 s7, s2  }
0x1e: {  	s7 =	smul.u32 @!p0 $0xF7A, s2;
	p2 =	seq.s32 @!p0 s5, $0x0  }
0x1f: {  	s9 =	smul.u32 $0xF7A, s1;
	s8 =	simm.s32 @!p0 $0x1BF5;
	p2 =	por !p2, p0  }
0x20: {  	[sflag:s8] =	ssyncset.s32 @!p0 $0xFFFFF086;
	s6 =	sadd.s32 @!p0 s3, s7;
	s7 =	simm.s32 @!p0 $0x108  }
0x21: {  	s3 =	sadd.s32 s3, s9;
	s6 =	sadd.s32 @!p0 $0x88, s6;
	s7 =	simm.s32 @p2 $0x1082  }
0x22: {  	[simem:s7], [sflag:s8] =	dma.local @!p0 [hbm:s6], $0xF7A  }
0x23: {  	s9 =	sor.u32 $0xD0000000, s2;
	s6 =	simm.s32 $0x108;
	_ =	swait.ge @!p0 [sflag:s8], $0x0  }
0x24: {  	s3 =	sadd.s32 $0x88, s3;
	s6 =	simm.s32 @!p1 $0x1082;
	[sflag:s4] =	ssyncset.s32 $0xFFFFF086  }
0x25: {  	[simem:s6], [sflag:s4] =	dma.local [hbm:s3], $0xF7A  }
0x26: {  	[smem:$0x3F99] =	sst s1;
	(tag) =	ssettag s2;
	_ =	strace s9  }
0x27: {  	s1 =	sld [smem:$0x3FA9]  }
0x28: {  	s2 =	sld [smem:$0x3FAA]  }
0x29: {  	s4 =	sld [smem:$0x3FAC]  }
0x2a: {  	p0 =	seq.s32 s5, $0x0;
	s5 =	sld [smem:$0x3FAD]  }
0x2b: {  	s6 =	sld [smem:$0x3FAE]  }
0x2c: {  	s7 =	sld [smem:$0x3FAF]  }
0x2d: {  	s3 =	simm.s32 $0x108;
	s8 =	sld [smem:$0x3FB0]  }
0x2e: {  	s3 =	simm.s32 @!p0 $0x1082;
	s9 =	sld [smem:$0x3FB1]  }
0x2f: {  	lr =	sadd.s32 s0, s3;
	s0 =	sld [smem:$0x3FA8]  }
0x30: {  	s3 =	sld [smem:$0x3FAB]  }
0x31: {  	[smem:$0x3FB4] =	sst s10  }
0x32: {  	s10 =	sld [smem:$0x3FB2];
	_ =	sdelay $0x3  }
0x33: {  	p0 =	seq.s32 s10, $0x1;
	s10 =	sld [smem:$0x3FB4];
	_ =	sdelay $0x3  }
0x34: {  	[smem:$0x3FB4] =	sst s10  }
0x35: {  	s10 =	sld [smem:$0x3FB3];
	_ =	sdelay $0x3  }
0x36: {  	p1 =	seq.s32 s10, $0x1;
	s10 =	sld [smem:$0x3FB4];
	_ =	sdelay $0x3  }
0x37: {  	[smem:$0x3FB4] =	sst s10  }
0x38: {  	s10 =	sld [smem:$0x3FB5]  }
0x39: {  	_ = 	snop;
	(pc) =	sbr.ind lr, $3  }
0x3a: {  	_ = 	snop  }
0x3b: {  	_ = 	snop  }
0x3c: {  	p2 =	seq.s32 s10, $0x1;
	s10 =	sld [smem:$0x3FB4]  }
0x3d: {  	_ =	shalt  }
0x3e: {  	_ =	shalt  }
0x3f: {  	_ =	shalt  }
0x40: {  	_ =	shalt  }
0x41: {  	_ =	shalt  }
0x42: {  	_ =	shalt  }
0x43: {  	_ =	shalt  }
0x44: {  	_ =	shalt  }
0x45: {  	_ =	shalt  }
0x46: {  	_ =	shalt  }
0x47: {  	_ =	shalt  }
0x48: {  	_ =	shalt  }
0x49: {  	_ =	shalt  }
0x4a: {  	_ =	shalt  }
0x4b: {  	_ =	shalt  }
0x4c: {  	_ =	shalt  }
0x4d: {  	_ =	shalt  }
0x4e: {  	_ =	shalt  }
0x4f: {  	_ =	shalt  }
0x50: {  	_ =	shalt  }
0x51: {  	_ =	shalt  }
0x52: {  	_ =	shalt  }
0x53: {  	_ =	shalt  }
0x54: {  	_ =	shalt  }
0x55: {  	_ =	shalt  }
0x56: {  	_ =	shalt  }
0x57: {  	_ =	shalt  }
0x58: {  	_ =	shalt  }
0x59: {  	_ =	shalt  }
0x5a: {  	_ =	shalt  }
0x5b: {  	_ =	shalt  }
0x5c: {  	_ =	shalt  }
0x5d: {  	_ =	shalt  }
0x5e: {  	_ =	shalt  }
0x5f: {  	_ =	shalt  }
0x60: {  	_ =	shalt  }
0x61: {  	_ =	shalt  }
0x62: {  	_ =	shalt  }
0x63: {  	_ =	shalt  }
0x64: {  	_ =	shalt  }
0x65: {  	_ =	shalt  }
0x66: {  	_ =	shalt  }
0x67: {  	_ =	shalt  }
0x68: {  	_ =	shalt  }
0x69: {  	_ =	shalt  }
0x6a: {  	_ =	shalt  }
0x6b: {  	_ =	shalt  }
0x6c: {  	_ =	shalt  }
0x6d: {  	_ =	shalt  }
0x6e: {  	_ =	shalt  }
0x6f: {  	_ =	shalt  }
0x70: {  	_ =	shalt  }
0x71: {  	_ =	shalt  }
0x72: {  	_ =	shalt  }
0x73: {  	_ =	shalt  }
0x74: {  	_ =	shalt  }
0x75: {  	_ =	shalt  }
0x76: {  	_ =	shalt  }
0x77: {  	_ =	shalt  }
0x78: {  	_ =	shalt  }
0x79: {  	_ =	shalt  }
0x7a: {  	_ =	shalt  }
0x7b: {  	_ =	shalt  }
0x7c: {  	_ =	shalt  }
0x7d: {  	_ =	shalt  }
0x7e: {  	_ =	shalt  }
0x7f: {  	_ =	shalt  }
0x80: {  	_ =	shalt  }
0x81: {  	_ =	shalt  }
0x82: {  	_ =	shalt  }
0x83: {  	_ =	shalt  }
0x84: {  	_ =	shalt  }
0x85: {  	_ =	shalt  }
0x86: {  	_ =	shalt  }
0x87: {  	_ =	shalt  }
.Lfunc_end0:
.L_simem_size_0:
called_computation.2_lowered:
.L_overlay_start_0:
0x88: {  	s2 =	sld [smem:$0x3FD9]  }
0x89: {  	s3 =	sld [smem:$0x3FFE];
	_ =	sdelay $0x1  }
0x8a: {  	s1 =	srdreg.scid  }
0x8b: {  	s0 =	sand.u32 $0x1, s1  }
0x8c: {  	s16 =	sshll.u32 s0, $0xA;
	s2 =	sadd.s32 s3, s2  }
0x8d: {  	s2 =	sadd.s32 s2, s16  }
0x8e: {  	[smem:$0x3FC0] =	sst s2  }
0x8f: {  	_ = 	snop  }
0x90: {  	(tm) =	ssettm $0x1  }
0x91: {  	s17 =	sld [smem:$0x3FFB];
	_ =	sdelay $0x3  }
0x92: {  	_ =	strace s17  }
0x93: {  	s2 =	sld [smem:$0x3FFC];
	_ =	sdelay $0x3  }
0x94: {  	_ =	strace s2  }
0x95: {  	s2 =	sld [smem:$0x3FFD];
	_ =	sdelay $0x3  }
0x96: {  	_ =	strace s2  }
0x97: {  	_ =	strace $0x8FFFFFFF  }
0x98: {  	s18 =	sld [smem:$0x3FDB];
	_ =	sdelay $0x1  }
0x99: {  	s19 =	simm.s32 $_scs_section_size  }
0x9a: {  	s4 =	simm.s32 $_size__tile_overlayer_lowered;
	s5 =	simm.s32 $_tile_overlayer_lowered  }
0x9b: {  	s22 =	simm.s32 $0x1BFF;
	s21 =	sshll.u32 s5, $0x1;
	s2 =	sadd.s32 s19, s18  }
0x9c: {  	s6 =	simm.s32 $0x0;
	s20 =	sshll.u32 s4, $0x1;
	s4 =	sadd.s32 s21, s2  }
0x9d: {  	[timem:s6], [sflag:s22] =	dma.local [hbm:s4], s20  }
0x9e: {  	_ =	swait.ge [sflag:s22], s20  }
0x9f: {  	s3 =	ssub.s32 $0x0, s20;
	[sflag:s22] =	ssyncset.done $0x0  }
0xa0: {  	[sflag:s22] =	ssyncadd.s32 s3;
	_ =	sdelay $0x1  }
0xa1: {  	s23 =	simm.s32 $0x1B8B  }
0xa2: {  	_ =	swait.ge [sflag:s23], $0x1  }
0xa3: {  	[sflag:s23] =	ssyncset.done $0x0  }
0xa4: {  	s25 =	simm.s32 $0x1B8E;
	s24 =	sld [smem:$0x3FFE];
	[sflag:s23] =	ssyncadd.s32 $0xFFFFFFFF  }
0xa5: {  	s26 =	simm.s32 $execute0_lowered;
	[smem:$0x3FD2] =	sst s25  }
0xa6: {  	s4 =	sshll.u32 s26, $0x1;
	_ =	strace $0x8000004C;
	[dreg:$0x1] =	wrdreg $0xFFFFFFFF  }
0xa7: {  	s28 =	simm.s32 $_size_execute0_lowered;
	s2 =	sadd.s32 s2, s4;
	[dreg:$0x0] =	wrdreg $0x0  }
0xa8: {  	s4 =	sshll.u32 s28, $0x1;
	[dreg:$0x2] =	wrdreg s2  }
0xa9: {  	[dreg:$0x3] =	wrdreg s4  }
0xaa: {  	[dreg:$0x4] =	wrdreg $0xC0  }
0xab: {  	_ =	task [dreg:s6], $0x5FFFF  }
0xac: {  	[dreg:$0x1] =	wrdreg $0xFFFFFFFF  }
0xad: {  	[dreg:$0x0] =	wrdreg $0x60  }
0xae: {  	[dreg:$0x2] =	wrdreg s24  }
0xaf: {  	[dreg:$0x3] =	wrdreg $0x0  }
0xb0: {  	[dreg:$0x4] =	wrdreg $0x9  }
0xb1: {  	_ =	task.clear_ibuf [dreg:s6], $0x5FFFF;
	_ =	strace $0x9000004C  }
0xb2: {  	s29 =	simm.s32 $0x9;
	_ =	strace $0x8000004E  }
0xb3: {  	_ =	swait.ge [sflag:s29], $0x1  }
0xb4: {  	[sflag:s29] =	ssyncadd.s32 $0xFFFFFFFF  }
0xb5: {  	_ =	strace $0x9000004E  }
0xb6: {  	_ =	sfence  }
0xb7: {  	s30 =	sld [smem:$0x0];
	_ =	sdelay $0x2  }
0xb8: {  	s31 =	sshll.u32 s1, $0xD;
	s1 =	sshrl.u32 s1, $0x2  }
0xb9: {  	s3 =	sand.u32 $0x4000, s31;
	s1 =	sadd.s32 s1, s30  }
0xba: {  	s0 =	sor.u32 s3, s0;
	s1 =	sshll.u32 s1, $0x11  }
0xbb: {  	s0 =	sor.u32 s1, s0  }
0xbc: {  	s0 =	sadd.s32 $0x8F2B, s0  }
0xbd: {  	[sflag:s0] =	ssyncadd.remote.s32 $0x1  }
0xbe: {  	_ =	sfence.sel $0xFFFF  }
0xbf: {  	[dreg:$0x0] =	wrdreg $0xFFFFFFFF;
	(pc) =	sbr.abs _section_cstart, $3  }
0xc0: {  	[dreg:$0x1] =	wrdreg $0xFFFFFFFF  }
0xc1: {  	_ =	task.clear_ibuf [dreg:s6], $0x2FFFF;
	_ =	strace $0x9FFFFFFF  }
0xc2: {  	(tm) =	ssettm $0x7FFFFFFF  }
0xc3: {  	_ =	shalt  }
tec
execute0_lowered:
.L_overlay_start_1:
0x0: {  	(tag) =	ssettag $0x1  }
0x1: {  	s0 =	srdreg.scid;
	s5 =	rddreg [dreg:$0x0]  }
0x2: {  	s10 =	stileid.u32;
	s2 =	rddreg [dreg:$0x1];
	s3 =	simm.s32 $0x0  }
0x3: {  	s12 =	simm.s32 $0x9;
	s13 =	simm.s32 $0x2800;
	s14 =	simm.s32 $0x5000  }
0x4: {  	s15 =	simm.s32 $0x80;
	s16 =	simm.s32 $0x7800;
	s18 =	simm.s32 $0x8000  }
0x5: {  	s20 =	simm.s32 $0x8800;
	s22 =	simm.s32 $0x9000;
	s23 =	simm.s32 $0x1  }
0x6: {  	s24 =	simm.s32 $0x2;
	s28 =	simm.s32 $0x5;
	s29 =	simm.s32 $0x4  }
0x7: {  	s30 =	simm.s32 $0x6;
	s31 =	simm.s32 $0x7;
	s17 =	simm.s32 $0x7780  }
0x8: {  	s19 =	simm.s32 $0x0;
	s0 =	sand.u32 $0x1, s0;
	s6 =	smul.u32 $0x2800, s10  }
0x9: {  	[smem:$0x7FF] =	sst s3;
	s4 =	sadd.s32 $0x16000, s5;
	s26 =	sshll.u32 s10, $0x6  }
0xa: {  	s1 =	sshll.u32 s0, $0x4;
	s7 =	smul.u32 $0x28000, s0;
	_ =	strace $0x8000004D  }
0xb: {  	s0 =	ssub.s32 $0x2, s0;
	s1 =	sor.u32 s10, s1;
	s8 =	sshrl.u32 s6, $0x3  }
0xc: {  	s25 =	sshrl.u32 s0, $0x1;
	s11 =	sadd.s32 s6, s2;
	s1 =	smul.u32 $0x500, s1  }
0xd: {  	s7 =	sadd.s32 s6, s7;
	s8 =	sadd.s32 s8, s5;
	s0 =	ssub.s32 s0, s25  }
0xe: {  	s6 =	sor.u32 $0x1C09, s26;
	s11 =	sshrl.u32 s11, $0x3;
	s26 =	simm.s32 $0x3  }
0xf: {  	s7 =	sshrl.u32 s7, $0x3;
	s10 =	smax.u32 s0, $0x1;
	s1 =	sadd.s32 s1, s5  }
0x10: {  	s9 =	sadd.s32 s7, s5;
	s5 =	sadd.s32 $0x1B000, s8;
	s7 =	sadd.s32 $0x2000, s1  }
0x11: {  	s8 =	sadd.s32 $0xC000, s1;
	s9 =	sadd.s32 $0x20000, s9;
	s1 =	simm.s32 $0x8  }
.LBB2_1:
0x12: {  	[spmem:s11], [sflag:s6] =	dma.local [hbm:s5], $0x500  }
0x13: {  	_ =	swait.ge [sflag:s12], $0x500  }
0x14: {  	[sflag:s12] =	ssyncset.done $0x0  }
0x15: {  	[sflag:s12] =	ssyncadd.s32 $0xFFFFFB00  }
0x16: {  	[tilespmem:s13], [sflag:$0x9] =	stream.linear.gather [hbm4b:s7+s3], $0x2800, $0x38;
	[tilespmem:$0x9800] =	vst v63  }
0x17: {  	_ =	swait.ge [sflag:s12], $0x2800  }
0x18: {  	[sflag:s12] =	ssyncset.done $0x0  }
0x19: {  	[sflag:s12] =	ssyncadd.s32 $0xFFFFD800  }
0x1a: {  	[tilespmem:s14], [sflag:$0x9] =	stream.linear.gather [hbm4b:s8+s3], $0x2800, $0x38;
	[tilespmem:$0x9800] =	vst v63  }
0x1b: {  	_ =	swait.ge [sflag:s12], $0x2800  }
0x1c: {  	[sflag:s12] =	ssyncset.done $0x0  }
0x1d: {  	[sflag:s12] =	ssyncadd.s32 $0xFFFFD800  }
0x1e: {  	[bflag:$0x0] =	sbarrier.arrive $0xFFFF  }
0x1f: {  	[tilespmem:s16], [sflag:$0x1] =	stream.indirect.gather [hbm4b:s4+s15], $0x10, s13, s15, $0xb8;
	[tilespmem:$0x9800] =	vst v63  }
0x20: {  	s0 =	simm.s32 $0x2880  }
0x21: {  	[tilespmem:s18], [sflag:$0x2] =	stream.indirect.gather [hbm4b:s4+s15], $0x10, s0, s15, $0xb8;
	[tilespmem:$0x9800] =	vst v63  }
0x22: {  	s25 =	simm.s32 $0x2900  }
0x23: {  	[tilespmem:s20], [sflag:$0x3] =	stream.indirect.gather [hbm4b:s4+s15], $0x10, s25, s15, $0xb8;
	[tilespmem:$0x9800] =	vst v63  }
0x24: {  	s21 =	simm.s32 $0x2980  }
0x25: {  	[tilespmem:s22], [sflag:$0x4] =	stream.indirect.gather [hbm4b:s4+s15], $0x10, s21, s15, $0xb8;
	[tilespmem:$0x9800] =	vst v63  }
0x26: {  	_ =	swait.ge [sflag:s23], $0x800  }
0x27: {  	[sflag:s23] =	ssyncset.done $0x0  }
0x28: {  	[sflag:s23] =	ssyncadd.s32 $0xFFFFF800  }
0x29: {  	[spmem:s2] =	stream.indirect.scatter.add.f32 [tilespmem:s16], [sflag:$0x5], $0x10, s14, s15, $0xb8;
	[tilespmem:$0x9800] =	vst v63  }
0x2a: {  	_ =	swait.ge [sflag:s24], $0x800  }
0x2b: {  	[sflag:s24] =	ssyncset.done $0x0  }
0x2c: {  	s25 =	simm.s32 $0x5080;
	[sflag:s24] =	ssyncadd.s32 $0xFFFFF800  }
0x2d: {  	[spmem:s2] =	stream.indirect.scatter.add.f32 [tilespmem:s18], [sflag:$0x6], $0x10, s25, s15, $0xb8;
	[tilespmem:$0x9800] =	vst v63  }
0x2e: {  	_ =	swait.ge [sflag:s26], $0x800  }
0x2f: {  	[sflag:s26] =	ssyncset.done $0x0  }
0x30: {  	s21 =	simm.s32 $0x5100;
	[sflag:s26] =	ssyncadd.s32 $0xFFFFF800  }
0x31: {  	[spmem:s2] =	stream.indirect.scatter.add.f32 [tilespmem:s20], [sflag:$0x7], $0x10, s21, s15, $0xb8;
	[tilespmem:$0x9800] =	vst v63  }
0x32: {  	_ =	swait.ge [sflag:s28], $0x800  }
0x33: {  	[sflag:s28] =	ssyncset.done $0x0  }
0x34: {  	s0 =	simm.s32 $0x2A00;
	[sflag:s28] =	ssyncadd.s32 $0xFFFFF800  }
0x35: {  	[tilespmem:s16], [sflag:$0x1] =	stream.indirect.gather [hbm4b:s4+s15], $0x10, s0, s15, $0xb8;
	[tilespmem:$0x9800] =	vst v63  }
0x36: {  	_ =	swait.ge [sflag:s29], $0x800  }
0x37: {  	[sflag:s29] =	ssyncset.done $0x0  }
0x38: {  	s25 =	simm.s32 $0x5180;
	[sflag:s29] =	ssyncadd.s32 $0xFFFFF800  }
0x39: {  	[spmem:s2] =	stream.indirect.scatter.add.f32 [tilespmem:s22], [sflag:$0x8], $0x10, s25, s15, $0xb8;
	[tilespmem:$0x9800] =	vst v63  }
0x3a: {  	_ =	swait.ge [sflag:s30], $0x800  }
0x3b: {  	[sflag:s30] =	ssyncset.done $0x0  }
0x3c: {  	s0 =	simm.s32 $0x2A80;
	[sflag:s30] =	ssyncadd.s32 $0xFFFFF800  }
0x3d: {  	[tilespmem:s18], [sflag:$0x2] =	stream.indirect.gather [hbm4b:s4+s15], $0x10, s0, s15, $0xb8;
	[tilespmem:$0x9800] =	vst v63  }
0x3e: {  	_ =	swait.ge [sflag:s23], $0x800  }
0x3f: {  	[sflag:s23] =	ssyncset.done $0x0  }
0x40: {  	s25 =	simm.s32 $0x5200;
	[sflag:s23] =	ssyncadd.s32 $0xFFFFF800  }
0x41: {  	[spmem:s2] =	stream.indirect.scatter.add.f32 [tilespmem:s16], [sflag:$0x5], $0x10, s25, s15, $0xb8;
	[tilespmem:$0x9800] =	vst v63  }
0x42: {  	_ =	swait.ge [sflag:s31], $0x800  }
0x43: {  	[sflag:s31] =	ssyncset.done $0x0  }
0x44: {  	s0 =	simm.s32 $0x2B00;
	[sflag:s31] =	ssyncadd.s32 $0xFFFFF800  }
0x45: {  	[tilespmem:s20], [sflag:$0x3] =	stream.indirect.gather [hbm4b:s4+s15], $0x10, s0, s15, $0xb8;
	[tilespmem:$0x9800] =	vst v63  }
0x46: {  	_ =	swait.ge [sflag:s24], $0x800  }
0x47: {  	[sflag:s24] =	ssyncset.done $0x0  }
0x48: {  	s25 =	simm.s32 $0x5280;
	[sflag:s24] =	ssyncadd.s32 $0xFFFFF800  }
0x49: {  	[spmem:s2] =	stream.indirect.scatter.add.f32 [tilespmem:s18], [sflag:$0x6], $0x10, s25, s15, $0xb8;
	[tilespmem:$0x9800] =	vst v63  }
0x4a: {  	_ =	swait.ge [sflag:s1], $0x800  }
0x4b: {  	[sflag:s1] =	ssyncset.done $0x0  }
0x4c: {  	s21 =	simm.s32 $0x800;
	s25 =	simm.s32 $0x2B80;
	[sflag:s1] =	ssyncadd.s32 $0xFFFFF800  }
.LBB2_2:
0x4d: {  	[tilespmem:s22], [sflag:$0x4] =	stream.indirect.gather [hbm4b:s4+s15], $0x10, s25, s15, $0xb8;
	[tilespmem:$0x9800] =	vst v63  }
0x4e: {  	s25 =	smov.u32 s21  }
0x4f: {  	p0 =	sne.s32 s21, $0x9000;
	s21 =	sadd.s32 $0x800, s21;
	_ =	swait.ge [sflag:s26], $0x800  }
0x50: {  	s25 =	sshra.s32 s25, $0x2;
	[sflag:s26] =	ssyncset.done $0x0  }
0x51: {  	s0 =	sadd.s32 $0x5100, s25;
	[sflag:s26] =	ssyncadd.s32 $0xFFFFF800  }
0x52: {  	[spmem:s2] =	stream.indirect.scatter.add.f32 [tilespmem:s20], [sflag:$0x7], $0x10, s0, s15, $0xb8;
	[tilespmem:$0x9800] =	vst v63  }
0x53: {  	_ =	swait.ge [sflag:s28], $0x800  }
0x54: {  	[sflag:s28] =	ssyncset.done $0x0  }
0x55: {  	s0 =	sadd.s32 $0x2A00, s25;
	[sflag:s28] =	ssyncadd.s32 $0xFFFFF800  }
0x56: {  	[tilespmem:s16], [sflag:$0x1] =	stream.indirect.gather [hbm4b:s4+s15], $0x10, s0, s15, $0xb8;
	[tilespmem:$0x9800] =	vst v63  }
0x57: {  	_ =	swait.ge [sflag:s29], $0x800  }
0x58: {  	[sflag:s29] =	ssyncset.done $0x0  }
0x59: {  	s0 =	sadd.s32 $0x5180, s25;
	[sflag:s29] =	ssyncadd.s32 $0xFFFFF800  }
0x5a: {  	[spmem:s2] =	stream.indirect.scatter.add.f32 [tilespmem:s22], [sflag:$0x8], $0x10, s0, s15, $0xb8;
	[tilespmem:$0x9800] =	vst v63  }
0x5b: {  	_ =	swait.ge [sflag:s30], $0x800  }
0x5c: {  	[sflag:s30] =	ssyncset.done $0x0  }
0x5d: {  	s0 =	sadd.s32 $0x2A80, s25;
	[sflag:s30] =	ssyncadd.s32 $0xFFFFF800  }
0x5e: {  	[tilespmem:s18], [sflag:$0x2] =	stream.indirect.gather [hbm4b:s4+s15], $0x10, s0, s15, $0xb8;
	[tilespmem:$0x9800] =	vst v63  }
0x5f: {  	_ =	swait.ge [sflag:s23], $0x800  }
0x60: {  	[sflag:s23] =	ssyncset.done $0x0  }
0x61: {  	s0 =	sadd.s32 $0x5200, s25;
	[sflag:s23] =	ssyncadd.s32 $0xFFFFF800  }
0x62: {  	[spmem:s2] =	stream.indirect.scatter.add.f32 [tilespmem:s16], [sflag:$0x5], $0x10, s0, s15, $0xb8;
	[tilespmem:$0x9800] =	vst v63  }
0x63: {  	_ =	swait.ge [sflag:s31], $0x800  }
0x64: {  	[sflag:s31] =	ssyncset.done $0x0  }
0x65: {  	s0 =	sadd.s32 $0x2B00, s25;
	[sflag:s31] =	ssyncadd.s32 $0xFFFFF800  }
0x66: {  	[tilespmem:s20], [sflag:$0x3] =	stream.indirect.gather [hbm4b:s4+s15], $0x10, s0, s15, $0xb8;
	[tilespmem:$0x9800] =	vst v63  }
0x67: {  	_ =	swait.ge [sflag:s24], $0x800  }
0x68: {  	[sflag:s24] =	ssyncset.done $0x0  }
.Ltmp0:
0x69: {  	s0 =	sadd.s32 $0x5280, s25;
	[sflag:s24] =	ssyncadd.s32 $0xFFFFF800;
	(pc) =	sbr.rel @p0 .LBB2_2-.Ltmp0, $4  }
0x6a: {  	[spmem:s2] =	stream.indirect.scatter.add.f32 [tilespmem:s18], [sflag:$0x6], $0x10, s0, s15, $0xb8;
	[tilespmem:$0x9800] =	vst v63  }
0x6b: {  	_ =	swait.ge [sflag:s1], $0x800  }
0x6c: {  	[sflag:s1] =	ssyncset.done $0x0  }
0x6d: {  	s25 =	sadd.s32 $0x2B80, s25;
	[sflag:s1] =	ssyncadd.s32 $0xFFFFF800  }
0x6e: {  	[tilespmem:s22], [sflag:$0x4] =	stream.indirect.gather [hbm4b:s4+s15], $0x10, s25, s15, $0xb8;
	[tilespmem:$0x9800] =	vst v63  }
0x6f: {  	_ =	swait.ge [sflag:s26], $0x800  }
0x70: {  	[sflag:s26] =	ssyncset.done $0x0  }
0x71: {  	s0 =	simm.s32 $0x7700;
	[sflag:s26] =	ssyncadd.s32 $0xFFFFF800  }
0x72: {  	[spmem:s2] =	stream.indirect.scatter.add.f32 [tilespmem:s20], [sflag:$0x7], $0x10, s0, s15, $0xb8;
	[tilespmem:$0x9800] =	vst v63  }
0x73: {  	_ =	swait.ge [sflag:s29], $0x800  }
0x74: {  	[sflag:s29] =	ssyncset.done $0x0  }
0x75: {  	[sflag:s29] =	ssyncadd.s32 $0xFFFFF800  }
0x76: {  	[spmem:s2] =	stream.indirect.scatter.add.f32 [tilespmem:s22], [sflag:$0x8], $0x10, s17, s15, $0xb8;
	[tilespmem:$0x9800] =	vst v63  }
0x77: {  	_ =	swait.ge [sflag:s28], $0x800  }
0x78: {  	[sflag:s28] =	ssyncset.done $0x0  }
0x79: {  	[sflag:s28] =	ssyncadd.s32 $0xFFFFF800  }
0x7a: {  	_ =	swait.ge [sflag:s30], $0x800  }
0x7b: {  	[sflag:s30] =	ssyncset.done $0x0  }
0x7c: {  	[sflag:s30] =	ssyncadd.s32 $0xFFFFF800  }
0x7d: {  	_ =	swait.ge [sflag:s31], $0x800  }
0x7e: {  	[sflag:s31] =	ssyncset.done $0x0  }
0x7f: {  	[sflag:s31] =	ssyncadd.s32 $0xFFFFF800  }
0x80: {  	_ =	swait.ge [sflag:s1], $0x800  }
0x81: {  	s19 =	sadd.s32 $0x1, s19;
	[sflag:s1] =	ssyncset.done $0x0  }
0x82: {  	p0 =	sne.s32 s19, s10;
	[sflag:s1] =	ssyncadd.s32 $0xFFFFF800  }
.Ltmp1:
0x83: {  	[bflag:$0x0] =	sbarrier.arrive $0xFFFF;
	(pc) =	sbr.rel @p0 .LBB2_1-.Ltmp1, $4  }
0x84: {  	[hbm:s9], [sflag:s6] =	dma.local [spmem:s11], $0x500  }
0x85: {  	_ =	swait.ge [sflag:s12], $0x500  }
0x86: {  	[sflag:s12] =	ssyncset.done $0x0  }
0x87: {  	[sflag:s12] =	ssyncadd.s32 $0xFFFFFB00  }
0x88: {  	_ =	sfence.sel $0x180000  }
0x89: {  	[bflag:$0x0] =	sbarrier.arrive $0xFFFF  }
0x8a: {  	_ =	strace $0x9000004D  }
0x8b: {  	s0 =	stileid.u32;
	[bflag:$0x2] =	sbarrier.arrive $0xFFFF  }
0x8c: {  	p0 =	sne.s32 s0, $0x0;
	s0 =	rddreg [dreg:$0x2]  }
0x8d: {  	s0 =	sadd.s32 @!p0 $0x100000, s0  }
0x8e: {  	[sflag:s0] =	ssyncadd.tile.s32 @!p0 $0x1;
	_ =	shalt  }
.Lfunc_end2:
_tile_overlayer_lowered:
.L_overlay_start_2:
0x8f: {  	(tag) =	ssettag $0x2  }
0x90: {  	s0 =	rddreg [dreg:$0x0];
	s2 =	stileid.u32  }
0x91: {  	s1 =	rddreg [dreg:$0x1];
	p0 =	sne.s32 s2, $0x0  }
0x92: {  	s3 =	rddreg [dreg:$0x2];
	[bflag:$0x3] =	sbarrier.arrive $0xFFFF;
	s2 =	simm.s32 @!p0 $0x1C09  }
0x93: {  	[timem:s3], [sflag:s2] =	dma.local @!p0 [hbm:s0], s1  }
0x94: {  	s0 =	simm.s32 @!p0 $0x9  }
0x95: {  	_ =	swait.ge @!p0 [sflag:s0], s1  }
0x96: {  	s1 =	ssub.s32 @!p0 $0x0, s1;
	[sflag:s0] =	ssyncset.done @!p0 $0x0  }
0x97: {  	[sflag:s0] =	ssyncadd.s32 @!p0 s1  }
0x98: {  	[bflag:$0x3] =	sbarrier.arrive $0xFFFF  }
0x99: {  	_ =	shalt  }

// kernel: kernel.20.cloned.1.call-start
scs
__scs_entry_jumppad:
0x0: {  	(pc) =	sbr.rel $0x88, $3  }
0x1: {  	(tag) =	ssettag $0x0;
	lr =	simm.s32 $0x1  }
0x2: {  	[smem:$0x3F99] =	sst lr;
	_ =	strace $0xD0000000  }
0x3: {  	_ = 	snop  }
0x4: {  	_ = 	snop  }
0x5: {  	_ = 	snop  }
0x6: {  	_ = 	snop  }
0x7: {  	_ = 	snop  }
__scs_overlays_trampoline_lowered:
0x8: {  	[smem:$0x3FA8] =	sst s0  }
0x9: {  	[smem:$0x3FA9] =	sst s1  }
0xa: {  	[smem:$0x3FAA] =	sst s2  }
0xb: {  	[smem:$0x3FAB] =	sst s3  }
0xc: {  	[smem:$0x3FAC] =	sst s4  }
0xd: {  	[smem:$0x3FAD] =	sst s5  }
0xe: {  	[smem:$0x3FAE] =	sst s6  }
0xf: {  	[smem:$0x3FAF] =	sst s7  }
0x10: {  	[smem:$0x3FB0] =	sst s8  }
0x11: {  	[smem:$0x3FB1] =	sst s9;
	s0 =	simm.s32 @!p0 $0x0  }
0x12: {  	s1 =	sld [smem:$0x3F97];
	s0 =	simm.s32 @p0 $0x1  }
0x13: {  	[smem:$0x3FB2] =	sst s0;
	s0 =	simm.s32 @!p1 $0x0  }
0x14: {  	s2 =	sld [smem:$0x3F96];
	s0 =	simm.s32 @p1 $0x1  }
0x15: {  	[smem:$0x3FB3] =	sst s0;
	s0 =	simm.s32 @!p2 $0x0  }
0x16: {  	s3 =	sld [smem:$0x3FDB];
	s0 =	simm.s32 @p2 $0x1  }
0x17: {  	s4 =	simm.s32 $0x1BF5;
	[smem:$0x3FB5] =	sst s0  }
0x18: {  	s0 =	sld [smem:$0x3F98];
	_ =	swait.ge [sflag:s4], $0x0  }
0x19: {  	s7 =	sld [smem:$0x3F99]  }
0x1a: {  	s8 =	sadd.s32 $0xFFFFE003, lr  }
0x1b: {  	s9 =	sadd.s32 $0xFFFFFEF7, lr;
	s5 =	simm.s32 $0xFFFFFFFF;
	p2 =	slt.u32 s8, $0xFFFFF086  }
0x1c: {  	p1 =	slt.u32 s9, $0xF7A;
	s5 =	simm.s32 @!p2 $0x0  }
0x1d: {  	s5 =	simm.s32 @p1 $0x1;
	p0 =	seq.s32 s7, s2  }
0x1e: {  	s7 =	smul.u32 @!p0 $0xF7A, s2;
	p2 =	seq.s32 @!p0 s5, $0x0  }
0x1f: {  	s9 =	smul.u32 $0xF7A, s1;
	s8 =	simm.s32 @!p0 $0x1BF5;
	p2 =	por !p2, p0  }
0x20: {  	[sflag:s8] =	ssyncset.s32 @!p0 $0xFFFFF086;
	s6 =	sadd.s32 @!p0 s3, s7;
	s7 =	simm.s32 @!p0 $0x108  }
0x21: {  	s3 =	sadd.s32 s3, s9;
	s6 =	sadd.s32 @!p0 $0x88, s6;
	s7 =	simm.s32 @p2 $0x1082  }
0x22: {  	[simem:s7], [sflag:s8] =	dma.local @!p0 [hbm:s6], $0xF7A  }
0x23: {  	s9 =	sor.u32 $0xD0000000, s2;
	s6 =	simm.s32 $0x108;
	_ =	swait.ge @!p0 [sflag:s8], $0x0  }
0x24: {  	s3 =	sadd.s32 $0x88, s3;
	s6 =	simm.s32 @!p1 $0x1082;
	[sflag:s4] =	ssyncset.s32 $0xFFFFF086  }
0x25: {  	[simem:s6], [sflag:s4] =	dma.local [hbm:s3], $0xF7A  }
0x26: {  	[smem:$0x3F99] =	sst s1;
	(tag) =	ssettag s2;
	_ =	strace s9  }
0x27: {  	s1 =	sld [smem:$0x3FA9]  }
0x28: {  	s2 =	sld [smem:$0x3FAA]  }
0x29: {  	s4 =	sld [smem:$0x3FAC]  }
0x2a: {  	p0 =	seq.s32 s5, $0x0;
	s5 =	sld [smem:$0x3FAD]  }
0x2b: {  	s6 =	sld [smem:$0x3FAE]  }
0x2c: {  	s7 =	sld [smem:$0x3FAF]  }
0x2d: {  	s3 =	simm.s32 $0x108;
	s8 =	sld [smem:$0x3FB0]  }
0x2e: {  	s3 =	simm.s32 @!p0 $0x1082;
	s9 =	sld [smem:$0x3FB1]  }
0x2f: {  	lr =	sadd.s32 s0, s3;
	s0 =	sld [smem:$0x3FA8]  }
0x30: {  	s3 =	sld [smem:$0x3FAB]  }
0x31: {  	[smem:$0x3FB4] =	sst s10  }
0x32: {  	s10 =	sld [smem:$0x3FB2];
	_ =	sdelay $0x3  }
0x33: {  	p0 =	seq.s32 s10, $0x1;
	s10 =	sld [smem:$0x3FB4];
	_ =	sdelay $0x3  }
0x34: {  	[smem:$0x3FB4] =	sst s10  }
0x35: {  	s10 =	sld [smem:$0x3FB3];
	_ =	sdelay $0x3  }
0x36: {  	p1 =	seq.s32 s10, $0x1;
	s10 =	sld [smem:$0x3FB4];
	_ =	sdelay $0x3  }
0x37: {  	[smem:$0x3FB4] =	sst s10  }
0x38: {  	s10 =	sld [smem:$0x3FB5]  }
0x39: {  	_ = 	snop;
	(pc) =	sbr.ind lr, $3  }
0x3a: {  	_ = 	snop  }
0x3b: {  	_ = 	snop  }
0x3c: {  	p2 =	seq.s32 s10, $0x1;
	s10 =	sld [smem:$0x3FB4]  }
0x3d: {  	_ =	shalt  }
0x3e: {  	_ =	shalt  }
0x3f: {  	_ =	shalt  }
0x40: {  	_ =	shalt  }
0x41: {  	_ =	shalt  }
0x42: {  	_ =	shalt  }
0x43: {  	_ =	shalt  }
0x44: {  	_ =	shalt  }
0x45: {  	_ =	shalt  }
0x46: {  	_ =	shalt  }
0x47: {  	_ =	shalt  }
0x48: {  	_ =	shalt  }
0x49: {  	_ =	shalt  }
0x4a: {  	_ =	shalt  }
0x4b: {  	_ =	shalt  }
0x4c: {  	_ =	shalt  }
0x4d: {  	_ =	shalt  }
0x4e: {  	_ =	shalt  }
0x4f: {  	_ =	shalt  }
0x50: {  	_ =	shalt  }
0x51: {  	_ =	shalt  }
0x52: {  	_ =	shalt  }
0x53: {  	_ =	shalt  }
0x54: {  	_ =	shalt  }
0x55: {  	_ =	shalt  }
0x56: {  	_ =	shalt  }
0x57: {  	_ =	shalt  }
0x58: {  	_ =	shalt  }
0x59: {  	_ =	shalt  }
0x5a: {  	_ =	shalt  }
0x5b: {  	_ =	shalt  }
0x5c: {  	_ =	shalt  }
0x5d: {  	_ =	shalt  }
0x5e: {  	_ =	shalt  }
0x5f: {  	_ =	shalt  }
0x60: {  	_ =	shalt  }
0x61: {  	_ =	shalt  }
0x62: {  	_ =	shalt  }
0x63: {  	_ =	shalt  }
0x64: {  	_ =	shalt  }
0x65: {  	_ =	shalt  }
0x66: {  	_ =	shalt  }
0x67: {  	_ =	shalt  }
0x68: {  	_ =	shalt  }
0x69: {  	_ =	shalt  }
0x6a: {  	_ =	shalt  }
0x6b: {  	_ =	shalt  }
0x6c: {  	_ =	shalt  }
0x6d: {  	_ =	shalt  }
0x6e: {  	_ =	shalt  }
0x6f: {  	_ =	shalt  }
0x70: {  	_ =	shalt  }
0x71: {  	_ =	shalt  }
0x72: {  	_ =	shalt  }
0x73: {  	_ =	shalt  }
0x74: {  	_ =	shalt  }
0x75: {  	_ =	shalt  }
0x76: {  	_ =	shalt  }
0x77: {  	_ =	shalt  }
0x78: {  	_ =	shalt  }
0x79: {  	_ =	shalt  }
0x7a: {  	_ =	shalt  }
0x7b: {  	_ =	shalt  }
0x7c: {  	_ =	shalt  }
0x7d: {  	_ =	shalt  }
0x7e: {  	_ =	shalt  }
0x7f: {  	_ =	shalt  }
0x80: {  	_ =	shalt  }
0x81: {  	_ =	shalt  }
0x82: {  	_ =	shalt  }
0x83: {  	_ =	shalt  }
0x84: {  	_ =	shalt  }
0x85: {  	_ =	shalt  }
0x86: {  	_ =	shalt  }
0x87: {  	_ =	shalt  }
.Lfunc_end0:
.L_simem_size_0:
called_computation.3_lowered:
.L_overlay_start_0:
0x88: {  	s2 =	sld [smem:$0x3FD9]  }
0x89: {  	s3 =	sld [smem:$0x3FFE];
	_ =	sdelay $0x1  }
0x8a: {  	s1 =	srdreg.scid  }
0x8b: {  	s0 =	sand.u32 $0x1, s1  }
0x8c: {  	s16 =	sshll.u32 s0, $0xA;
	s2 =	sadd.s32 s3, s2  }
0x8d: {  	s2 =	sadd.s32 s2, s16  }
0x8e: {  	[smem:$0x3FC0] =	sst s2  }
0x8f: {  	_ = 	snop  }
0x90: {  	(tm) =	ssettm $0x1  }
0x91: {  	s17 =	sld [smem:$0x3FFB];
	_ =	sdelay $0x3  }
0x92: {  	_ =	strace s17  }
0x93: {  	s2 =	sld [smem:$0x3FFC];
	_ =	sdelay $0x3  }
0x94: {  	_ =	strace s2  }
0x95: {  	s2 =	sld [smem:$0x3FFD];
	_ =	sdelay $0x3  }
0x96: {  	_ =	strace s2  }
0x97: {  	_ =	strace $0x8FFFFFFF  }
0x98: {  	s18 =	sld [smem:$0x3FDB];
	_ =	sdelay $0x1  }
0x99: {  	s19 =	simm.s32 $_scs_section_size  }
0x9a: {  	s4 =	simm.s32 $_size__tile_overlayer_lowered;
	s5 =	simm.s32 $_tile_overlayer_lowered  }
0x9b: {  	s22 =	simm.s32 $0x1BFF;
	s21 =	sshll.u32 s5, $0x1;
	s2 =	sadd.s32 s19, s18  }
0x9c: {  	s6 =	simm.s32 $0x0;
	s20 =	sshll.u32 s4, $0x1;
	s4 =	sadd.s32 s21, s2  }
0x9d: {  	[timem:s6], [sflag:s22] =	dma.local [hbm:s4], s20  }
0x9e: {  	_ =	swait.ge [sflag:s22], s20  }
0x9f: {  	s3 =	ssub.s32 $0x0, s20;
	[sflag:s22] =	ssyncset.done $0x0  }
0xa0: {  	[sflag:s22] =	ssyncadd.s32 s3;
	_ =	sdelay $0x1  }
0xa1: {  	s23 =	simm.s32 $0x1B8B  }
0xa2: {  	_ =	swait.ge [sflag:s23], $0x1  }
0xa3: {  	[sflag:s23] =	ssyncset.done $0x0  }
0xa4: {  	s25 =	simm.s32 $0x1B8E;
	s24 =	sld [smem:$0x3FFE];
	[sflag:s23] =	ssyncadd.s32 $0xFFFFFFFF  }
0xa5: {  	s26 =	simm.s32 $execute0_lowered;
	[smem:$0x3FD2] =	sst s25  }
0xa6: {  	s4 =	sshll.u32 s26, $0x1;
	_ =	strace $0x8000004F;
	[dreg:$0x1] =	wrdreg $0xFFFFFFFF  }
0xa7: {  	s28 =	simm.s32 $_size_execute0_lowered;
	s2 =	sadd.s32 s2, s4;
	[dreg:$0x0] =	wrdreg $0x0  }
0xa8: {  	s4 =	sshll.u32 s28, $0x1;
	[dreg:$0x2] =	wrdreg s2  }
0xa9: {  	[dreg:$0x3] =	wrdreg s4  }
0xaa: {  	[dreg:$0x4] =	wrdreg $0xC0  }
0xab: {  	_ =	task [dreg:s6], $0x5FFFF  }
0xac: {  	[dreg:$0x1] =	wrdreg $0xFFFFFFFF  }
0xad: {  	[dreg:$0x0] =	wrdreg $0x60  }
0xae: {  	[dreg:$0x2] =	wrdreg s24  }
0xaf: {  	[dreg:$0x3] =	wrdreg $0x0  }
0xb0: {  	[dreg:$0x4] =	wrdreg $0x9  }
0xb1: {  	_ =	task.clear_ibuf [dreg:s6], $0x5FFFF;
	_ =	strace $0x9000004F  }
0xb2: {  	s29 =	simm.s32 $0x9;
	_ =	strace $0x80000051  }
0xb3: {  	_ =	swait.ge [sflag:s29], $0x1  }
0xb4: {  	[sflag:s29] =	ssyncadd.s32 $0xFFFFFFFF  }
0xb5: {  	_ =	strace $0x90000051  }
0xb6: {  	_ =	sfence  }
0xb7: {  	s30 =	sld [smem:$0x0];
	_ =	sdelay $0x2  }
0xb8: {  	s31 =	sshll.u32 s1, $0xD;
	s1 =	sshrl.u32 s1, $0x2  }
0xb9: {  	s3 =	sand.u32 $0x4000, s31;
	s1 =	sadd.s32 s1, s30  }
0xba: {  	s0 =	sor.u32 s3, s0;
	s1 =	sshll.u32 s1, $0x11  }
0xbb: {  	s0 =	sor.u32 s1, s0  }
0xbc: {  	s0 =	sadd.s32 $0x8F2B, s0  }
0xbd: {  	[sflag:s0] =	ssyncadd.remote.s32 $0x1  }
0xbe: {  	_ =	sfence.sel $0xFFFF  }
0xbf: {  	[dreg:$0x0] =	wrdreg $0xFFFFFFFF;
	(pc) =	sbr.abs _section_cstart, $3  }
0xc0: {  	[dreg:$0x1] =	wrdreg $0xFFFFFFFF  }
0xc1: {  	_ =	task.clear_ibuf [dreg:s6], $0x2FFFF;
	_ =	strace $0x9FFFFFFF  }
0xc2: {  	(tm) =	ssettm $0x7FFFFFFF  }
0xc3: {  	_ =	shalt  }
tec
execute0_lowered:
.L_overlay_start_1:
0x0: {  	(tag) =	ssettag $0x1  }
0x1: {  	s0 =	srdreg.scid;
	s5 =	rddreg [dreg:$0x0]  }
0x2: {  	s10 =	stileid.u32;
	s2 =	rddreg [dreg:$0x1];
	s3 =	simm.s32 $0x0  }
0x3: {  	s12 =	simm.s32 $0x9;
	s13 =	simm.s32 $0x2800;
	s14 =	simm.s32 $0x5000  }
0x4: {  	s15 =	simm.s32 $0x80;
	s16 =	simm.s32 $0x7800;
	s18 =	simm.s32 $0x8000  }
0x5: {  	s20 =	simm.s32 $0x8800;
	s22 =	simm.s32 $0x9000;
	s23 =	simm.s32 $0x1  }
0x6: {  	s24 =	simm.s32 $0x2;
	s28 =	simm.s32 $0x5;
	s29 =	simm.s32 $0x4  }
0x7: {  	s30 =	simm.s32 $0x6;
	s31 =	simm.s32 $0x7;
	s17 =	simm.s32 $0x7780  }
0x8: {  	s19 =	simm.s32 $0x0;
	s0 =	sand.u32 $0x1, s0;
	s6 =	smul.u32 $0x2800, s10  }
0x9: {  	[smem:$0x7FF] =	sst s3;
	s4 =	sadd.s32 $0x16000, s5;
	s26 =	sshll.u32 s10, $0x6  }
0xa: {  	s1 =	sshll.u32 s0, $0x4;
	s7 =	smul.u32 $0x28000, s0;
	_ =	strace $0x80000050  }
0xb: {  	s0 =	ssub.s32 $0x2, s0;
	s1 =	sor.u32 s10, s1;
	s8 =	sshrl.u32 s6, $0x3  }
0xc: {  	s25 =	sshrl.u32 s0, $0x1;
	s11 =	sadd.s32 s6, s2;
	s1 =	smul.u32 $0x500, s1  }
0xd: {  	s7 =	sadd.s32 s6, s7;
	s8 =	sadd.s32 s8, s5;
	s0 =	ssub.s32 s0, s25  }
0xe: {  	s6 =	sor.u32 $0x1C09, s26;
	s11 =	sshrl.u32 s11, $0x3;
	s26 =	simm.s32 $0x3  }
0xf: {  	s7 =	sshrl.u32 s7, $0x3;
	s10 =	smax.u32 s0, $0x1;
	s1 =	sadd.s32 s1, s5  }
0x10: {  	s9 =	sadd.s32 s7, s5;
	s5 =	sadd.s32 $0x1B000, s8;
	s7 =	sadd.s32 $0x2000, s1  }
0x11: {  	s8 =	sadd.s32 $0xC000, s1;
	s9 =	sadd.s32 $0x20000, s9;
	s1 =	simm.s32 $0x8  }
.LBB2_1:
0x12: {  	[spmem:s11], [sflag:s6] =	dma.local [hbm:s5], $0x500  }
0x13: {  	_ =	swait.ge [sflag:s12], $0x500  }
0x14: {  	[sflag:s12] =	ssyncset.done $0x0  }
0x15: {  	[sflag:s12] =	ssyncadd.s32 $0xFFFFFB00  }
0x16: {  	[tilespmem:s13], [sflag:$0x9] =	stream.linear.gather [hbm4b:s7+s3], $0x2800, $0x38;
	[tilespmem:$0x9800] =	vst v63  }
0x17: {  	_ =	swait.ge [sflag:s12], $0x2800  }
0x18: {  	[sflag:s12] =	ssyncset.done $0x0  }
0x19: {  	[sflag:s12] =	ssyncadd.s32 $0xFFFFD800  }
0x1a: {  	[tilespmem:s14], [sflag:$0x9] =	stream.linear.gather [hbm4b:s8+s3], $0x2800, $0x38;
	[tilespmem:$0x9800] =	vst v63  }
0x1b: {  	_ =	swait.ge [sflag:s12], $0x2800  }
0x1c: {  	[sflag:s12] =	ssyncset.done $0x0  }
0x1d: {  	[sflag:s12] =	ssyncadd.s32 $0xFFFFD800  }
0x1e: {  	[bflag:$0x0] =	sbarrier.arrive $0xFFFF  }
0x1f: {  	[tilespmem:s16], [sflag:$0x1] =	stream.indirect.gather [hbm4b:s4+s15], $0x10, s13, s15, $0xb8;
	[tilespmem:$0x9800] =	vst v63  }
0x20: {  	s0 =	simm.s32 $0x2880  }
0x21: {  	[tilespmem:s18], [sflag:$0x2] =	stream.indirect.gather [hbm4b:s4+s15], $0x10, s0, s15, $0xb8;
	[tilespmem:$0x9800] =	vst v63  }
0x22: {  	s25 =	simm.s32 $0x2900  }
0x23: {  	[tilespmem:s20], [sflag:$0x3] =	stream.indirect.gather [hbm4b:s4+s15], $0x10, s25, s15, $0xb8;
	[tilespmem:$0x9800] =	vst v63  }
0x24: {  	s21 =	simm.s32 $0x2980  }
0x25: {  	[tilespmem:s22], [sflag:$0x4] =	stream.indirect.gather [hbm4b:s4+s15], $0x10, s21, s15, $0xb8;
	[tilespmem:$0x9800] =	vst v63  }
0x26: {  	_ =	swait.ge [sflag:s23], $0x800  }
0x27: {  	[sflag:s23] =	ssyncset.done $0x0  }
0x28: {  	[sflag:s23] =	ssyncadd.s32 $0xFFFFF800  }
0x29: {  	[spmem:s2] =	stream.indirect.scatter.add.f32 [tilespmem:s16], [sflag:$0x5], $0x10, s14, s15, $0xb8;
	[tilespmem:$0x9800] =	vst v63  }
0x2a: {  	_ =	swait.ge [sflag:s24], $0x800  }
0x2b: {  	[sflag:s24] =	ssyncset.done $0x0  }
0x2c: {  	s25 =	simm.s32 $0x5080;
	[sflag:s24] =	ssyncadd.s32 $0xFFFFF800  }
0x2d: {  	[spmem:s2] =	stream.indirect.scatter.add.f32 [tilespmem:s18], [sflag:$0x6], $0x10, s25, s15, $0xb8;
	[tilespmem:$0x9800] =	vst v63  }
0x2e: {  	_ =	swait.ge [sflag:s26], $0x800  }
0x2f: {  	[sflag:s26] =	ssyncset.done $0x0  }
0x30: {  	s21 =	simm.s32 $0x5100;
	[sflag:s26] =	ssyncadd.s32 $0xFFFFF800  }
0x31: {  	[spmem:s2] =	stream.indirect.scatter.add.f32 [tilespmem:s20], [sflag:$0x7], $0x10, s21, s15, $0xb8;
	[tilespmem:$0x9800] =	vst v63  }
0x32: {  	_ =	swait.ge [sflag:s28], $0x800  }
0x33: {  	[sflag:s28] =	ssyncset.done $0x0  }
0x34: {  	s0 =	simm.s32 $0x2A00;
	[sflag:s28] =	ssyncadd.s32 $0xFFFFF800  }
0x35: {  	[tilespmem:s16], [sflag:$0x1] =	stream.indirect.gather [hbm4b:s4+s15], $0x10, s0, s15, $0xb8;
	[tilespmem:$0x9800] =	vst v63  }
0x36: {  	_ =	swait.ge [sflag:s29], $0x800  }
0x37: {  	[sflag:s29] =	ssyncset.done $0x0  }
0x38: {  	s25 =	simm.s32 $0x5180;
	[sflag:s29] =	ssyncadd.s32 $0xFFFFF800  }
0x39: {  	[spmem:s2] =	stream.indirect.scatter.add.f32 [tilespmem:s22], [sflag:$0x8], $0x10, s25, s15, $0xb8;
	[tilespmem:$0x9800] =	vst v63  }
0x3a: {  	_ =	swait.ge [sflag:s30], $0x800  }
0x3b: {  	[sflag:s30] =	ssyncset.done $0x0  }
0x3c: {  	s0 =	simm.s32 $0x2A80;
	[sflag:s30] =	ssyncadd.s32 $0xFFFFF800  }
0x3d: {  	[tilespmem:s18], [sflag:$0x2] =	stream.indirect.gather [hbm4b:s4+s15], $0x10, s0, s15, $0xb8;
	[tilespmem:$0x9800] =	vst v63  }
0x3e: {  	_ =	swait.ge [sflag:s23], $0x800  }
0x3f: {  	[sflag:s23] =	ssyncset.done $0x0  }
0x40: {  	s25 =	simm.s32 $0x5200;
	[sflag:s23] =	ssyncadd.s32 $0xFFFFF800  }
0x41: {  	[spmem:s2] =	stream.indirect.scatter.add.f32 [tilespmem:s16], [sflag:$0x5], $0x10, s25, s15, $0xb8;
	[tilespmem:$0x9800] =	vst v63  }
0x42: {  	_ =	swait.ge [sflag:s31], $0x800  }
0x43: {  	[sflag:s31] =	ssyncset.done $0x0  }
0x44: {  	s0 =	simm.s32 $0x2B00;
	[sflag:s31] =	ssyncadd.s32 $0xFFFFF800  }
0x45: {  	[tilespmem:s20], [sflag:$0x3] =	stream.indirect.gather [hbm4b:s4+s15], $0x10, s0, s15, $0xb8;
	[tilespmem:$0x9800] =	vst v63  }
0x46: {  	_ =	swait.ge [sflag:s24], $0x800  }
0x47: {  	[sflag:s24] =	ssyncset.done $0x0  }
0x48: {  	s25 =	simm.s32 $0x5280;
	[sflag:s24] =	ssyncadd.s32 $0xFFFFF800  }
0x49: {  	[spmem:s2] =	stream.indirect.scatter.add.f32 [tilespmem:s18], [sflag:$0x6], $0x10, s25, s15, $0xb8;
	[tilespmem:$0x9800] =	vst v63  }
0x4a: {  	_ =	swait.ge [sflag:s1], $0x800  }
0x4b: {  	[sflag:s1] =	ssyncset.done $0x0  }
0x4c: {  	s21 =	simm.s32 $0x800;
	s25 =	simm.s32 $0x2B80;
	[sflag:s1] =	ssyncadd.s32 $0xFFFFF800  }
.LBB2_2:
0x4d: {  	[tilespmem:s22], [sflag:$0x4] =	stream.indirect.gather [hbm4b:s4+s15], $0x10, s25, s15, $0xb8;
	[tilespmem:$0x9800] =	vst v63  }
0x4e: {  	s25 =	smov.u32 s21  }
0x4f: {  	p0 =	sne.s32 s21, $0x9000;
	s21 =	sadd.s32 $0x800, s21;
	_ =	swait.ge [sflag:s26], $0x800  }
0x50: {  	s25 =	sshra.s32 s25, $0x2;
	[sflag:s26] =	ssyncset.done $0x0  }
0x51: {  	s0 =	sadd.s32 $0x5100, s25;
	[sflag:s26] =	ssyncadd.s32 $0xFFFFF800  }
0x52: {  	[spmem:s2] =	stream.indirect.scatter.add.f32 [tilespmem:s20], [sflag:$0x7], $0x10, s0, s15, $0xb8;
	[tilespmem:$0x9800] =	vst v63  }
0x53: {  	_ =	swait.ge [sflag:s28], $0x800  }
0x54: {  	[sflag:s28] =	ssyncset.done $0x0  }
0x55: {  	s0 =	sadd.s32 $0x2A00, s25;
	[sflag:s28] =	ssyncadd.s32 $0xFFFFF800  }
0x56: {  	[tilespmem:s16], [sflag:$0x1] =	stream.indirect.gather [hbm4b:s4+s15], $0x10, s0, s15, $0xb8;
	[tilespmem:$0x9800] =	vst v63  }
0x57: {  	_ =	swait.ge [sflag:s29], $0x800  }
0x58: {  	[sflag:s29] =	ssyncset.done $0x0  }
0x59: {  	s0 =	sadd.s32 $0x5180, s25;
	[sflag:s29] =	ssyncadd.s32 $0xFFFFF800  }
0x5a: {  	[spmem:s2] =	stream.indirect.scatter.add.f32 [tilespmem:s22], [sflag:$0x8], $0x10, s0, s15, $0xb8;
	[tilespmem:$0x9800] =	vst v63  }
0x5b: {  	_ =	swait.ge [sflag:s30], $0x800  }
0x5c: {  	[sflag:s30] =	ssyncset.done $0x0  }
0x5d: {  	s0 =	sadd.s32 $0x2A80, s25;
	[sflag:s30] =	ssyncadd.s32 $0xFFFFF800  }
0x5e: {  	[tilespmem:s18], [sflag:$0x2] =	stream.indirect.gather [hbm4b:s4+s15], $0x10, s0, s15, $0xb8;
	[tilespmem:$0x9800] =	vst v63  }
0x5f: {  	_ =	swait.ge [sflag:s23], $0x800  }
0x60: {  	[sflag:s23] =	ssyncset.done $0x0  }
0x61: {  	s0 =	sadd.s32 $0x5200, s25;
	[sflag:s23] =	ssyncadd.s32 $0xFFFFF800  }
0x62: {  	[spmem:s2] =	stream.indirect.scatter.add.f32 [tilespmem:s16], [sflag:$0x5], $0x10, s0, s15, $0xb8;
	[tilespmem:$0x9800] =	vst v63  }
0x63: {  	_ =	swait.ge [sflag:s31], $0x800  }
0x64: {  	[sflag:s31] =	ssyncset.done $0x0  }
0x65: {  	s0 =	sadd.s32 $0x2B00, s25;
	[sflag:s31] =	ssyncadd.s32 $0xFFFFF800  }
0x66: {  	[tilespmem:s20], [sflag:$0x3] =	stream.indirect.gather [hbm4b:s4+s15], $0x10, s0, s15, $0xb8;
	[tilespmem:$0x9800] =	vst v63  }
0x67: {  	_ =	swait.ge [sflag:s24], $0x800  }
0x68: {  	[sflag:s24] =	ssyncset.done $0x0  }
.Ltmp0:
0x69: {  	s0 =	sadd.s32 $0x5280, s25;
	[sflag:s24] =	ssyncadd.s32 $0xFFFFF800;
	(pc) =	sbr.rel @p0 .LBB2_2-.Ltmp0, $4  }
0x6a: {  	[spmem:s2] =	stream.indirect.scatter.add.f32 [tilespmem:s18], [sflag:$0x6], $0x10, s0, s15, $0xb8;
	[tilespmem:$0x9800] =	vst v63  }
0x6b: {  	_ =	swait.ge [sflag:s1], $0x800  }
0x6c: {  	[sflag:s1] =	ssyncset.done $0x0  }
0x6d: {  	s25 =	sadd.s32 $0x2B80, s25;
	[sflag:s1] =	ssyncadd.s32 $0xFFFFF800  }
0x6e: {  	[tilespmem:s22], [sflag:$0x4] =	stream.indirect.gather [hbm4b:s4+s15], $0x10, s25, s15, $0xb8;
	[tilespmem:$0x9800] =	vst v63  }
0x6f: {  	_ =	swait.ge [sflag:s26], $0x800  }
0x70: {  	[sflag:s26] =	ssyncset.done $0x0  }
0x71: {  	s0 =	simm.s32 $0x7700;
	[sflag:s26] =	ssyncadd.s32 $0xFFFFF800  }
0x72: {  	[spmem:s2] =	stream.indirect.scatter.add.f32 [tilespmem:s20], [sflag:$0x7], $0x10, s0, s15, $0xb8;
	[tilespmem:$0x9800] =	vst v63  }
0x73: {  	_ =	swait.ge [sflag:s29], $0x800  }
0x74: {  	[sflag:s29] =	ssyncset.done $0x0  }
0x75: {  	[sflag:s29] =	ssyncadd.s32 $0xFFFFF800  }
0x76: {  	[spmem:s2] =	stream.indirect.scatter.add.f32 [tilespmem:s22], [sflag:$0x8], $0x10, s17, s15, $0xb8;
	[tilespmem:$0x9800] =	vst v63  }
0x77: {  	_ =	swait.ge [sflag:s28], $0x800  }
0x78: {  	[sflag:s28] =	ssyncset.done $0x0  }
0x79: {  	[sflag:s28] =	ssyncadd.s32 $0xFFFFF800  }
0x7a: {  	_ =	swait.ge [sflag:s30], $0x800  }
0x7b: {  	[sflag:s30] =	ssyncset.done $0x0  }
0x7c: {  	[sflag:s30] =	ssyncadd.s32 $0xFFFFF800  }
0x7d: {  	_ =	swait.ge [sflag:s31], $0x800  }
0x7e: {  	[sflag:s31] =	ssyncset.done $0x0  }
0x7f: {  	[sflag:s31] =	ssyncadd.s32 $0xFFFFF800  }
0x80: {  	_ =	swait.ge [sflag:s1], $0x800  }
0x81: {  	s19 =	sadd.s32 $0x1, s19;
	[sflag:s1] =	ssyncset.done $0x0  }
0x82: {  	p0 =	sne.s32 s19, s10;
	[sflag:s1] =	ssyncadd.s32 $0xFFFFF800  }
.Ltmp1:
0x83: {  	[bflag:$0x0] =	sbarrier.arrive $0xFFFF;
	(pc) =	sbr.rel @p0 .LBB2_1-.Ltmp1, $4  }
0x84: {  	[hbm:s9], [sflag:s6] =	dma.local [spmem:s11], $0x500  }
0x85: {  	_ =	swait.ge [sflag:s12], $0x500  }
0x86: {  	[sflag:s12] =	ssyncset.done $0x0  }
0x87: {  	[sflag:s12] =	ssyncadd.s32 $0xFFFFFB00  }
0x88: {  	_ =	sfence.sel $0x180000  }
0x89: {  	[bflag:$0x0] =	sbarrier.arrive $0xFFFF  }
0x8a: {  	_ =	strace $0x90000050  }
0x8b: {  	s0 =	stileid.u32;
	[bflag:$0x2] =	sbarrier.arrive $0xFFFF  }
0x8c: {  	p0 =	sne.s32 s0, $0x0;
	s0 =	rddreg [dreg:$0x2]  }
0x8d: {  	s0 =	sadd.s32 @!p0 $0x100000, s0  }
0x8e: {  	[sflag:s0] =	ssyncadd.tile.s32 @!p0 $0x1;
	_ =	shalt  }
.Lfunc_end2:
_tile_overlayer_lowered:
.L_overlay_start_2:
0x8f: {  	(tag) =	ssettag $0x2  }
0x90: {  	s0 =	rddreg [dreg:$0x0];
	s2 =	stileid.u32  }
0x91: {  	s1 =	rddreg [dreg:$0x1];
	p0 =	sne.s32 s2, $0x0  }
0x92: {  	s3 =	rddreg [dreg:$0x2];
	[bflag:$0x3] =	sbarrier.arrive $0xFFFF;
	s2 =	simm.s32 @!p0 $0x1C09  }
0x93: {  	[timem:s3], [sflag:s2] =	dma.local @!p0 [hbm:s0], s1  }
0x94: {  	s0 =	simm.s32 @!p0 $0x9  }
0x95: {  	_ =	swait.ge @!p0 [sflag:s0], s1  }
0x96: {  	s1 =	ssub.s32 @!p0 $0x0, s1;
	[sflag:s0] =	ssyncset.done @!p0 $0x0  }
0x97: {  	[sflag:s0] =	ssyncadd.s32 @!p0 s1  }
0x98: {  	[bflag:$0x3] =	sbarrier.arrive $0xFFFF  }
0x99: {  	_ =	shalt  }

</sc_bundles>
